<compile_context>
chip_gen: v7x
topology: tpu7x:2x2x1
jax: 0.10.2.dev20260603
libtpu: 0.0.44.dev20260713+nightly
codegen_flags: <defaults>
</compile_context>

<pallas_src>
import dataclasses
import functools

import jax
import jax.numpy as jnp
from jax import lax
from jax.experimental import pallas as pl
from jax.experimental.pallas import tpu as pltpu
from jax.experimental.pallas import tpu_sc as plsc

_N = 10000
_E = 320000
_D = 128
_G = 64

_NC = 2
_NS = 16
_NW = _NC * _NS
_EPW = _E // _NW
_CH = 80
_M = _EPW // _CH
_RSTRIDE = 624
_RWIN = 640
_ZR = 16
_L = 16

_F32 = jnp.float32


def _make_sc_msgpass(with_cnt):
  mesh = plsc.VectorSubcoreMesh(core_axis_name="c", subcore_axis_name="s")
  out_type = [jax.ShapeDtypeStruct((_NC, _N, _D), _F32)]
  scratch = [
      pltpu.VMEM_SHARED((_N, _D), _F32),
      pltpu.VMEM((_ZR, _D), _F32),
  ]
  for _ in range(3):
    scratch += [
        pltpu.VMEM((_CH,), jnp.int32),
        pltpu.VMEM((_CH,), jnp.int32),
        pltpu.VMEM((_CH, _D), _F32),
        pltpu.SemaphoreType.DMA,
        pltpu.SemaphoreType.DMA,
        pltpu.SemaphoreType.DMA,
    ]
  if with_cnt:
    out_type.append(jax.ShapeDtypeStruct((_NC, _NS, _N), _F32))
    scratch.append(pltpu.VMEM((_N,), _F32))
  cp = pltpu.CompilerParams()
  if "needs_layout_passes" in pltpu.CompilerParams.__dataclass_fields__:
    cp = dataclasses.replace(cp, needs_layout_passes=False)

  def body(x_hbm, edge_hbm, *rest):
    if with_cnt:
      (agg_hbm, cnt_hbm, agg_sh, zbuf, *ring, hist) = rest
    else:
      (agg_hbm, agg_sh, zbuf, *ring) = rest
    bufs = (tuple(ring[0:6]), tuple(ring[6:12]), tuple(ring[12:18]))
    c = lax.axis_index("c")
    s = lax.axis_index("s")

    @pl.loop(0, _ZR)
    def _(i):
      @pl.loop(0, _D // _L)
      def _(j):
        zbuf.at[i, pl.ds(j * _L, _L)][...] = jnp.zeros((_L,), _F32)

    if with_cnt:
      @pl.loop(0, _N // _L)
      def _(i):
        hist.at[pl.ds(i * _L, _L)][...] = jnp.zeros((_L,), _F32)

    rbase = s * _RSTRIDE

    @pl.loop(0, _RWIN // _ZR)
    def _(k):
      pltpu.sync_copy(zbuf, agg_sh.at[pl.ds(rbase + k * _ZR, _ZR)])

    plsc.subcore_barrier()

    wid = c * _NS + s
    ebase = wid * _EPW

    def i_start(ch, b):
      src_v, dst_v, _, isem, _, _ = bufs[b]
      off = ebase + ch * _CH
      pltpu.async_copy(edge_hbm.at[pl.ds(off, _CH)], src_v, isem)
      pltpu.async_copy(edge_hbm.at[pl.ds(_E + off, _CH)], dst_v, isem)

    def i_wait(ch, b):
      src_v, dst_v, _, isem, _, _ = bufs[b]
      off = ebase + ch * _CH
      pltpu.make_async_copy(edge_hbm.at[pl.ds(off, _CH)], src_v,
                            isem).wait()
      pltpu.make_async_copy(edge_hbm.at[pl.ds(_E + off, _CH)], dst_v,
                            isem).wait()

    def g_start(b):
      src_v, _, rows, _, gsem, _ = bufs[b]
      pltpu.async_copy(x_hbm.at[src_v], rows, gsem)

    def g_wait(b):
      src_v, _, rows, _, gsem, _ = bufs[b]
      pltpu.make_async_copy(x_hbm.at[src_v], rows, gsem).wait()

    def s_start(b):
      _, dst_v, rows, _, _, ssem = bufs[b]
      pltpu.async_copy(rows, agg_sh.at[dst_v], ssem,
                       add=True)
      if with_cnt:
        @pl.loop(0, _CH // _L)
        def _(k):
          ii = dst_v.at[pl.ds(k * _L, _L)][...]
          plsc.addupdate_scatter(hist, [ii], jnp.ones((_L,), _F32))

    def s_wait(b):
      _, dst_v, rows, _, _, ssem = bufs[b]
      pltpu.make_async_copy(rows, agg_sh.at[dst_v], ssem).wait()

    i_start(0, 0)
    i_start(1, 1)
    i_wait(0, 0)
    g_start(0)
    i_start(2, 2)
    i_wait(1, 1)
    g_start(1)
    g_wait(0)
    s_start(0)

    @pl.loop(0, (_M - 5) // 3)
    def _(jj):
      c0 = 3 * jj
      s_wait(0)
      i_start(c0 + 3, 0)
      i_wait(c0 + 2, 2)
      g_start(2)
      g_wait(1)
      s_start(1)

      s_wait(1)
      i_start(c0 + 4, 1)
      i_wait(c0 + 3, 0)
      g_start(0)
      g_wait(2)
      s_start(2)

      s_wait(2)
      i_start(c0 + 5, 2)
      i_wait(c0 + 4, 1)
      g_start(1)
      g_wait(0)
      s_start(0)

    s_wait(0)
    i_start(_M - 2, 0)
    i_wait(_M - 3, 2)
    g_start(2)
    g_wait(1)
    s_start(1)

    s_wait(1)
    i_start(_M - 1, 1)
    i_wait(_M - 2, 0)
    g_start(0)
    g_wait(2)
    s_start(2)

    s_wait(2)
    i_wait(_M - 1, 1)
    g_start(1)
    g_wait(0)
    s_start(0)

    g_wait(1)
    s_start(1)

    s_wait(0)
    s_wait(1)

    plsc.subcore_barrier()

    pltpu.sync_copy(agg_sh.at[pl.ds(rbase, _RWIN)],
                    agg_hbm.at[c, pl.ds(rbase, _RWIN)])
    if with_cnt:
      pltpu.sync_copy(hist, cnt_hbm.at[c, s])

  kern = pl.kernel(body, out_type=tuple(out_type), mesh=mesh,
                   scratch_types=scratch, compiler_params=cp)

  return kern


_sc_layer1 = _make_sc_msgpass(True)
_sc_layer2 = _make_sc_msgpass(False)

_HI = lax.Precision.HIGHEST
_R = 2000
_NB = _N // _R


def _cnt_col(cnt_ref, i):
  del i
  cnt = cnt_ref[:, 0, 0, :]
  return lax.dot_general(cnt, jnp.ones((_NW, 1), _F32),
                         (((0,), (0,)), ((), ())),
                         precision=_HI, preferred_element_type=_F32)


def _root_body(x_ref, w_ref, b_ref, out_ref):
  out_ref[...] = (jnp.dot(x_ref[...], w_ref[...], precision=_HI,
                          preferred_element_type=_F32) + b_ref[...])


def _tc1_body(agg_ref, cnt_ref, xr_ref, w1l_ref, h_ref):
  cnt = _cnt_col(cnt_ref, pl.program_id(0))
  mean = (agg_ref[0] + agg_ref[1]) / jnp.maximum(cnt, 1.0)
  h = (jnp.dot(mean, w1l_ref[...], precision=_HI, preferred_element_type=_F32)
       + xr_ref[...])
  h_ref[...] = jnp.maximum(h, 0.0)


def _tc2_body(agg_ref, cnt_ref, hr_ref, w2l_ref, batch_ref,
              pooled_ref, h2_ref, cg_ref):
  i = pl.program_id(0)
  cnt = _cnt_col(cnt_ref, i)
  mean = (agg_ref[0] + agg_ref[1]) / jnp.maximum(cnt, 1.0)
  h2 = (jnp.dot(mean, w2l_ref[...], precision=_HI, preferred_element_type=_F32)
        + hr_ref[...])
  h2_ref[...] = h2
  sel = (lax.broadcasted_iota(jnp.int32, (_G, _R), 0)
         == batch_ref[0]).astype(_F32)
  psum = jnp.dot(sel, h2, precision=_HI, preferred_element_type=_F32)
  cg = jnp.sum(sel, axis=1, keepdims=True)

  @pl.when(i == 0)
  def _():
    pooled_ref[...] = jnp.zeros_like(pooled_ref)
    cg_ref[...] = jnp.zeros_like(cg_ref)

  pooled_ref[...] += psum
  cg_ref[...] += cg

  @pl.when(i == _NB - 1)
  def _():
    pooled_ref[...] = pooled_ref[...] / jnp.maximum(cg_ref[...], 1.0)


_w_spec = pl.BlockSpec((_D, _D), lambda i: (0, 0))
_b_spec = pl.BlockSpec((1, _D), lambda i: (0, 0))
_agg_spec = pl.BlockSpec((_NC, _R, _D), lambda i: (0, i, 0))
_cnt_spec = pl.BlockSpec((_NW, 1, 1, _R), lambda i: (0, i, 0, 0))
_row_spec = pl.BlockSpec((_R, _D), lambda i: (i, 0))


def _root_mm(x, W, b):
  return pl.pallas_call(
      _root_body,
      grid=(_NB,),
      in_specs=[_row_spec, _w_spec, _b_spec],
      out_specs=_row_spec,
      out_shape=jax.ShapeDtypeStruct((_N, _D), _F32),
  )(x, W, b.reshape(1, _D))


def kernel(x, edge_index, batch, W1l, b1l, W1r, W2l, b2l, W2r):
  edge_flat = edge_index.reshape(2 * _E)
  agg1, cnt = _sc_layer1(x, edge_flat)
  xr = _root_mm(x, W1r, b1l)
  h = pl.pallas_call(
      _tc1_body,
      grid=(_NB,),
      in_specs=[_agg_spec, _cnt_spec, _row_spec, _w_spec],
      out_specs=_row_spec,
      out_shape=jax.ShapeDtypeStruct((_N, _D), _F32),
  )(agg1, cnt.reshape(_NW, _NB, 1, _R), xr, W1l)
  (agg2,) = _sc_layer2(h, edge_flat)
  hr = _root_mm(h, W2r, b2l)
  pooled, h2 = pl.pallas_call(
      _tc2_body,
      grid=(_NB,),
      in_specs=[_agg_spec, _cnt_spec, _row_spec, _w_spec,
                pl.BlockSpec((1, 1, _R), lambda i: (i, 0, 0))],
      out_specs=(pl.BlockSpec((_G, _D), lambda i: (0, 0)), _row_spec),
      out_shape=(jax.ShapeDtypeStruct((_G, _D), _F32),
                 jax.ShapeDtypeStruct((_N, _D), _F32)),
      scratch_shapes=[pltpu.VMEM((_G, 1), _F32)],
  )(agg2, cnt.reshape(_NW, _NB, 1, _R), hr, W2l, batch.reshape(_NB, 1, _R))
  return (pooled, h2)

# --- scband reference (transcript-rebuilt; emitter-appended) ---
"""Pipeline reference for scband-graph-sage-44925357916337 (READ-ONLY COPY).

The authoritative reference and input builder live on the scoring server;
editing this copy changes nothing except your own understanding.
"""

import jax, jax.numpy as jnp
import numpy as np

N = 10000
E = 320000
D_IN = 128
D_HID = 128
D_OUT = 128
G = 64  # number of graphs in the batch


def _glorot(key, shape):
    fan_in, fan_out = shape[0], shape[1]
    limit = np.sqrt(6.0 / (fan_in + fan_out))
    return jax.random.uniform(key, shape, dtype=jnp.float32, minval=-limit, maxval=limit)


def setup_inputs(seed: int = 0) -> dict:
    key = jax.random.key(seed)
    ks = jax.random.split(key, 10)
    x = jax.random.normal(ks[0], (N, D_IN), dtype=jnp.float32)
    edge_index = jax.random.randint(ks[1], (2, E), 0, N, dtype=jnp.int32)
    batch = jnp.sort(jax.random.randint(ks[2], (N,), 0, G, dtype=jnp.int32))
    # SAGEConv params: lin_l (applied to aggregated neighbors, has bias), lin_r (applied to root, no bias)
    W1l = _glorot(ks[3], (D_IN, D_HID))
    b1l = jnp.zeros((D_HID,), dtype=jnp.float32)
    W1r = _glorot(ks[4], (D_IN, D_HID))
    W2l = _glorot(ks[5], (D_HID, D_OUT))
    b2l = jnp.zeros((D_OUT,), dtype=jnp.float32)
    W2r = _glorot(ks[6], (D_HID, D_OUT))
    return {"x": x, "edge_index": edge_index, "batch": batch,
            "W1l": W1l, "b1l": b1l, "W1r": W1r,
            "W2l": W2l, "b2l": b2l, "W2r": W2r}


def _sage_conv(x, src, dst, Wl, bl, Wr):
    # message = x[src]; mean-aggregate at dst; out = lin_l(mean) + lin_r(x)
    msg = jnp.take(x, src, axis=0)
    agg = jax.ops.segment_sum(msg, dst, num_segments=N)
    cnt = jax.ops.segment_sum(jnp.ones((src.shape[0],), dtype=x.dtype), dst, num_segments=N)
    mean = agg / jnp.clip(cnt, 1.0, None)[:, None]
    return mean @ Wl + bl + x @ Wr


def reference(x, edge_index, batch, W1l, b1l, W1r, W2l, b2l, W2r):
    src = edge_index[0]
    dst = edge_index[1]
    h = _sage_conv(x, src, dst, W1l, b1l, W1r)
    h = jax.nn.relu(h)
    # dropout p=0.5 is identity in eval mode (reference uses eval semantics)
    h = _sage_conv(h, src, dst, W2l, b2l, W2r)
    # global_mean_pool over batch assignment
    pooled_sum = jax.ops.segment_sum(h, batch, num_segments=G)
    counts = jax.ops.segment_sum(jnp.ones((N,), dtype=h.dtype), batch, num_segments=G)
    pooled = pooled_sum / jnp.clip(counts, 1.0, None)[:, None]
    return (pooled, h)

if __name__ == "__main__":
    import jax
    _d = setup_inputs()
    print(jax.jit(kernel)(*tuple(_d.values())))

</pallas_src>

<mosaic_0001>
#map = affine_map<(d0, d1) -> (0, 0)>
#map1 = affine_map<(d0, d1) -> (0)>
#map2 = affine_map<(d0, d1) -> (0, 0, 0)>
module attributes {stable_mosaic.version = 14 : i64} {
  func.func @body(%arg0: i32, %arg1: i32, %arg2: memref<10000x128xf32, #tpu.memory_space<hbm>>, %arg3: memref<640000xi32, #tpu.memory_space<hbm>>, %arg4: memref<2x10000x128xf32, #tpu.memory_space<hbm>>, %arg5: memref<2x16x10000xf32, #tpu.memory_space<hbm>>, %arg6: memref<10000x128xf32, #tpu.memory_space<vmem_shared>>, %arg7: memref<16x128xf32, #tpu.memory_space<vmem>>, %arg8: memref<80xi32, #tpu.memory_space<vmem>>, %arg9: memref<80xi32, #tpu.memory_space<vmem>>, %arg10: memref<80x128xf32, #tpu.memory_space<vmem>>, %arg11: memref<!tpu.dma_semaphore, #tpu.memory_space<semaphore_mem>>, %arg12: memref<!tpu.dma_semaphore, #tpu.memory_space<semaphore_mem>>, %arg13: memref<!tpu.dma_semaphore, #tpu.memory_space<semaphore_mem>>, %arg14: memref<80xi32, #tpu.memory_space<vmem>>, %arg15: memref<80xi32, #tpu.memory_space<vmem>>, %arg16: memref<80x128xf32, #tpu.memory_space<vmem>>, %arg17: memref<!tpu.dma_semaphore, #tpu.memory_space<semaphore_mem>>, %arg18: memref<!tpu.dma_semaphore, #tpu.memory_space<semaphore_mem>>, %arg19: memref<!tpu.dma_semaphore, #tpu.memory_space<semaphore_mem>>, %arg20: memref<80xi32, #tpu.memory_space<vmem>>, %arg21: memref<80xi32, #tpu.memory_space<vmem>>, %arg22: memref<80x128xf32, #tpu.memory_space<vmem>>, %arg23: memref<!tpu.dma_semaphore, #tpu.memory_space<semaphore_mem>>, %arg24: memref<!tpu.dma_semaphore, #tpu.memory_space<semaphore_mem>>, %arg25: memref<!tpu.dma_semaphore, #tpu.memory_space<semaphore_mem>>, %arg26: memref<10000xf32, #tpu.memory_space<vmem>>) attributes {dimension_semantics = [#tpu.dimension_semantics<core_parallel>, #tpu.dimension_semantics<subcore_parallel>], iteration_bounds = array<i64: 2, 16>, scalar_prefetch = 0 : i64, scratch_operands = 21 : i64, tpu.core_type = #tpu.core_type<sc_vector_subcore>, window_params = [{transform_indices = #map}, {transform_indices = #map1}, {transform_indices = #map2}, {transform_indices = #map2}]} {
    %scan3A = arith.constant 0 : i32
    %scan3A_0 = arith.constant 16 : i32
    %scan3A_1 = arith.addi %scan3A, %scan3A_0 : i32
    %scan3A_2 = arith.constant 1 : i32
    scf.for %scan3A_188 = %scan3A to %scan3A_1 step %scan3A_2  : i32 {
      %mul3A_189 = arith.constant 1 : i32
      %mul3A_190 = arith.muli %scan3A_188, %mul3A_189 : i32
      %add3A_191 = arith.constant 0 : i32
      %add3A_192 = arith.addi %add3A_191, %mul3A_190 : i32
      %scan3A_193 = arith.constant 0 : i32
      %scan3A_194 = arith.constant 8 : i32
      %scan3A_195 = arith.addi %scan3A_193, %scan3A_194 : i32
      %scan3A_196 = arith.constant 1 : i32
      scf.for %scan3A_198 = %scan3A_193 to %scan3A_195 step %scan3A_196  : i32 {
        %mul3A_199 = arith.constant 1 : i32
        %mul3A_200 = arith.muli %scan3A_198, %mul3A_199 : i32
        %add3A_201 = arith.constant 0 : i32
        %add3A_202 = arith.addi %add3A_201, %mul3A_200 : i32
        %broadcast_in_dim3A = arith.constant 0.000000e+00 : f32
        %broadcast_in_dim3A_203 = vector.broadcast %broadcast_in_dim3A : f32 to vector<16xf32>
        %mul3A_204 = arith.constant 16 : i32
        %mul3A_205 = arith.muli %add3A_202, %mul3A_204 : i32
        %swap3A = arith.index_cast %add3A_192 : i32 to index
        %swap3A_206 = arith.index_cast %mul3A_205 : i32 to index
        %swap3A_207 = tpu.vector_load %arg7[%swap3A, %swap3A_206] {strides = array<i32>} : memref<16x128xf32, #tpu.memory_space<vmem>>, vector<16xf32>,
        tpu.vector_store %arg7[%swap3A, %swap3A_206], %broadcast_in_dim3A_203 {strides = array<i32>} : memref<16x128xf32, #tpu.memory_space<vmem>>, vector<16xf32>,
      }
      %scan3A_197 = arith.constant 8 : i32
    }
    %scan3A_3 = arith.constant 16 : i32
    %scan3A_4 = arith.constant 0 : i32
    %scan3A_5 = arith.constant 625 : i32
    %scan3A_6 = arith.addi %scan3A_4, %scan3A_5 : i32
    %scan3A_7 = arith.constant 1 : i32
    scf.for %scan3A_188 = %scan3A_4 to %scan3A_6 step %scan3A_7  : i32 {
      %mul3A_189 = arith.constant 1 : i32
      %mul3A_190 = arith.muli %scan3A_188, %mul3A_189 : i32
      %add3A_191 = arith.constant 0 : i32
      %add3A_192 = arith.addi %add3A_191, %mul3A_190 : i32
      %broadcast_in_dim3A = arith.constant 0.000000e+00 : f32
      %broadcast_in_dim3A_193 = vector.broadcast %broadcast_in_dim3A : f32 to vector<16xf32>
      %mul3A_194 = arith.constant 16 : i32
      %mul3A_195 = arith.muli %add3A_192, %mul3A_194 : i32
      %swap3A = arith.index_cast %mul3A_195 : i32 to index
      %swap3A_196 = tpu.vector_load %arg26[%swap3A] {strides = array<i32>} : memref<10000xf32, #tpu.memory_space<vmem>>, vector<16xf32>,
      tpu.vector_store %arg26[%swap3A], %broadcast_in_dim3A_193 {strides = array<i32>} : memref<10000xf32, #tpu.memory_space<vmem>>, vector<16xf32>,
    }
    %scan3A_8 = arith.constant 625 : i32
    %mul3A = arith.constant 624 : i32
    %mul3A_9 = arith.muli %arg1, %mul3A : i32
    %scan3A_10 = arith.constant 0 : i32
    %scan3A_11 = arith.constant 40 : i32
    %scan3A_12 = arith.addi %scan3A_10, %scan3A_11 : i32
    %scan3A_13 = arith.constant 1 : i32
    scf.for %scan3A_188 = %scan3A_10 to %scan3A_12 step %scan3A_13  : i32 {
      %mul3A_189 = arith.constant 1 : i32
      %mul3A_190 = arith.muli %scan3A_188, %mul3A_189 : i32
      %add3A_191 = arith.constant 0 : i32
      %add3A_192 = arith.addi %add3A_191, %mul3A_190 : i32
      %mul3A_193 = arith.constant 16 : i32
      %mul3A_194 = arith.muli %add3A_192, %mul3A_193 : i32
      %add3A_195 = arith.addi %mul3A_9, %mul3A_194 : i32
      "tpu.region"() ({
        %run_scoped3A = tpu.sem_alloc : memref<!tpu.dma_semaphore, #tpu.memory_space<semaphore_mem>>
        %dma_start3A_196 = arith.constant 0 : i32
        %dma_start3A_197 = tpu.memref_slice %arg6[%add3A_195, %dma_start3A_196] : memref<10000x128xf32, #tpu.memory_space<vmem_shared>> -> memref<16x128xf32, #tpu.memory_space<vmem_shared>>
        %dma_start3A_198 = arith.constant 0 : i32
        %dma_start3A_199 = tpu.memref_slice %arg6[%add3A_195, %dma_start3A_198] : memref<10000x128xf32, #tpu.memory_space<vmem_shared>> -> memref<16x128xf32, #tpu.memory_space<vmem_shared>>
        tpu.enqueue_dma source(%arg7 : memref<16x128xf32, #tpu.memory_space<vmem>>) target(%dma_start3A_199 : memref<16x128xf32, #tpu.memory_space<vmem_shared>>) target_semaphore(%run_scoped3A : memref<!tpu.dma_semaphore, #tpu.memory_space<semaphore_mem>>)
        %dma_wait3A_200 = arith.constant 0 : i32
        %dma_wait3A_201 = tpu.memref_slice %arg6[%add3A_195, %dma_wait3A_200] : memref<10000x128xf32, #tpu.memory_space<vmem_shared>> -> memref<16x128xf32, #tpu.memory_space<vmem_shared>>
        %dma_wait3A_202 = arith.constant 0 : i32
        %dma_wait3A_203 = tpu.memref_slice %arg6[%add3A_195, %dma_wait3A_202] : memref<10000x128xf32, #tpu.memory_space<vmem_shared>> -> memref<16x128xf32, #tpu.memory_space<vmem_shared>>
        tpu.wait_dma2 semaphore(%run_scoped3A : memref<!tpu.dma_semaphore, #tpu.memory_space<semaphore_mem>>) src(%arg7 : memref<16x128xf32, #tpu.memory_space<vmem>>) dst(%dma_wait3A_203 : memref<16x128xf32, #tpu.memory_space<vmem_shared>>)
        tpu.yield
      }) : () -> ()
    }
    %scan3A_14 = arith.constant 40 : i32
    %barrier3A = arith.constant 0 : index
    tpu.barrier barrier_id(%barrier3A)
    %mul3A_15 = arith.constant 16 : i32
    %mul3A_16 = arith.muli %arg0, %mul3A_15 : i32
    %add3A = arith.addi %mul3A_16, %arg1 : i32
    %mul3A_17 = arith.constant 10000 : i32
    %mul3A_18 = arith.muli %add3A, %mul3A_17 : i32
    %add3A_19 = arith.constant 0 : i32
    %add3A_20 = arith.addi %mul3A_18, %add3A_19 : i32
    %dma_start3A = tpu.memref_slice %arg3[%add3A_20] : memref<640000xi32, #tpu.memory_space<hbm>> -> memref<80xi32, #tpu.memory_space<hbm>>
    %dma_start3A_21 = tpu.memref_slice %arg3[%add3A_20] : memref<640000xi32, #tpu.memory_space<hbm>> -> memref<80xi32, #tpu.memory_space<hbm>>
    tpu.enqueue_dma source(%dma_start3A_21 : memref<80xi32, #tpu.memory_space<hbm>>) target(%arg8 : memref<80xi32, #tpu.memory_space<vmem>>) target_semaphore(%arg11 : memref<!tpu.dma_semaphore, #tpu.memory_space<semaphore_mem>>)
    %add3A_22 = arith.constant 320000 : i32
    %add3A_23 = arith.addi %add3A_22, %add3A_20 : i32
    %dma_start3A_24 = tpu.memref_slice %arg3[%add3A_23] : memref<640000xi32, #tpu.memory_space<hbm>> -> memref<80xi32, #tpu.memory_space<hbm>>
    %dma_start3A_25 = tpu.memref_slice %arg3[%add3A_23] : memref<640000xi32, #tpu.memory_space<hbm>> -> memref<80xi32, #tpu.memory_space<hbm>>
    tpu.enqueue_dma source(%dma_start3A_25 : memref<80xi32, #tpu.memory_space<hbm>>) target(%arg9 : memref<80xi32, #tpu.memory_space<vmem>>) target_semaphore(%arg11 : memref<!tpu.dma_semaphore, #tpu.memory_space<semaphore_mem>>)
    %add3A_26 = arith.constant 80 : i32
    %add3A_27 = arith.addi %mul3A_18, %add3A_26 : i32
    %dma_start3A_28 = tpu.memref_slice %arg3[%add3A_27] : memref<640000xi32, #tpu.memory_space<hbm>> -> memref<80xi32, #tpu.memory_space<hbm>>
    %dma_start3A_29 = tpu.memref_slice %arg3[%add3A_27] : memref<640000xi32, #tpu.memory_space<hbm>> -> memref<80xi32, #tpu.memory_space<hbm>>
    tpu.enqueue_dma source(%dma_start3A_29 : memref<80xi32, #tpu.memory_space<hbm>>) target(%arg14 : memref<80xi32, #tpu.memory_space<vmem>>) target_semaphore(%arg17 : memref<!tpu.dma_semaphore, #tpu.memory_space<semaphore_mem>>)
    %add3A_30 = arith.constant 320000 : i32
    %add3A_31 = arith.addi %add3A_30, %add3A_27 : i32
    %dma_start3A_32 = tpu.memref_slice %arg3[%add3A_31] : memref<640000xi32, #tpu.memory_space<hbm>> -> memref<80xi32, #tpu.memory_space<hbm>>
    %dma_start3A_33 = tpu.memref_slice %arg3[%add3A_31] : memref<640000xi32, #tpu.memory_space<hbm>> -> memref<80xi32, #tpu.memory_space<hbm>>
    tpu.enqueue_dma source(%dma_start3A_33 : memref<80xi32, #tpu.memory_space<hbm>>) target(%arg15 : memref<80xi32, #tpu.memory_space<vmem>>) target_semaphore(%arg17 : memref<!tpu.dma_semaphore, #tpu.memory_space<semaphore_mem>>)
    %add3A_34 = arith.constant 0 : i32
    %add3A_35 = arith.addi %mul3A_18, %add3A_34 : i32
    %dma_wait3A = tpu.memref_slice %arg3[%add3A_35] : memref<640000xi32, #tpu.memory_space<hbm>> -> memref<80xi32, #tpu.memory_space<hbm>>
    %dma_wait3A_36 = tpu.memref_slice %arg3[%add3A_35] : memref<640000xi32, #tpu.memory_space<hbm>> -> memref<80xi32, #tpu.memory_space<hbm>>
    tpu.wait_dma2 semaphore(%arg11 : memref<!tpu.dma_semaphore, #tpu.memory_space<semaphore_mem>>) src(%dma_wait3A_36 : memref<80xi32, #tpu.memory_space<hbm>>) dst(%arg8 : memref<80xi32, #tpu.memory_space<vmem>>)
    %add3A_37 = arith.constant 320000 : i32
    %add3A_38 = arith.addi %add3A_37, %add3A_35 : i32
    %dma_wait3A_39 = tpu.memref_slice %arg3[%add3A_38] : memref<640000xi32, #tpu.memory_space<hbm>> -> memref<80xi32, #tpu.memory_space<hbm>>
    %dma_wait3A_40 = tpu.memref_slice %arg3[%add3A_38] : memref<640000xi32, #tpu.memory_space<hbm>> -> memref<80xi32, #tpu.memory_space<hbm>>
    tpu.wait_dma2 semaphore(%arg11 : memref<!tpu.dma_semaphore, #tpu.memory_space<semaphore_mem>>) src(%dma_wait3A_40 : memref<80xi32, #tpu.memory_space<hbm>>) dst(%arg9 : memref<80xi32, #tpu.memory_space<vmem>>)
    %dma_start3A_41 = arith.constant 0 : i32
    %dma_start3A_42 = arith.constant 0 : i32
    %dma_start3A_43 = tpu.memref_slice %arg2[%dma_start3A_41, %dma_start3A_42] : memref<10000x128xf32, #tpu.memory_space<hbm>> -> memref<10000x128xf32, #tpu.memory_space<hbm>>
    tpu.enqueue_indirect_dma source(%dma_start3A_43 : memref<10000x128xf32, #tpu.memory_space<hbm>>) target(%arg10 : memref<80x128xf32, #tpu.memory_space<vmem>>) offsets(%arg8 : memref<80xi32, #tpu.memory_space<vmem>>) semaphore(%arg12 : memref<!tpu.dma_semaphore, #tpu.memory_space<semaphore_mem>>)
    %add3A_44 = arith.constant 160 : i32
    %add3A_45 = arith.addi %mul3A_18, %add3A_44 : i32
    %dma_start3A_46 = tpu.memref_slice %arg3[%add3A_45] : memref<640000xi32, #tpu.memory_space<hbm>> -> memref<80xi32, #tpu.memory_space<hbm>>
    %dma_start3A_47 = tpu.memref_slice %arg3[%add3A_45] : memref<640000xi32, #tpu.memory_space<hbm>> -> memref<80xi32, #tpu.memory_space<hbm>>
    tpu.enqueue_dma source(%dma_start3A_47 : memref<80xi32, #tpu.memory_space<hbm>>) target(%arg20 : memref<80xi32, #tpu.memory_space<vmem>>) target_semaphore(%arg23 : memref<!tpu.dma_semaphore, #tpu.memory_space<semaphore_mem>>)
    %add3A_48 = arith.constant 320000 : i32
    %add3A_49 = arith.addi %add3A_48, %add3A_45 : i32
    %dma_start3A_50 = tpu.memref_slice %arg3[%add3A_49] : memref<640000xi32, #tpu.memory_space<hbm>> -> memref<80xi32, #tpu.memory_space<hbm>>
    %dma_start3A_51 = tpu.memref_slice %arg3[%add3A_49] : memref<640000xi32, #tpu.memory_space<hbm>> -> memref<80xi32, #tpu.memory_space<hbm>>
    tpu.enqueue_dma source(%dma_start3A_51 : memref<80xi32, #tpu.memory_space<hbm>>) target(%arg21 : memref<80xi32, #tpu.memory_space<vmem>>) target_semaphore(%arg23 : memref<!tpu.dma_semaphore, #tpu.memory_space<semaphore_mem>>)
    %add3A_52 = arith.constant 80 : i32
    %add3A_53 = arith.addi %mul3A_18, %add3A_52 : i32
    %dma_wait3A_54 = tpu.memref_slice %arg3[%add3A_53] : memref<640000xi32, #tpu.memory_space<hbm>> -> memref<80xi32, #tpu.memory_space<hbm>>
    %dma_wait3A_55 = tpu.memref_slice %arg3[%add3A_53] : memref<640000xi32, #tpu.memory_space<hbm>> -> memref<80xi32, #tpu.memory_space<hbm>>
    tpu.wait_dma2 semaphore(%arg17 : memref<!tpu.dma_semaphore, #tpu.memory_space<semaphore_mem>>) src(%dma_wait3A_55 : memref<80xi32, #tpu.memory_space<hbm>>) dst(%arg14 : memref<80xi32, #tpu.memory_space<vmem>>)
    %add3A_56 = arith.constant 320000 : i32
    %add3A_57 = arith.addi %add3A_56, %add3A_53 : i32
    %dma_wait3A_58 = tpu.memref_slice %arg3[%add3A_57] : memref<640000xi32, #tpu.memory_space<hbm>> -> memref<80xi32, #tpu.memory_space<hbm>>
    %dma_wait3A_59 = tpu.memref_slice %arg3[%add3A_57] : memref<640000xi32, #tpu.memory_space<hbm>> -> memref<80xi32, #tpu.memory_space<hbm>>
    tpu.wait_dma2 semaphore(%arg17 : memref<!tpu.dma_semaphore, #tpu.memory_space<semaphore_mem>>) src(%dma_wait3A_59 : memref<80xi32, #tpu.memory_space<hbm>>) dst(%arg15 : memref<80xi32, #tpu.memory_space<vmem>>)
    %dma_start3A_60 = arith.constant 0 : i32
    %dma_start3A_61 = arith.constant 0 : i32
    %dma_start3A_62 = tpu.memref_slice %arg2[%dma_start3A_60, %dma_start3A_61] : memref<10000x128xf32, #tpu.memory_space<hbm>> -> memref<10000x128xf32, #tpu.memory_space<hbm>>
    tpu.enqueue_indirect_dma source(%dma_start3A_62 : memref<10000x128xf32, #tpu.memory_space<hbm>>) target(%arg16 : memref<80x128xf32, #tpu.memory_space<vmem>>) offsets(%arg14 : memref<80xi32, #tpu.memory_space<vmem>>) semaphore(%arg18 : memref<!tpu.dma_semaphore, #tpu.memory_space<semaphore_mem>>)
    %dma_wait3A_63 = arith.constant 0 : i32
    %dma_wait3A_64 = arith.constant 0 : i32
    %dma_wait3A_65 = tpu.memref_slice %arg2[%dma_wait3A_63, %dma_wait3A_64] : memref<10000x128xf32, #tpu.memory_space<hbm>> -> memref<10000x128xf32, #tpu.memory_space<hbm>>
    tpu.wait_indirect_dma semaphore(%arg12 : memref<!tpu.dma_semaphore, #tpu.memory_space<semaphore_mem>>) src(%dma_wait3A_65 : memref<10000x128xf32, #tpu.memory_space<hbm>>) dst(%arg10 : memref<80x128xf32, #tpu.memory_space<vmem>>)
    %dma_start3A_66 = arith.constant 0 : i32
    %dma_start3A_67 = arith.constant 0 : i32
    %dma_start3A_68 = tpu.memref_slice %arg6[%dma_start3A_66, %dma_start3A_67] : memref<10000x128xf32, #tpu.memory_space<vmem_shared>> -> memref<10000x128xf32, #tpu.memory_space<vmem_shared>>
    tpu.enqueue_indirect_dma source(%arg10 : memref<80x128xf32, #tpu.memory_space<vmem>>) target(%dma_start3A_68 : memref<10000x128xf32, #tpu.memory_space<vmem_shared>>) offsets(%arg9 : memref<80xi32, #tpu.memory_space<vmem>>) semaphore(%arg13 : memref<!tpu.dma_semaphore, #tpu.memory_space<semaphore_mem>>) {add = true}
    %scan3A_69 = arith.constant 0 : i32
    %scan3A_70 = arith.constant 5 : i32
    %scan3A_71 = arith.addi %scan3A_69, %scan3A_70 : i32
    %scan3A_72 = arith.constant 1 : i32
    scf.for %scan3A_188 = %scan3A_69 to %scan3A_71 step %scan3A_72  : i32 {
      %mul3A_189 = arith.constant 1 : i32
      %mul3A_190 = arith.muli %scan3A_188, %mul3A_189 : i32
      %add3A_191 = arith.constant 0 : i32
      %add3A_192 = arith.addi %add3A_191, %mul3A_190 : i32
      %mul3A_193 = arith.constant 16 : i32
      %mul3A_194 = arith.muli %add3A_192, %mul3A_193 : i32
      %get3A = arith.index_cast %mul3A_194 : i32 to index
      %get3A_195 = tpu.vector_load %arg9[%get3A] {strides = array<i32>} : memref<80xi32, #tpu.memory_space<vmem>>, vector<16xi32>,
      %broadcast_in_dim3A = arith.constant 1.000000e+00 : f32
      %broadcast_in_dim3A_196 = vector.broadcast %broadcast_in_dim3A : f32 to vector<16xf32>
      tpu.vector_store_idx %arg26[%get3A_195], %broadcast_in_dim3A_196 {add = true} : memref<10000xf32, #tpu.memory_space<vmem>>[vector<16xi32>], vector<16xf32>,
    }
    %scan3A_73 = arith.constant 5 : i32
    %scan3A_74 = arith.constant 0 : i32
    %scan3A_75 = arith.constant 40 : i32
    %scan3A_76 = arith.addi %scan3A_74, %scan3A_75 : i32
    %scan3A_77 = arith.constant 1 : i32
    scf.for %scan3A_188 = %scan3A_74 to %scan3A_76 step %scan3A_77  : i32 {
      %mul3A_189 = arith.constant 1 : i32
      %mul3A_190 = arith.muli %scan3A_188, %mul3A_189 : i32
      %add3A_191 = arith.constant 0 : i32
      %add3A_192 = arith.addi %add3A_191, %mul3A_190 : i32
      %mul3A_193 = arith.constant 3 : i32
      %mul3A_194 = arith.muli %mul3A_193, %add3A_192 : i32
      %dma_wait3A_195 = arith.constant 0 : i32
      %dma_wait3A_196 = arith.constant 0 : i32
      %dma_wait3A_197 = tpu.memref_slice %arg6[%dma_wait3A_195, %dma_wait3A_196] : memref<10000x128xf32, #tpu.memory_space<vmem_shared>> -> memref<10000x128xf32, #tpu.memory_space<vmem_shared>>
      tpu.wait_indirect_dma semaphore(%arg13 : memref<!tpu.dma_semaphore, #tpu.memory_space<semaphore_mem>>) src(%arg10 : memref<80x128xf32, #tpu.memory_space<vmem>>) dst(%dma_wait3A_197 : memref<10000x128xf32, #tpu.memory_space<vmem_shared>>)
      %add3A_198 = arith.constant 3 : i32
      %add3A_199 = arith.addi %mul3A_194, %add3A_198 : i32
      %mul3A_200 = arith.constant 80 : i32
      %mul3A_201 = arith.muli %add3A_199, %mul3A_200 : i32
      %add3A_202 = arith.addi %mul3A_18, %mul3A_201 : i32
      %dma_start3A_203 = tpu.memref_slice %arg3[%add3A_202] : memref<640000xi32, #tpu.memory_space<hbm>> -> memref<80xi32, #tpu.memory_space<hbm>>
      %dma_start3A_204 = tpu.memref_slice %arg3[%add3A_202] : memref<640000xi32, #tpu.memory_space<hbm>> -> memref<80xi32, #tpu.memory_space<hbm>>
      tpu.enqueue_dma source(%dma_start3A_204 : memref<80xi32, #tpu.memory_space<hbm>>) target(%arg8 : memref<80xi32, #tpu.memory_space<vmem>>) target_semaphore(%arg11 : memref<!tpu.dma_semaphore, #tpu.memory_space<semaphore_mem>>)
      %add3A_205 = arith.constant 320000 : i32
      %add3A_206 = arith.addi %add3A_205, %add3A_202 : i32
      %dma_start3A_207 = tpu.memref_slice %arg3[%add3A_206] : memref<640000xi32, #tpu.memory_space<hbm>> -> memref<80xi32, #tpu.memory_space<hbm>>
      %dma_start3A_208 = tpu.memref_slice %arg3[%add3A_206] : memref<640000xi32, #tpu.memory_space<hbm>> -> memref<80xi32, #tpu.memory_space<hbm>>
      tpu.enqueue_dma source(%dma_start3A_208 : memref<80xi32, #tpu.memory_space<hbm>>) target(%arg9 : memref<80xi32, #tpu.memory_space<vmem>>) target_semaphore(%arg11 : memref<!tpu.dma_semaphore, #tpu.memory_space<semaphore_mem>>)
      %add3A_209 = arith.constant 2 : i32
      %add3A_210 = arith.addi %mul3A_194, %add3A_209 : i32
      %mul3A_211 = arith.constant 80 : i32
      %mul3A_212 = arith.muli %add3A_210, %mul3A_211 : i32
      %add3A_213 = arith.addi %mul3A_18, %mul3A_212 : i32
      %dma_wait3A_214 = tpu.memref_slice %arg3[%add3A_213] : memref<640000xi32, #tpu.memory_space<hbm>> -> memref<80xi32, #tpu.memory_space<hbm>>
      %dma_wait3A_215 = tpu.memref_slice %arg3[%add3A_213] : memref<640000xi32, #tpu.memory_space<hbm>> -> memref<80xi32, #tpu.memory_space<hbm>>
      tpu.wait_dma2 semaphore(%arg23 : memref<!tpu.dma_semaphore, #tpu.memory_space<semaphore_mem>>) src(%dma_wait3A_215 : memref<80xi32, #tpu.memory_space<hbm>>) dst(%arg20 : memref<80xi32, #tpu.memory_space<vmem>>)
      %add3A_216 = arith.constant 320000 : i32
      %add3A_217 = arith.addi %add3A_216, %add3A_213 : i32
      %dma_wait3A_218 = tpu.memref_slice %arg3[%add3A_217] : memref<640000xi32, #tpu.memory_space<hbm>> -> memref<80xi32, #tpu.memory_space<hbm>>
      %dma_wait3A_219 = tpu.memref_slice %arg3[%add3A_217] : memref<640000xi32, #tpu.memory_space<hbm>> -> memref<80xi32, #tpu.memory_space<hbm>>
      tpu.wait_dma2 semaphore(%arg23 : memref<!tpu.dma_semaphore, #tpu.memory_space<semaphore_mem>>) src(%dma_wait3A_219 : memref<80xi32, #tpu.memory_space<hbm>>) dst(%arg21 : memref<80xi32, #tpu.memory_space<vmem>>)
      %dma_start3A_220 = arith.constant 0 : i32
      %dma_start3A_221 = arith.constant 0 : i32
      %dma_start3A_222 = tpu.memref_slice %arg2[%dma_start3A_220, %dma_start3A_221] : memref<10000x128xf32, #tpu.memory_space<hbm>> -> memref<10000x128xf32, #tpu.memory_space<hbm>>
      tpu.enqueue_indirect_dma source(%dma_start3A_222 : memref<10000x128xf32, #tpu.memory_space<hbm>>) target(%arg22 : memref<80x128xf32, #tpu.memory_space<vmem>>) offsets(%arg20 : memref<80xi32, #tpu.memory_space<vmem>>) semaphore(%arg24 : memref<!tpu.dma_semaphore, #tpu.memory_space<semaphore_mem>>)
      %dma_wait3A_223 = arith.constant 0 : i32
      %dma_wait3A_224 = arith.constant 0 : i32
      %dma_wait3A_225 = tpu.memref_slice %arg2[%dma_wait3A_223, %dma_wait3A_224] : memref<10000x128xf32, #tpu.memory_space<hbm>> -> memref<10000x128xf32, #tpu.memory_space<hbm>>
      tpu.wait_indirect_dma semaphore(%arg18 : memref<!tpu.dma_semaphore, #tpu.memory_space<semaphore_mem>>) src(%dma_wait3A_225 : memref<10000x128xf32, #tpu.memory_space<hbm>>) dst(%arg16 : memref<80x128xf32, #tpu.memory_space<vmem>>)
      %dma_start3A_226 = arith.constant 0 : i32
      %dma_start3A_227 = arith.constant 0 : i32
      %dma_start3A_228 = tpu.memref_slice %arg6[%dma_start3A_226, %dma_start3A_227] : memref<10000x128xf32, #tpu.memory_space<vmem_shared>> -> memref<10000x128xf32, #tpu.memory_space<vmem_shared>>
      tpu.enqueue_indirect_dma source(%arg16 : memref<80x128xf32, #tpu.memory_space<vmem>>) target(%dma_start3A_228 : memref<10000x128xf32, #tpu.memory_space<vmem_shared>>) offsets(%arg15 : memref<80xi32, #tpu.memory_space<vmem>>) semaphore(%arg19 : memref<!tpu.dma_semaphore, #tpu.memory_space<semaphore_mem>>) {add = true}
      %scan3A_229 = arith.constant 0 : i32
      %scan3A_230 = arith.constant 5 : i32
      %scan3A_231 = arith.addi %scan3A_229, %scan3A_230 : i32
      %scan3A_232 = arith.constant 1 : i32
      scf.for %scan3A_312 = %scan3A_229 to %scan3A_231 step %scan3A_232  : i32 {
        %mul3A_313 = arith.constant 1 : i32
        %mul3A_314 = arith.muli %scan3A_312, %mul3A_313 : i32
        %add3A_315 = arith.constant 0 : i32
        %add3A_316 = arith.addi %add3A_315, %mul3A_314 : i32
        %mul3A_317 = arith.constant 16 : i32
        %mul3A_318 = arith.muli %add3A_316, %mul3A_317 : i32
        %get3A = arith.index_cast %mul3A_318 : i32 to index
        %get3A_319 = tpu.vector_load %arg15[%get3A] {strides = array<i32>} : memref<80xi32, #tpu.memory_space<vmem>>, vector<16xi32>,
        %broadcast_in_dim3A = arith.constant 1.000000e+00 : f32
        %broadcast_in_dim3A_320 = vector.broadcast %broadcast_in_dim3A : f32 to vector<16xf32>
        tpu.vector_store_idx %arg26[%get3A_319], %broadcast_in_dim3A_320 {add = true} : memref<10000xf32, #tpu.memory_space<vmem>>[vector<16xi32>], vector<16xf32>,
      }
      %scan3A_233 = arith.constant 5 : i32
      %dma_wait3A_234 = arith.constant 0 : i32
      %dma_wait3A_235 = arith.constant 0 : i32
      %dma_wait3A_236 = tpu.memref_slice %arg6[%dma_wait3A_234, %dma_wait3A_235] : memref<10000x128xf32, #tpu.memory_space<vmem_shared>> -> memref<10000x128xf32, #tpu.memory_space<vmem_shared>>
      tpu.wait_indirect_dma semaphore(%arg19 : memref<!tpu.dma_semaphore, #tpu.memory_space<semaphore_mem>>) src(%arg16 : memref<80x128xf32, #tpu.memory_space<vmem>>) dst(%dma_wait3A_236 : memref<10000x128xf32, #tpu.memory_space<vmem_shared>>)
      %add3A_237 = arith.constant 4 : i32
      %add3A_238 = arith.addi %mul3A_194, %add3A_237 : i32
      %mul3A_239 = arith.constant 80 : i32
      %mul3A_240 = arith.muli %add3A_238, %mul3A_239 : i32
      %add3A_241 = arith.addi %mul3A_18, %mul3A_240 : i32
      %dma_start3A_242 = tpu.memref_slice %arg3[%add3A_241] : memref<640000xi32, #tpu.memory_space<hbm>> -> memref<80xi32, #tpu.memory_space<hbm>>
      %dma_start3A_243 = tpu.memref_slice %arg3[%add3A_241] : memref<640000xi32, #tpu.memory_space<hbm>> -> memref<80xi32, #tpu.memory_space<hbm>>
      tpu.enqueue_dma source(%dma_start3A_243 : memref<80xi32, #tpu.memory_space<hbm>>) target(%arg14 : memref<80xi32, #tpu.memory_space<vmem>>) target_semaphore(%arg17 : memref<!tpu.dma_semaphore, #tpu.memory_space<semaphore_mem>>)
      %add3A_244 = arith.constant 320000 : i32
      %add3A_245 = arith.addi %add3A_244, %add3A_241 : i32
      %dma_start3A_246 = tpu.memref_slice %arg3[%add3A_245] : memref<640000xi32, #tpu.memory_space<hbm>> -> memref<80xi32, #tpu.memory_space<hbm>>
      %dma_start3A_247 = tpu.memref_slice %arg3[%add3A_245] : memref<640000xi32, #tpu.memory_space<hbm>> -> memref<80xi32, #tpu.memory_space<hbm>>
      tpu.enqueue_dma source(%dma_start3A_247 : memref<80xi32, #tpu.memory_space<hbm>>) target(%arg15 : memref<80xi32, #tpu.memory_space<vmem>>) target_semaphore(%arg17 : memref<!tpu.dma_semaphore, #tpu.memory_space<semaphore_mem>>)
      %add3A_248 = arith.constant 3 : i32
      %add3A_249 = arith.addi %mul3A_194, %add3A_248 : i32
      %mul3A_250 = arith.constant 80 : i32
      %mul3A_251 = arith.muli %add3A_249, %mul3A_250 : i32
      %add3A_252 = arith.addi %mul3A_18, %mul3A_251 : i32
      %dma_wait3A_253 = tpu.memref_slice %arg3[%add3A_252] : memref<640000xi32, #tpu.memory_space<hbm>> -> memref<80xi32, #tpu.memory_space<hbm>>
      %dma_wait3A_254 = tpu.memref_slice %arg3[%add3A_252] : memref<640000xi32, #tpu.memory_space<hbm>> -> memref<80xi32, #tpu.memory_space<hbm>>
      tpu.wait_dma2 semaphore(%arg11 : memref<!tpu.dma_semaphore, #tpu.memory_space<semaphore_mem>>) src(%dma_wait3A_254 : memref<80xi32, #tpu.memory_space<hbm>>) dst(%arg8 : memref<80xi32, #tpu.memory_space<vmem>>)
      %add3A_255 = arith.constant 320000 : i32
      %add3A_256 = arith.addi %add3A_255, %add3A_252 : i32
      %dma_wait3A_257 = tpu.memref_slice %arg3[%add3A_256] : memref<640000xi32, #tpu.memory_space<hbm>> -> memref<80xi32, #tpu.memory_space<hbm>>
      %dma_wait3A_258 = tpu.memref_slice %arg3[%add3A_256] : memref<640000xi32, #tpu.memory_space<hbm>> -> memref<80xi32, #tpu.memory_space<hbm>>
      tpu.wait_dma2 semaphore(%arg11 : memref<!tpu.dma_semaphore, #tpu.memory_space<semaphore_mem>>) src(%dma_wait3A_258 : memref<80xi32, #tpu.memory_space<hbm>>) dst(%arg9 : memref<80xi32, #tpu.memory_space<vmem>>)
      %dma_start3A_259 = arith.constant 0 : i32
      %dma_start3A_260 = arith.constant 0 : i32
      %dma_start3A_261 = tpu.memref_slice %arg2[%dma_start3A_259, %dma_start3A_260] : memref<10000x128xf32, #tpu.memory_space<hbm>> -> memref<10000x128xf32, #tpu.memory_space<hbm>>
      tpu.enqueue_indirect_dma source(%dma_start3A_261 : memref<10000x128xf32, #tpu.memory_space<hbm>>) target(%arg10 : memref<80x128xf32, #tpu.memory_space<vmem>>) offsets(%arg8 : memref<80xi32, #tpu.memory_space<vmem>>) semaphore(%arg12 : memref<!tpu.dma_semaphore, #tpu.memory_space<semaphore_mem>>)
      %dma_wait3A_262 = arith.constant 0 : i32
      %dma_wait3A_263 = arith.constant 0 : i32
      %dma_wait3A_264 = tpu.memref_slice %arg2[%dma_wait3A_262, %dma_wait3A_263] : memref<10000x128xf32, #tpu.memory_space<hbm>> -> memref<10000x128xf32, #tpu.memory_space<hbm>>
      tpu.wait_indirect_dma semaphore(%arg24 : memref<!tpu.dma_semaphore, #tpu.memory_space<semaphore_mem>>) src(%dma_wait3A_264 : memref<10000x128xf32, #tpu.memory_space<hbm>>) dst(%arg22 : memref<80x128xf32, #tpu.memory_space<vmem>>)
      %dma_start3A_265 = arith.constant 0 : i32
      %dma_start3A_266 = arith.constant 0 : i32
      %dma_start3A_267 = tpu.memref_slice %arg6[%dma_start3A_265, %dma_start3A_266] : memref<10000x128xf32, #tpu.memory_space<vmem_shared>> -> memref<10000x128xf32, #tpu.memory_space<vmem_shared>>
      tpu.enqueue_indirect_dma source(%arg22 : memref<80x128xf32, #tpu.memory_space<vmem>>) target(%dma_start3A_267 : memref<10000x128xf32, #tpu.memory_space<vmem_shared>>) offsets(%arg21 : memref<80xi32, #tpu.memory_space<vmem>>) semaphore(%arg25 : memref<!tpu.dma_semaphore, #tpu.memory_space<semaphore_mem>>) {add = true}
      %scan3A_268 = arith.constant 0 : i32
      %scan3A_269 = arith.constant 5 : i32
      %scan3A_270 = arith.addi %scan3A_268, %scan3A_269 : i32
      %scan3A_271 = arith.constant 1 : i32
      scf.for %scan3A_312 = %scan3A_268 to %scan3A_270 step %scan3A_271  : i32 {
        %mul3A_313 = arith.constant 1 : i32
        %mul3A_314 = arith.muli %scan3A_312, %mul3A_313 : i32
        %add3A_315 = arith.constant 0 : i32
        %add3A_316 = arith.addi %add3A_315, %mul3A_314 : i32
        %mul3A_317 = arith.constant 16 : i32
        %mul3A_318 = arith.muli %add3A_316, %mul3A_317 : i32
        %get3A = arith.index_cast %mul3A_318 : i32 to index
        %get3A_319 = tpu.vector_load %arg21[%get3A] {strides = array<i32>} : memref<80xi32, #tpu.memory_space<vmem>>, vector<16xi32>,
        %broadcast_in_dim3A = arith.constant 1.000000e+00 : f32
        %broadcast_in_dim3A_320 = vector.broadcast %broadcast_in_dim3A : f32 to vector<16xf32>
        tpu.vector_store_idx %arg26[%get3A_319], %broadcast_in_dim3A_320 {add = true} : memref<10000xf32, #tpu.memory_space<vmem>>[vector<16xi32>], vector<16xf32>,
      }
      %scan3A_272 = arith.constant 5 : i32
      %dma_wait3A_273 = arith.constant 0 : i32
      %dma_wait3A_274 = arith.constant 0 : i32
      %dma_wait3A_275 = tpu.memref_slice %arg6[%dma_wait3A_273, %dma_wait3A_274] : memref<10000x128xf32, #tpu.memory_space<vmem_shared>> -> memref<10000x128xf32, #tpu.memory_space<vmem_shared>>
      tpu.wait_indirect_dma semaphore(%arg25 : memref<!tpu.dma_semaphore, #tpu.memory_space<semaphore_mem>>) src(%arg22 : memref<80x128xf32, #tpu.memory_space<vmem>>) dst(%dma_wait3A_275 : memref<10000x128xf32, #tpu.memory_space<vmem_shared>>)
      %add3A_276 = arith.constant 5 : i32
      %add3A_277 = arith.addi %mul3A_194, %add3A_276 : i32
      %mul3A_278 = arith.constant 80 : i32
      %mul3A_279 = arith.muli %add3A_277, %mul3A_278 : i32
      %add3A_280 = arith.addi %mul3A_18, %mul3A_279 : i32
      %dma_start3A_281 = tpu.memref_slice %arg3[%add3A_280] : memref<640000xi32, #tpu.memory_space<hbm>> -> memref<80xi32, #tpu.memory_space<hbm>>
      %dma_start3A_282 = tpu.memref_slice %arg3[%add3A_280] : memref<640000xi32, #tpu.memory_space<hbm>> -> memref<80xi32, #tpu.memory_space<hbm>>
      tpu.enqueue_dma source(%dma_start3A_282 : memref<80xi32, #tpu.memory_space<hbm>>) target(%arg20 : memref<80xi32, #tpu.memory_space<vmem>>) target_semaphore(%arg23 : memref<!tpu.dma_semaphore, #tpu.memory_space<semaphore_mem>>)
      %add3A_283 = arith.constant 320000 : i32
      %add3A_284 = arith.addi %add3A_283, %add3A_280 : i32
      %dma_start3A_285 = tpu.memref_slice %arg3[%add3A_284] : memref<640000xi32, #tpu.memory_space<hbm>> -> memref<80xi32, #tpu.memory_space<hbm>>
      %dma_start3A_286 = tpu.memref_slice %arg3[%add3A_284] : memref<640000xi32, #tpu.memory_space<hbm>> -> memref<80xi32, #tpu.memory_space<hbm>>
      tpu.enqueue_dma source(%dma_start3A_286 : memref<80xi32, #tpu.memory_space<hbm>>) target(%arg21 : memref<80xi32, #tpu.memory_space<vmem>>) target_semaphore(%arg23 : memref<!tpu.dma_semaphore, #tpu.memory_space<semaphore_mem>>)
      %add3A_287 = arith.constant 4 : i32
      %add3A_288 = arith.addi %mul3A_194, %add3A_287 : i32
      %mul3A_289 = arith.constant 80 : i32
      %mul3A_290 = arith.muli %add3A_288, %mul3A_289 : i32
      %add3A_291 = arith.addi %mul3A_18, %mul3A_290 : i32
      %dma_wait3A_292 = tpu.memref_slice %arg3[%add3A_291] : memref<640000xi32, #tpu.memory_space<hbm>> -> memref<80xi32, #tpu.memory_space<hbm>>
      %dma_wait3A_293 = tpu.memref_slice %arg3[%add3A_291] : memref<640000xi32, #tpu.memory_space<hbm>> -> memref<80xi32, #tpu.memory_space<hbm>>
      tpu.wait_dma2 semaphore(%arg17 : memref<!tpu.dma_semaphore, #tpu.memory_space<semaphore_mem>>) src(%dma_wait3A_293 : memref<80xi32, #tpu.memory_space<hbm>>) dst(%arg14 : memref<80xi32, #tpu.memory_space<vmem>>)
      %add3A_294 = arith.constant 320000 : i32
      %add3A_295 = arith.addi %add3A_294, %add3A_291 : i32
      %dma_wait3A_296 = tpu.memref_slice %arg3[%add3A_295] : memref<640000xi32, #tpu.memory_space<hbm>> -> memref<80xi32, #tpu.memory_space<hbm>>
      %dma_wait3A_297 = tpu.memref_slice %arg3[%add3A_295] : memref<640000xi32, #tpu.memory_space<hbm>> -> memref<80xi32, #tpu.memory_space<hbm>>
      tpu.wait_dma2 semaphore(%arg17 : memref<!tpu.dma_semaphore, #tpu.memory_space<semaphore_mem>>) src(%dma_wait3A_297 : memref<80xi32, #tpu.memory_space<hbm>>) dst(%arg15 : memref<80xi32, #tpu.memory_space<vmem>>)
      %dma_start3A_298 = arith.constant 0 : i32
      %dma_start3A_299 = arith.constant 0 : i32
      %dma_start3A_300 = tpu.memref_slice %arg2[%dma_start3A_298, %dma_start3A_299] : memref<10000x128xf32, #tpu.memory_space<hbm>> -> memref<10000x128xf32, #tpu.memory_space<hbm>>
      tpu.enqueue_indirect_dma source(%dma_start3A_300 : memref<10000x128xf32, #tpu.memory_space<hbm>>) target(%arg16 : memref<80x128xf32, #tpu.memory_space<vmem>>) offsets(%arg14 : memref<80xi32, #tpu.memory_space<vmem>>) semaphore(%arg18 : memref<!tpu.dma_semaphore, #tpu.memory_space<semaphore_mem>>)
      %dma_wait3A_301 = arith.constant 0 : i32
      %dma_wait3A_302 = arith.constant 0 : i32
      %dma_wait3A_303 = tpu.memref_slice %arg2[%dma_wait3A_301, %dma_wait3A_302] : memref<10000x128xf32, #tpu.memory_space<hbm>> -> memref<10000x128xf32, #tpu.memory_space<hbm>>
      tpu.wait_indirect_dma semaphore(%arg12 : memref<!tpu.dma_semaphore, #tpu.memory_space<semaphore_mem>>) src(%dma_wait3A_303 : memref<10000x128xf32, #tpu.memory_space<hbm>>) dst(%arg10 : memref<80x128xf32, #tpu.memory_space<vmem>>)
      %dma_start3A_304 = arith.constant 0 : i32
      %dma_start3A_305 = arith.constant 0 : i32
      %dma_start3A_306 = tpu.memref_slice %arg6[%dma_start3A_304, %dma_start3A_305] : memref<10000x128xf32, #tpu.memory_space<vmem_shared>> -> memref<10000x128xf32, #tpu.memory_space<vmem_shared>>
      tpu.enqueue_indirect_dma source(%arg10 : memref<80x128xf32, #tpu.memory_space<vmem>>) target(%dma_start3A_306 : memref<10000x128xf32, #tpu.memory_space<vmem_shared>>) offsets(%arg9 : memref<80xi32, #tpu.memory_space<vmem>>) semaphore(%arg13 : memref<!tpu.dma_semaphore, #tpu.memory_space<semaphore_mem>>) {add = true}
      %scan3A_307 = arith.constant 0 : i32
      %scan3A_308 = arith.constant 5 : i32
      %scan3A_309 = arith.addi %scan3A_307, %scan3A_308 : i32
      %scan3A_310 = arith.constant 1 : i32
      scf.for %scan3A_312 = %scan3A_307 to %scan3A_309 step %scan3A_310  : i32 {
        %mul3A_313 = arith.constant 1 : i32
        %mul3A_314 = arith.muli %scan3A_312, %mul3A_313 : i32
        %add3A_315 = arith.constant 0 : i32
        %add3A_316 = arith.addi %add3A_315, %mul3A_314 : i32
        %mul3A_317 = arith.constant 16 : i32
        %mul3A_318 = arith.muli %add3A_316, %mul3A_317 : i32
        %get3A = arith.index_cast %mul3A_318 : i32 to index
        %get3A_319 = tpu.vector_load %arg9[%get3A] {strides = array<i32>} : memref<80xi32, #tpu.memory_space<vmem>>, vector<16xi32>,
        %broadcast_in_dim3A = arith.constant 1.000000e+00 : f32
        %broadcast_in_dim3A_320 = vector.broadcast %broadcast_in_dim3A : f32 to vector<16xf32>
        tpu.vector_store_idx %arg26[%get3A_319], %broadcast_in_dim3A_320 {add = true} : memref<10000xf32, #tpu.memory_space<vmem>>[vector<16xi32>], vector<16xf32>,
      }
      %scan3A_311 = arith.constant 5 : i32
    }
    %scan3A_78 = arith.constant 40 : i32
    %dma_wait3A_79 = arith.constant 0 : i32
    %dma_wait3A_80 = arith.constant 0 : i32
    %dma_wait3A_81 = tpu.memref_slice %arg6[%dma_wait3A_79, %dma_wait3A_80] : memref<10000x128xf32, #tpu.memory_space<vmem_shared>> -> memref<10000x128xf32, #tpu.memory_space<vmem_shared>>
    tpu.wait_indirect_dma semaphore(%arg13 : memref<!tpu.dma_semaphore, #tpu.memory_space<semaphore_mem>>) src(%arg10 : memref<80x128xf32, #tpu.memory_space<vmem>>) dst(%dma_wait3A_81 : memref<10000x128xf32, #tpu.memory_space<vmem_shared>>)
    %add3A_82 = arith.constant 9840 : i32
    %add3A_83 = arith.addi %mul3A_18, %add3A_82 : i32
    %dma_start3A_84 = tpu.memref_slice %arg3[%add3A_83] : memref<640000xi32, #tpu.memory_space<hbm>> -> memref<80xi32, #tpu.memory_space<hbm>>
    %dma_start3A_85 = tpu.memref_slice %arg3[%add3A_83] : memref<640000xi32, #tpu.memory_space<hbm>> -> memref<80xi32, #tpu.memory_space<hbm>>
    tpu.enqueue_dma source(%dma_start3A_85 : memref<80xi32, #tpu.memory_space<hbm>>) target(%arg8 : memref<80xi32, #tpu.memory_space<vmem>>) target_semaphore(%arg11 : memref<!tpu.dma_semaphore, #tpu.memory_space<semaphore_mem>>)
    %add3A_86 = arith.constant 320000 : i32
    %add3A_87 = arith.addi %add3A_86, %add3A_83 : i32
    %dma_start3A_88 = tpu.memref_slice %arg3[%add3A_87] : memref<640000xi32, #tpu.memory_space<hbm>> -> memref<80xi32, #tpu.memory_space<hbm>>
    %dma_start3A_89 = tpu.memref_slice %arg3[%add3A_87] : memref<640000xi32, #tpu.memory_space<hbm>> -> memref<80xi32, #tpu.memory_space<hbm>>
    tpu.enqueue_dma source(%dma_start3A_89 : memref<80xi32, #tpu.memory_space<hbm>>) target(%arg9 : memref<80xi32, #tpu.memory_space<vmem>>) target_semaphore(%arg11 : memref<!tpu.dma_semaphore, #tpu.memory_space<semaphore_mem>>)
    %add3A_90 = arith.constant 9760 : i32
    %add3A_91 = arith.addi %mul3A_18, %add3A_90 : i32
    %dma_wait3A_92 = tpu.memref_slice %arg3[%add3A_91] : memref<640000xi32, #tpu.memory_space<hbm>> -> memref<80xi32, #tpu.memory_space<hbm>>
    %dma_wait3A_93 = tpu.memref_slice %arg3[%add3A_91] : memref<640000xi32, #tpu.memory_space<hbm>> -> memref<80xi32, #tpu.memory_space<hbm>>
    tpu.wait_dma2 semaphore(%arg23 : memref<!tpu.dma_semaphore, #tpu.memory_space<semaphore_mem>>) src(%dma_wait3A_93 : memref<80xi32, #tpu.memory_space<hbm>>) dst(%arg20 : memref<80xi32, #tpu.memory_space<vmem>>)
    %add3A_94 = arith.constant 320000 : i32
    %add3A_95 = arith.addi %add3A_94, %add3A_91 : i32
    %dma_wait3A_96 = tpu.memref_slice %arg3[%add3A_95] : memref<640000xi32, #tpu.memory_space<hbm>> -> memref<80xi32, #tpu.memory_space<hbm>>
    %dma_wait3A_97 = tpu.memref_slice %arg3[%add3A_95] : memref<640000xi32, #tpu.memory_space<hbm>> -> memref<80xi32, #tpu.memory_space<hbm>>
    tpu.wait_dma2 semaphore(%arg23 : memref<!tpu.dma_semaphore, #tpu.memory_space<semaphore_mem>>) src(%dma_wait3A_97 : memref<80xi32, #tpu.memory_space<hbm>>) dst(%arg21 : memref<80xi32, #tpu.memory_space<vmem>>)
    %dma_start3A_98 = arith.constant 0 : i32
    %dma_start3A_99 = arith.constant 0 : i32
    %dma_start3A_100 = tpu.memref_slice %arg2[%dma_start3A_98, %dma_start3A_99] : memref<10000x128xf32, #tpu.memory_space<hbm>> -> memref<10000x128xf32, #tpu.memory_space<hbm>>
    tpu.enqueue_indirect_dma source(%dma_start3A_100 : memref<10000x128xf32, #tpu.memory_space<hbm>>) target(%arg22 : memref<80x128xf32, #tpu.memory_space<vmem>>) offsets(%arg20 : memref<80xi32, #tpu.memory_space<vmem>>) semaphore(%arg24 : memref<!tpu.dma_semaphore, #tpu.memory_space<semaphore_mem>>)
    %dma_wait3A_101 = arith.constant 0 : i32
    %dma_wait3A_102 = arith.constant 0 : i32
    %dma_wait3A_103 = tpu.memref_slice %arg2[%dma_wait3A_101, %dma_wait3A_102] : memref<10000x128xf32, #tpu.memory_space<hbm>> -> memref<10000x128xf32, #tpu.memory_space<hbm>>
    tpu.wait_indirect_dma semaphore(%arg18 : memref<!tpu.dma_semaphore, #tpu.memory_space<semaphore_mem>>) src(%dma_wait3A_103 : memref<10000x128xf32, #tpu.memory_space<hbm>>) dst(%arg16 : memref<80x128xf32, #tpu.memory_space<vmem>>)
    %dma_start3A_104 = arith.constant 0 : i32
    %dma_start3A_105 = arith.constant 0 : i32
    %dma_start3A_106 = tpu.memref_slice %arg6[%dma_start3A_104, %dma_start3A_105] : memref<10000x128xf32, #tpu.memory_space<vmem_shared>> -> memref<10000x128xf32, #tpu.memory_space<vmem_shared>>
    tpu.enqueue_indirect_dma source(%arg16 : memref<80x128xf32, #tpu.memory_space<vmem>>) target(%dma_start3A_106 : memref<10000x128xf32, #tpu.memory_space<vmem_shared>>) offsets(%arg15 : memref<80xi32, #tpu.memory_space<vmem>>) semaphore(%arg19 : memref<!tpu.dma_semaphore, #tpu.memory_space<semaphore_mem>>) {add = true}
    %scan3A_107 = arith.constant 0 : i32
    %scan3A_108 = arith.constant 5 : i32
    %scan3A_109 = arith.addi %scan3A_107, %scan3A_108 : i32
    %scan3A_110 = arith.constant 1 : i32
    scf.for %scan3A_188 = %scan3A_107 to %scan3A_109 step %scan3A_110  : i32 {
      %mul3A_189 = arith.constant 1 : i32
      %mul3A_190 = arith.muli %scan3A_188, %mul3A_189 : i32
      %add3A_191 = arith.constant 0 : i32
      %add3A_192 = arith.addi %add3A_191, %mul3A_190 : i32
      %mul3A_193 = arith.constant 16 : i32
      %mul3A_194 = arith.muli %add3A_192, %mul3A_193 : i32
      %get3A = arith.index_cast %mul3A_194 : i32 to index
      %get3A_195 = tpu.vector_load %arg15[%get3A] {strides = array<i32>} : memref<80xi32, #tpu.memory_space<vmem>>, vector<16xi32>,
      %broadcast_in_dim3A = arith.constant 1.000000e+00 : f32
      %broadcast_in_dim3A_196 = vector.broadcast %broadcast_in_dim3A : f32 to vector<16xf32>
      tpu.vector_store_idx %arg26[%get3A_195], %broadcast_in_dim3A_196 {add = true} : memref<10000xf32, #tpu.memory_space<vmem>>[vector<16xi32>], vector<16xf32>,
    }
    %scan3A_111 = arith.constant 5 : i32
    %dma_wait3A_112 = arith.constant 0 : i32
    %dma_wait3A_113 = arith.constant 0 : i32
    %dma_wait3A_114 = tpu.memref_slice %arg6[%dma_wait3A_112, %dma_wait3A_113] : memref<10000x128xf32, #tpu.memory_space<vmem_shared>> -> memref<10000x128xf32, #tpu.memory_space<vmem_shared>>
    tpu.wait_indirect_dma semaphore(%arg19 : memref<!tpu.dma_semaphore, #tpu.memory_space<semaphore_mem>>) src(%arg16 : memref<80x128xf32, #tpu.memory_space<vmem>>) dst(%dma_wait3A_114 : memref<10000x128xf32, #tpu.memory_space<vmem_shared>>)
    %add3A_115 = arith.constant 9920 : i32
    %add3A_116 = arith.addi %mul3A_18, %add3A_115 : i32
    %dma_start3A_117 = tpu.memref_slice %arg3[%add3A_116] : memref<640000xi32, #tpu.memory_space<hbm>> -> memref<80xi32, #tpu.memory_space<hbm>>
    %dma_start3A_118 = tpu.memref_slice %arg3[%add3A_116] : memref<640000xi32, #tpu.memory_space<hbm>> -> memref<80xi32, #tpu.memory_space<hbm>>
    tpu.enqueue_dma source(%dma_start3A_118 : memref<80xi32, #tpu.memory_space<hbm>>) target(%arg14 : memref<80xi32, #tpu.memory_space<vmem>>) target_semaphore(%arg17 : memref<!tpu.dma_semaphore, #tpu.memory_space<semaphore_mem>>)
    %add3A_119 = arith.constant 320000 : i32
    %add3A_120 = arith.addi %add3A_119, %add3A_116 : i32
    %dma_start3A_121 = tpu.memref_slice %arg3[%add3A_120] : memref<640000xi32, #tpu.memory_space<hbm>> -> memref<80xi32, #tpu.memory_space<hbm>>
    %dma_start3A_122 = tpu.memref_slice %arg3[%add3A_120] : memref<640000xi32, #tpu.memory_space<hbm>> -> memref<80xi32, #tpu.memory_space<hbm>>
    tpu.enqueue_dma source(%dma_start3A_122 : memref<80xi32, #tpu.memory_space<hbm>>) target(%arg15 : memref<80xi32, #tpu.memory_space<vmem>>) target_semaphore(%arg17 : memref<!tpu.dma_semaphore, #tpu.memory_space<semaphore_mem>>)
    %add3A_123 = arith.constant 9840 : i32
    %add3A_124 = arith.addi %mul3A_18, %add3A_123 : i32
    %dma_wait3A_125 = tpu.memref_slice %arg3[%add3A_124] : memref<640000xi32, #tpu.memory_space<hbm>> -> memref<80xi32, #tpu.memory_space<hbm>>
    %dma_wait3A_126 = tpu.memref_slice %arg3[%add3A_124] : memref<640000xi32, #tpu.memory_space<hbm>> -> memref<80xi32, #tpu.memory_space<hbm>>
    tpu.wait_dma2 semaphore(%arg11 : memref<!tpu.dma_semaphore, #tpu.memory_space<semaphore_mem>>) src(%dma_wait3A_126 : memref<80xi32, #tpu.memory_space<hbm>>) dst(%arg8 : memref<80xi32, #tpu.memory_space<vmem>>)
    %add3A_127 = arith.constant 320000 : i32
    %add3A_128 = arith.addi %add3A_127, %add3A_124 : i32
    %dma_wait3A_129 = tpu.memref_slice %arg3[%add3A_128] : memref<640000xi32, #tpu.memory_space<hbm>> -> memref<80xi32, #tpu.memory_space<hbm>>
    %dma_wait3A_130 = tpu.memref_slice %arg3[%add3A_128] : memref<640000xi32, #tpu.memory_space<hbm>> -> memref<80xi32, #tpu.memory_space<hbm>>
    tpu.wait_dma2 semaphore(%arg11 : memref<!tpu.dma_semaphore, #tpu.memory_space<semaphore_mem>>) src(%dma_wait3A_130 : memref<80xi32, #tpu.memory_space<hbm>>) dst(%arg9 : memref<80xi32, #tpu.memory_space<vmem>>)
    %dma_start3A_131 = arith.constant 0 : i32
    %dma_start3A_132 = arith.constant 0 : i32
    %dma_start3A_133 = tpu.memref_slice %arg2[%dma_start3A_131, %dma_start3A_132] : memref<10000x128xf32, #tpu.memory_space<hbm>> -> memref<10000x128xf32, #tpu.memory_space<hbm>>
    tpu.enqueue_indirect_dma source(%dma_start3A_133 : memref<10000x128xf32, #tpu.memory_space<hbm>>) target(%arg10 : memref<80x128xf32, #tpu.memory_space<vmem>>) offsets(%arg8 : memref<80xi32, #tpu.memory_space<vmem>>) semaphore(%arg12 : memref<!tpu.dma_semaphore, #tpu.memory_space<semaphore_mem>>)
    %dma_wait3A_134 = arith.constant 0 : i32
    %dma_wait3A_135 = arith.constant 0 : i32
    %dma_wait3A_136 = tpu.memref_slice %arg2[%dma_wait3A_134, %dma_wait3A_135] : memref<10000x128xf32, #tpu.memory_space<hbm>> -> memref<10000x128xf32, #tpu.memory_space<hbm>>
    tpu.wait_indirect_dma semaphore(%arg24 : memref<!tpu.dma_semaphore, #tpu.memory_space<semaphore_mem>>) src(%dma_wait3A_136 : memref<10000x128xf32, #tpu.memory_space<hbm>>) dst(%arg22 : memref<80x128xf32, #tpu.memory_space<vmem>>)
    %dma_start3A_137 = arith.constant 0 : i32
    %dma_start3A_138 = arith.constant 0 : i32
    %dma_start3A_139 = tpu.memref_slice %arg6[%dma_start3A_137, %dma_start3A_138] : memref<10000x128xf32, #tpu.memory_space<vmem_shared>> -> memref<10000x128xf32, #tpu.memory_space<vmem_shared>>
    tpu.enqueue_indirect_dma source(%arg22 : memref<80x128xf32, #tpu.memory_space<vmem>>) target(%dma_start3A_139 : memref<10000x128xf32, #tpu.memory_space<vmem_shared>>) offsets(%arg21 : memref<80xi32, #tpu.memory_space<vmem>>) semaphore(%arg25 : memref<!tpu.dma_semaphore, #tpu.memory_space<semaphore_mem>>) {add = true}
    %scan3A_140 = arith.constant 0 : i32
    %scan3A_141 = arith.constant 5 : i32
    %scan3A_142 = arith.addi %scan3A_140, %scan3A_141 : i32
    %scan3A_143 = arith.constant 1 : i32
    scf.for %scan3A_188 = %scan3A_140 to %scan3A_142 step %scan3A_143  : i32 {
      %mul3A_189 = arith.constant 1 : i32
      %mul3A_190 = arith.muli %scan3A_188, %mul3A_189 : i32
      %add3A_191 = arith.constant 0 : i32
      %add3A_192 = arith.addi %add3A_191, %mul3A_190 : i32
      %mul3A_193 = arith.constant 16 : i32
      %mul3A_194 = arith.muli %add3A_192, %mul3A_193 : i32
      %get3A = arith.index_cast %mul3A_194 : i32 to index
      %get3A_195 = tpu.vector_load %arg21[%get3A] {strides = array<i32>} : memref<80xi32, #tpu.memory_space<vmem>>, vector<16xi32>,
      %broadcast_in_dim3A = arith.constant 1.000000e+00 : f32
      %broadcast_in_dim3A_196 = vector.broadcast %broadcast_in_dim3A : f32 to vector<16xf32>
      tpu.vector_store_idx %arg26[%get3A_195], %broadcast_in_dim3A_196 {add = true} : memref<10000xf32, #tpu.memory_space<vmem>>[vector<16xi32>], vector<16xf32>,
    }
    %scan3A_144 = arith.constant 5 : i32
    %dma_wait3A_145 = arith.constant 0 : i32
    %dma_wait3A_146 = arith.constant 0 : i32
    %dma_wait3A_147 = tpu.memref_slice %arg6[%dma_wait3A_145, %dma_wait3A_146] : memref<10000x128xf32, #tpu.memory_space<vmem_shared>> -> memref<10000x128xf32, #tpu.memory_space<vmem_shared>>
    tpu.wait_indirect_dma semaphore(%arg25 : memref<!tpu.dma_semaphore, #tpu.memory_space<semaphore_mem>>) src(%arg22 : memref<80x128xf32, #tpu.memory_space<vmem>>) dst(%dma_wait3A_147 : memref<10000x128xf32, #tpu.memory_space<vmem_shared>>)
    %add3A_148 = arith.constant 9920 : i32
    %add3A_149 = arith.addi %mul3A_18, %add3A_148 : i32
    %dma_wait3A_150 = tpu.memref_slice %arg3[%add3A_149] : memref<640000xi32, #tpu.memory_space<hbm>> -> memref<80xi32, #tpu.memory_space<hbm>>
    %dma_wait3A_151 = tpu.memref_slice %arg3[%add3A_149] : memref<640000xi32, #tpu.memory_space<hbm>> -> memref<80xi32, #tpu.memory_space<hbm>>
    tpu.wait_dma2 semaphore(%arg17 : memref<!tpu.dma_semaphore, #tpu.memory_space<semaphore_mem>>) src(%dma_wait3A_151 : memref<80xi32, #tpu.memory_space<hbm>>) dst(%arg14 : memref<80xi32, #tpu.memory_space<vmem>>)
    %add3A_152 = arith.constant 320000 : i32
    %add3A_153 = arith.addi %add3A_152, %add3A_149 : i32
    %dma_wait3A_154 = tpu.memref_slice %arg3[%add3A_153] : memref<640000xi32, #tpu.memory_space<hbm>> -> memref<80xi32, #tpu.memory_space<hbm>>
    %dma_wait3A_155 = tpu.memref_slice %arg3[%add3A_153] : memref<640000xi32, #tpu.memory_space<hbm>> -> memref<80xi32, #tpu.memory_space<hbm>>
    tpu.wait_dma2 semaphore(%arg17 : memref<!tpu.dma_semaphore, #tpu.memory_space<semaphore_mem>>) src(%dma_wait3A_155 : memref<80xi32, #tpu.memory_space<hbm>>) dst(%arg15 : memref<80xi32, #tpu.memory_space<vmem>>)
    %dma_start3A_156 = arith.constant 0 : i32
    %dma_start3A_157 = arith.constant 0 : i32
    %dma_start3A_158 = tpu.memref_slice %arg2[%dma_start3A_156, %dma_start3A_157] : memref<10000x128xf32, #tpu.memory_space<hbm>> -> memref<10000x128xf32, #tpu.memory_space<hbm>>
    tpu.enqueue_indirect_dma source(%dma_start3A_158 : memref<10000x128xf32, #tpu.memory_space<hbm>>) target(%arg16 : memref<80x128xf32, #tpu.memory_space<vmem>>) offsets(%arg14 : memref<80xi32, #tpu.memory_space<vmem>>) semaphore(%arg18 : memref<!tpu.dma_semaphore, #tpu.memory_space<semaphore_mem>>)
    %dma_wait3A_159 = arith.constant 0 : i32
    %dma_wait3A_160 = arith.constant 0 : i32
    %dma_wait3A_161 = tpu.memref_slice %arg2[%dma_wait3A_159, %dma_wait3A_160] : memref<10000x128xf32, #tpu.memory_space<hbm>> -> memref<10000x128xf32, #tpu.memory_space<hbm>>
    tpu.wait_indirect_dma semaphore(%arg12 : memref<!tpu.dma_semaphore, #tpu.memory_space<semaphore_mem>>) src(%dma_wait3A_161 : memref<10000x128xf32, #tpu.memory_space<hbm>>) dst(%arg10 : memref<80x128xf32, #tpu.memory_space<vmem>>)
    %dma_start3A_162 = arith.constant 0 : i32
    %dma_start3A_163 = arith.constant 0 : i32
    %dma_start3A_164 = tpu.memref_slice %arg6[%dma_start3A_162, %dma_start3A_163] : memref<10000x128xf32, #tpu.memory_space<vmem_shared>> -> memref<10000x128xf32, #tpu.memory_space<vmem_shared>>
    tpu.enqueue_indirect_dma source(%arg10 : memref<80x128xf32, #tpu.memory_space<vmem>>) target(%dma_start3A_164 : memref<10000x128xf32, #tpu.memory_space<vmem_shared>>) offsets(%arg9 : memref<80xi32, #tpu.memory_space<vmem>>) semaphore(%arg13 : memref<!tpu.dma_semaphore, #tpu.memory_space<semaphore_mem>>) {add = true}
    %scan3A_165 = arith.constant 0 : i32
    %scan3A_166 = arith.constant 5 : i32
    %scan3A_167 = arith.addi %scan3A_165, %scan3A_166 : i32
    %scan3A_168 = arith.constant 1 : i32
    scf.for %scan3A_188 = %scan3A_165 to %scan3A_167 step %scan3A_168  : i32 {
      %mul3A_189 = arith.constant 1 : i32
      %mul3A_190 = arith.muli %scan3A_188, %mul3A_189 : i32
      %add3A_191 = arith.constant 0 : i32
      %add3A_192 = arith.addi %add3A_191, %mul3A_190 : i32
      %mul3A_193 = arith.constant 16 : i32
      %mul3A_194 = arith.muli %add3A_192, %mul3A_193 : i32
      %get3A = arith.index_cast %mul3A_194 : i32 to index
      %get3A_195 = tpu.vector_load %arg9[%get3A] {strides = array<i32>} : memref<80xi32, #tpu.memory_space<vmem>>, vector<16xi32>,
      %broadcast_in_dim3A = arith.constant 1.000000e+00 : f32
      %broadcast_in_dim3A_196 = vector.broadcast %broadcast_in_dim3A : f32 to vector<16xf32>
      tpu.vector_store_idx %arg26[%get3A_195], %broadcast_in_dim3A_196 {add = true} : memref<10000xf32, #tpu.memory_space<vmem>>[vector<16xi32>], vector<16xf32>,
    }
    %scan3A_169 = arith.constant 5 : i32
    %dma_wait3A_170 = arith.constant 0 : i32
    %dma_wait3A_171 = arith.constant 0 : i32
    %dma_wait3A_172 = tpu.memref_slice %arg2[%dma_wait3A_170, %dma_wait3A_171] : memref<10000x128xf32, #tpu.memory_space<hbm>> -> memref<10000x128xf32, #tpu.memory_space<hbm>>
    tpu.wait_indirect_dma semaphore(%arg18 : memref<!tpu.dma_semaphore, #tpu.memory_space<semaphore_mem>>) src(%dma_wait3A_172 : memref<10000x128xf32, #tpu.memory_space<hbm>>) dst(%arg16 : memref<80x128xf32, #tpu.memory_space<vmem>>)
    %dma_start3A_173 = arith.constant 0 : i32
    %dma_start3A_174 = arith.constant 0 : i32
    %dma_start3A_175 = tpu.memref_slice %arg6[%dma_start3A_173, %dma_start3A_174] : memref<10000x128xf32, #tpu.memory_space<vmem_shared>> -> memref<10000x128xf32, #tpu.memory_space<vmem_shared>>
    tpu.enqueue_indirect_dma source(%arg16 : memref<80x128xf32, #tpu.memory_space<vmem>>) target(%dma_start3A_175 : memref<10000x128xf32, #tpu.memory_space<vmem_shared>>) offsets(%arg15 : memref<80xi32, #tpu.memory_space<vmem>>) semaphore(%arg19 : memref<!tpu.dma_semaphore, #tpu.memory_space<semaphore_mem>>) {add = true}
    %scan3A_176 = arith.constant 0 : i32
    %scan3A_177 = arith.constant 5 : i32
    %scan3A_178 = arith.addi %scan3A_176, %scan3A_177 : i32
    %scan3A_179 = arith.constant 1 : i32
    scf.for %scan3A_188 = %scan3A_176 to %scan3A_178 step %scan3A_179  : i32 {
      %mul3A_189 = arith.constant 1 : i32
      %mul3A_190 = arith.muli %scan3A_188, %mul3A_189 : i32
      %add3A_191 = arith.constant 0 : i32
      %add3A_192 = arith.addi %add3A_191, %mul3A_190 : i32
      %mul3A_193 = arith.constant 16 : i32
      %mul3A_194 = arith.muli %add3A_192, %mul3A_193 : i32
      %get3A = arith.index_cast %mul3A_194 : i32 to index
      %get3A_195 = tpu.vector_load %arg15[%get3A] {strides = array<i32>} : memref<80xi32, #tpu.memory_space<vmem>>, vector<16xi32>,
      %broadcast_in_dim3A = arith.constant 1.000000e+00 : f32
      %broadcast_in_dim3A_196 = vector.broadcast %broadcast_in_dim3A : f32 to vector<16xf32>
      tpu.vector_store_idx %arg26[%get3A_195], %broadcast_in_dim3A_196 {add = true} : memref<10000xf32, #tpu.memory_space<vmem>>[vector<16xi32>], vector<16xf32>,
    }
    %scan3A_180 = arith.constant 5 : i32
    %dma_wait3A_181 = arith.constant 0 : i32
    %dma_wait3A_182 = arith.constant 0 : i32
    %dma_wait3A_183 = tpu.memref_slice %arg6[%dma_wait3A_181, %dma_wait3A_182] : memref<10000x128xf32, #tpu.memory_space<vmem_shared>> -> memref<10000x128xf32, #tpu.memory_space<vmem_shared>>
    tpu.wait_indirect_dma semaphore(%arg13 : memref<!tpu.dma_semaphore, #tpu.memory_space<semaphore_mem>>) src(%arg10 : memref<80x128xf32, #tpu.memory_space<vmem>>) dst(%dma_wait3A_183 : memref<10000x128xf32, #tpu.memory_space<vmem_shared>>)
    %dma_wait3A_184 = arith.constant 0 : i32
    %dma_wait3A_185 = arith.constant 0 : i32
    %dma_wait3A_186 = tpu.memref_slice %arg6[%dma_wait3A_184, %dma_wait3A_185] : memref<10000x128xf32, #tpu.memory_space<vmem_shared>> -> memref<10000x128xf32, #tpu.memory_space<vmem_shared>>
    tpu.wait_indirect_dma semaphore(%arg19 : memref<!tpu.dma_semaphore, #tpu.memory_space<semaphore_mem>>) src(%arg16 : memref<80x128xf32, #tpu.memory_space<vmem>>) dst(%dma_wait3A_186 : memref<10000x128xf32, #tpu.memory_space<vmem_shared>>)
    %barrier3A_187 = arith.constant 0 : index
    tpu.barrier barrier_id(%barrier3A_187)
    "tpu.region"() ({
      %run_scoped3A = tpu.sem_alloc : memref<!tpu.dma_semaphore, #tpu.memory_space<semaphore_mem>>
      %dma_start3A_188 = arith.constant 0 : i32
      %dma_start3A_189 = tpu.memref_slice %arg4[%arg0, %mul3A_9, %dma_start3A_188] : memref<2x10000x128xf32, #tpu.memory_space<hbm>> -> memref<1x640x128xf32, #tpu.memory_space<hbm>>
      %dma_start3A_190 = tpu.memref_squeeze %dma_start3A_189 : memref<1x640x128xf32, #tpu.memory_space<hbm>> -> memref<640x128xf32, #tpu.memory_space<hbm>>
      %dma_start3A_191 = arith.constant 0 : i32
      %dma_start3A_192 = tpu.memref_slice %arg6[%mul3A_9, %dma_start3A_191] : memref<10000x128xf32, #tpu.memory_space<vmem_shared>> -> memref<640x128xf32, #tpu.memory_space<vmem_shared>>
      tpu.enqueue_dma source(%dma_start3A_192 : memref<640x128xf32, #tpu.memory_space<vmem_shared>>) target(%dma_start3A_190 : memref<640x128xf32, #tpu.memory_space<hbm>>) target_semaphore(%run_scoped3A : memref<!tpu.dma_semaphore, #tpu.memory_space<semaphore_mem>>)
      %dma_wait3A_193 = arith.constant 0 : i32
      %dma_wait3A_194 = tpu.memref_slice %arg4[%arg0, %mul3A_9, %dma_wait3A_193] : memref<2x10000x128xf32, #tpu.memory_space<hbm>> -> memref<1x640x128xf32, #tpu.memory_space<hbm>>
      %dma_wait3A_195 = tpu.memref_squeeze %dma_wait3A_194 : memref<1x640x128xf32, #tpu.memory_space<hbm>> -> memref<640x128xf32, #tpu.memory_space<hbm>>
      %dma_wait3A_196 = arith.constant 0 : i32
      %dma_wait3A_197 = tpu.memref_slice %arg6[%mul3A_9, %dma_wait3A_196] : memref<10000x128xf32, #tpu.memory_space<vmem_shared>> -> memref<640x128xf32, #tpu.memory_space<vmem_shared>>
      tpu.wait_dma2 semaphore(%run_scoped3A : memref<!tpu.dma_semaphore, #tpu.memory_space<semaphore_mem>>) src(%dma_wait3A_197 : memref<640x128xf32, #tpu.memory_space<vmem_shared>>) dst(%dma_wait3A_195 : memref<640x128xf32, #tpu.memory_space<hbm>>)
      tpu.yield
    }) : () -> ()
    "tpu.region"() ({
      %run_scoped3A = tpu.sem_alloc : memref<!tpu.dma_semaphore, #tpu.memory_space<semaphore_mem>>
      %dma_start3A_188 = arith.constant 0 : i32
      %dma_start3A_189 = tpu.memref_slice %arg5[%arg0, %arg1, %dma_start3A_188] : memref<2x16x10000xf32, #tpu.memory_space<hbm>> -> memref<1x1x10000xf32, #tpu.memory_space<hbm>>
      %dma_start3A_190 = tpu.memref_squeeze %dma_start3A_189 : memref<1x1x10000xf32, #tpu.memory_space<hbm>> -> memref<10000xf32, #tpu.memory_space<hbm>>
      %dma_start3A_191 = arith.constant 0 : i32
      %dma_start3A_192 = tpu.memref_slice %arg5[%arg0, %arg1, %dma_start3A_191] : memref<2x16x10000xf32, #tpu.memory_space<hbm>> -> memref<1x1x10000xf32, #tpu.memory_space<hbm>>
      %dma_start3A_193 = tpu.memref_squeeze %dma_start3A_192 : memref<1x1x10000xf32, #tpu.memory_space<hbm>> -> memref<10000xf32, #tpu.memory_space<hbm>>
      tpu.enqueue_dma source(%arg26 : memref<10000xf32, #tpu.memory_space<vmem>>) target(%dma_start3A_193 : memref<10000xf32, #tpu.memory_space<hbm>>) target_semaphore(%run_scoped3A : memref<!tpu.dma_semaphore, #tpu.memory_space<semaphore_mem>>)
      %dma_wait3A_194 = arith.constant 0 : i32
      %dma_wait3A_195 = tpu.memref_slice %arg5[%arg0, %arg1, %dma_wait3A_194] : memref<2x16x10000xf32, #tpu.memory_space<hbm>> -> memref<1x1x10000xf32, #tpu.memory_space<hbm>>
      %dma_wait3A_196 = tpu.memref_squeeze %dma_wait3A_195 : memref<1x1x10000xf32, #tpu.memory_space<hbm>> -> memref<10000xf32, #tpu.memory_space<hbm>>
      %dma_wait3A_197 = arith.constant 0 : i32
      %dma_wait3A_198 = tpu.memref_slice %arg5[%arg0, %arg1, %dma_wait3A_197] : memref<2x16x10000xf32, #tpu.memory_space<hbm>> -> memref<1x1x10000xf32, #tpu.memory_space<hbm>>
      %dma_wait3A_199 = tpu.memref_squeeze %dma_wait3A_198 : memref<1x1x10000xf32, #tpu.memory_space<hbm>> -> memref<10000xf32, #tpu.memory_space<hbm>>
      tpu.wait_dma2 semaphore(%run_scoped3A : memref<!tpu.dma_semaphore, #tpu.memory_space<semaphore_mem>>) src(%arg26 : memref<10000xf32, #tpu.memory_space<vmem>>) dst(%dma_wait3A_199 : memref<10000xf32, #tpu.memory_space<hbm>>)
      tpu.yield
    }) : () -> ()
    return
  }
}

#map = affine_map<(d0, d1) -> (0, 0)>
#map1 = affine_map<(d0, d1) -> (0)>
#map2 = affine_map<(d0, d1) -> (0, 0, 0)>
module attributes {stable_mosaic.version = 14 : i64} {
  func.func @body(%arg0: i32, %arg1: i32, %arg2: memref<10000x128xf32, #tpu.memory_space<hbm>>, %arg3: memref<640000xi32, #tpu.memory_space<hbm>>, %arg4: memref<2x10000x128xf32, #tpu.memory_space<hbm>>, %arg5: memref<10000x128xf32, #tpu.memory_space<vmem_shared>>, %arg6: memref<16x128xf32, #tpu.memory_space<vmem>>, %arg7: memref<80xi32, #tpu.memory_space<vmem>>, %arg8: memref<80xi32, #tpu.memory_space<vmem>>, %arg9: memref<80x128xf32, #tpu.memory_space<vmem>>, %arg10: memref<!tpu.dma_semaphore, #tpu.memory_space<semaphore_mem>>, %arg11: memref<!tpu.dma_semaphore, #tpu.memory_space<semaphore_mem>>, %arg12: memref<!tpu.dma_semaphore, #tpu.memory_space<semaphore_mem>>, %arg13: memref<80xi32, #tpu.memory_space<vmem>>, %arg14: memref<80xi32, #tpu.memory_space<vmem>>, %arg15: memref<80x128xf32, #tpu.memory_space<vmem>>, %arg16: memref<!tpu.dma_semaphore, #tpu.memory_space<semaphore_mem>>, %arg17: memref<!tpu.dma_semaphore, #tpu.memory_space<semaphore_mem>>, %arg18: memref<!tpu.dma_semaphore, #tpu.memory_space<semaphore_mem>>, %arg19: memref<80xi32, #tpu.memory_space<vmem>>, %arg20: memref<80xi32, #tpu.memory_space<vmem>>, %arg21: memref<80x128xf32, #tpu.memory_space<vmem>>, %arg22: memref<!tpu.dma_semaphore, #tpu.memory_space<semaphore_mem>>, %arg23: memref<!tpu.dma_semaphore, #tpu.memory_space<semaphore_mem>>, %arg24: memref<!tpu.dma_semaphore, #tpu.memory_space<semaphore_mem>>) attributes {dimension_semantics = [#tpu.dimension_semantics<core_parallel>, #tpu.dimension_semantics<subcore_parallel>], iteration_bounds = array<i64: 2, 16>, scalar_prefetch = 0 : i64, scratch_operands = 20 : i64, tpu.core_type = #tpu.core_type<sc_vector_subcore>, window_params = [{transform_indices = #map}, {transform_indices = #map1}, {transform_indices = #map2}]} {
    %scan3A = arith.constant 0 : i32
    %scan3A_0 = arith.constant 16 : i32
    %scan3A_1 = arith.addi %scan3A, %scan3A_0 : i32
    %scan3A_2 = arith.constant 1 : i32
    scf.for %scan3A_158 = %scan3A to %scan3A_1 step %scan3A_2  : i32 {
      %mul3A_159 = arith.constant 1 : i32
      %mul3A_160 = arith.muli %scan3A_158, %mul3A_159 : i32
      %add3A_161 = arith.constant 0 : i32
      %add3A_162 = arith.addi %add3A_161, %mul3A_160 : i32
      %scan3A_163 = arith.constant 0 : i32
      %scan3A_164 = arith.constant 8 : i32
      %scan3A_165 = arith.addi %scan3A_163, %scan3A_164 : i32
      %scan3A_166 = arith.constant 1 : i32
      scf.for %scan3A_168 = %scan3A_163 to %scan3A_165 step %scan3A_166  : i32 {
        %mul3A_169 = arith.constant 1 : i32
        %mul3A_170 = arith.muli %scan3A_168, %mul3A_169 : i32
        %add3A_171 = arith.constant 0 : i32
        %add3A_172 = arith.addi %add3A_171, %mul3A_170 : i32
        %broadcast_in_dim3A = arith.constant 0.000000e+00 : f32
        %broadcast_in_dim3A_173 = vector.broadcast %broadcast_in_dim3A : f32 to vector<16xf32>
        %mul3A_174 = arith.constant 16 : i32
        %mul3A_175 = arith.muli %add3A_172, %mul3A_174 : i32
        %swap3A = arith.index_cast %add3A_162 : i32 to index
        %swap3A_176 = arith.index_cast %mul3A_175 : i32 to index
        %swap3A_177 = tpu.vector_load %arg6[%swap3A, %swap3A_176] {strides = array<i32>} : memref<16x128xf32, #tpu.memory_space<vmem>>, vector<16xf32>,
        tpu.vector_store %arg6[%swap3A, %swap3A_176], %broadcast_in_dim3A_173 {strides = array<i32>} : memref<16x128xf32, #tpu.memory_space<vmem>>, vector<16xf32>,
      }
      %scan3A_167 = arith.constant 8 : i32
    }
    %scan3A_3 = arith.constant 16 : i32
    %mul3A = arith.constant 624 : i32
    %mul3A_4 = arith.muli %arg1, %mul3A : i32
    %scan3A_5 = arith.constant 0 : i32
    %scan3A_6 = arith.constant 40 : i32
    %scan3A_7 = arith.addi %scan3A_5, %scan3A_6 : i32
    %scan3A_8 = arith.constant 1 : i32
    scf.for %scan3A_158 = %scan3A_5 to %scan3A_7 step %scan3A_8  : i32 {
      %mul3A_159 = arith.constant 1 : i32
      %mul3A_160 = arith.muli %scan3A_158, %mul3A_159 : i32
      %add3A_161 = arith.constant 0 : i32
      %add3A_162 = arith.addi %add3A_161, %mul3A_160 : i32
      %mul3A_163 = arith.constant 16 : i32
      %mul3A_164 = arith.muli %add3A_162, %mul3A_163 : i32
      %add3A_165 = arith.addi %mul3A_4, %mul3A_164 : i32
      "tpu.region"() ({
        %run_scoped3A = tpu.sem_alloc : memref<!tpu.dma_semaphore, #tpu.memory_space<semaphore_mem>>
        %dma_start3A_166 = arith.constant 0 : i32
        %dma_start3A_167 = tpu.memref_slice %arg5[%add3A_165, %dma_start3A_166] : memref<10000x128xf32, #tpu.memory_space<vmem_shared>> -> memref<16x128xf32, #tpu.memory_space<vmem_shared>>
        %dma_start3A_168 = arith.constant 0 : i32
        %dma_start3A_169 = tpu.memref_slice %arg5[%add3A_165, %dma_start3A_168] : memref<10000x128xf32, #tpu.memory_space<vmem_shared>> -> memref<16x128xf32, #tpu.memory_space<vmem_shared>>
        tpu.enqueue_dma source(%arg6 : memref<16x128xf32, #tpu.memory_space<vmem>>) target(%dma_start3A_169 : memref<16x128xf32, #tpu.memory_space<vmem_shared>>) target_semaphore(%run_scoped3A : memref<!tpu.dma_semaphore, #tpu.memory_space<semaphore_mem>>)
        %dma_wait3A_170 = arith.constant 0 : i32
        %dma_wait3A_171 = tpu.memref_slice %arg5[%add3A_165, %dma_wait3A_170] : memref<10000x128xf32, #tpu.memory_space<vmem_shared>> -> memref<16x128xf32, #tpu.memory_space<vmem_shared>>
        %dma_wait3A_172 = arith.constant 0 : i32
        %dma_wait3A_173 = tpu.memref_slice %arg5[%add3A_165, %dma_wait3A_172] : memref<10000x128xf32, #tpu.memory_space<vmem_shared>> -> memref<16x128xf32, #tpu.memory_space<vmem_shared>>
        tpu.wait_dma2 semaphore(%run_scoped3A : memref<!tpu.dma_semaphore, #tpu.memory_space<semaphore_mem>>) src(%arg6 : memref<16x128xf32, #tpu.memory_space<vmem>>) dst(%dma_wait3A_173 : memref<16x128xf32, #tpu.memory_space<vmem_shared>>)
        tpu.yield
      }) : () -> ()
    }
    %scan3A_9 = arith.constant 40 : i32
    %barrier3A = arith.constant 0 : index
    tpu.barrier barrier_id(%barrier3A)
    %mul3A_10 = arith.constant 16 : i32
    %mul3A_11 = arith.muli %arg0, %mul3A_10 : i32
    %add3A = arith.addi %mul3A_11, %arg1 : i32
    %mul3A_12 = arith.constant 10000 : i32
    %mul3A_13 = arith.muli %add3A, %mul3A_12 : i32
    %add3A_14 = arith.constant 0 : i32
    %add3A_15 = arith.addi %mul3A_13, %add3A_14 : i32
    %dma_start3A = tpu.memref_slice %arg3[%add3A_15] : memref<640000xi32, #tpu.memory_space<hbm>> -> memref<80xi32, #tpu.memory_space<hbm>>
    %dma_start3A_16 = tpu.memref_slice %arg3[%add3A_15] : memref<640000xi32, #tpu.memory_space<hbm>> -> memref<80xi32, #tpu.memory_space<hbm>>
    tpu.enqueue_dma source(%dma_start3A_16 : memref<80xi32, #tpu.memory_space<hbm>>) target(%arg7 : memref<80xi32, #tpu.memory_space<vmem>>) target_semaphore(%arg10 : memref<!tpu.dma_semaphore, #tpu.memory_space<semaphore_mem>>)
    %add3A_17 = arith.constant 320000 : i32
    %add3A_18 = arith.addi %add3A_17, %add3A_15 : i32
    %dma_start3A_19 = tpu.memref_slice %arg3[%add3A_18] : memref<640000xi32, #tpu.memory_space<hbm>> -> memref<80xi32, #tpu.memory_space<hbm>>
    %dma_start3A_20 = tpu.memref_slice %arg3[%add3A_18] : memref<640000xi32, #tpu.memory_space<hbm>> -> memref<80xi32, #tpu.memory_space<hbm>>
    tpu.enqueue_dma source(%dma_start3A_20 : memref<80xi32, #tpu.memory_space<hbm>>) target(%arg8 : memref<80xi32, #tpu.memory_space<vmem>>) target_semaphore(%arg10 : memref<!tpu.dma_semaphore, #tpu.memory_space<semaphore_mem>>)
    %add3A_21 = arith.constant 80 : i32
    %add3A_22 = arith.addi %mul3A_13, %add3A_21 : i32
    %dma_start3A_23 = tpu.memref_slice %arg3[%add3A_22] : memref<640000xi32, #tpu.memory_space<hbm>> -> memref<80xi32, #tpu.memory_space<hbm>>
    %dma_start3A_24 = tpu.memref_slice %arg3[%add3A_22] : memref<640000xi32, #tpu.memory_space<hbm>> -> memref<80xi32, #tpu.memory_space<hbm>>
    tpu.enqueue_dma source(%dma_start3A_24 : memref<80xi32, #tpu.memory_space<hbm>>) target(%arg13 : memref<80xi32, #tpu.memory_space<vmem>>) target_semaphore(%arg16 : memref<!tpu.dma_semaphore, #tpu.memory_space<semaphore_mem>>)
    %add3A_25 = arith.constant 320000 : i32
    %add3A_26 = arith.addi %add3A_25, %add3A_22 : i32
    %dma_start3A_27 = tpu.memref_slice %arg3[%add3A_26] : memref<640000xi32, #tpu.memory_space<hbm>> -> memref<80xi32, #tpu.memory_space<hbm>>
    %dma_start3A_28 = tpu.memref_slice %arg3[%add3A_26] : memref<640000xi32, #tpu.memory_space<hbm>> -> memref<80xi32, #tpu.memory_space<hbm>>
    tpu.enqueue_dma source(%dma_start3A_28 : memref<80xi32, #tpu.memory_space<hbm>>) target(%arg14 : memref<80xi32, #tpu.memory_space<vmem>>) target_semaphore(%arg16 : memref<!tpu.dma_semaphore, #tpu.memory_space<semaphore_mem>>)
    %add3A_29 = arith.constant 0 : i32
    %add3A_30 = arith.addi %mul3A_13, %add3A_29 : i32
    %dma_wait3A = tpu.memref_slice %arg3[%add3A_30] : memref<640000xi32, #tpu.memory_space<hbm>> -> memref<80xi32, #tpu.memory_space<hbm>>
    %dma_wait3A_31 = tpu.memref_slice %arg3[%add3A_30] : memref<640000xi32, #tpu.memory_space<hbm>> -> memref<80xi32, #tpu.memory_space<hbm>>
    tpu.wait_dma2 semaphore(%arg10 : memref<!tpu.dma_semaphore, #tpu.memory_space<semaphore_mem>>) src(%dma_wait3A_31 : memref<80xi32, #tpu.memory_space<hbm>>) dst(%arg7 : memref<80xi32, #tpu.memory_space<vmem>>)
    %add3A_32 = arith.constant 320000 : i32
    %add3A_33 = arith.addi %add3A_32, %add3A_30 : i32
    %dma_wait3A_34 = tpu.memref_slice %arg3[%add3A_33] : memref<640000xi32, #tpu.memory_space<hbm>> -> memref<80xi32, #tpu.memory_space<hbm>>
    %dma_wait3A_35 = tpu.memref_slice %arg3[%add3A_33] : memref<640000xi32, #tpu.memory_space<hbm>> -> memref<80xi32, #tpu.memory_space<hbm>>
    tpu.wait_dma2 semaphore(%arg10 : memref<!tpu.dma_semaphore, #tpu.memory_space<semaphore_mem>>) src(%dma_wait3A_35 : memref<80xi32, #tpu.memory_space<hbm>>) dst(%arg8 : memref<80xi32, #tpu.memory_space<vmem>>)
    %dma_start3A_36 = arith.constant 0 : i32
    %dma_start3A_37 = arith.constant 0 : i32
    %dma_start3A_38 = tpu.memref_slice %arg2[%dma_start3A_36, %dma_start3A_37] : memref<10000x128xf32, #tpu.memory_space<hbm>> -> memref<10000x128xf32, #tpu.memory_space<hbm>>
    tpu.enqueue_indirect_dma source(%dma_start3A_38 : memref<10000x128xf32, #tpu.memory_space<hbm>>) target(%arg9 : memref<80x128xf32, #tpu.memory_space<vmem>>) offsets(%arg7 : memref<80xi32, #tpu.memory_space<vmem>>) semaphore(%arg11 : memref<!tpu.dma_semaphore, #tpu.memory_space<semaphore_mem>>)
    %add3A_39 = arith.constant 160 : i32
    %add3A_40 = arith.addi %mul3A_13, %add3A_39 : i32
    %dma_start3A_41 = tpu.memref_slice %arg3[%add3A_40] : memref<640000xi32, #tpu.memory_space<hbm>> -> memref<80xi32, #tpu.memory_space<hbm>>
    %dma_start3A_42 = tpu.memref_slice %arg3[%add3A_40] : memref<640000xi32, #tpu.memory_space<hbm>> -> memref<80xi32, #tpu.memory_space<hbm>>
    tpu.enqueue_dma source(%dma_start3A_42 : memref<80xi32, #tpu.memory_space<hbm>>) target(%arg19 : memref<80xi32, #tpu.memory_space<vmem>>) target_semaphore(%arg22 : memref<!tpu.dma_semaphore, #tpu.memory_space<semaphore_mem>>)
    %add3A_43 = arith.constant 320000 : i32
    %add3A_44 = arith.addi %add3A_43, %add3A_40 : i32
    %dma_start3A_45 = tpu.memref_slice %arg3[%add3A_44] : memref<640000xi32, #tpu.memory_space<hbm>> -> memref<80xi32, #tpu.memory_space<hbm>>
    %dma_start3A_46 = tpu.memref_slice %arg3[%add3A_44] : memref<640000xi32, #tpu.memory_space<hbm>> -> memref<80xi32, #tpu.memory_space<hbm>>
    tpu.enqueue_dma source(%dma_start3A_46 : memref<80xi32, #tpu.memory_space<hbm>>) target(%arg20 : memref<80xi32, #tpu.memory_space<vmem>>) target_semaphore(%arg22 : memref<!tpu.dma_semaphore, #tpu.memory_space<semaphore_mem>>)
    %add3A_47 = arith.constant 80 : i32
    %add3A_48 = arith.addi %mul3A_13, %add3A_47 : i32
    %dma_wait3A_49 = tpu.memref_slice %arg3[%add3A_48] : memref<640000xi32, #tpu.memory_space<hbm>> -> memref<80xi32, #tpu.memory_space<hbm>>
    %dma_wait3A_50 = tpu.memref_slice %arg3[%add3A_48] : memref<640000xi32, #tpu.memory_space<hbm>> -> memref<80xi32, #tpu.memory_space<hbm>>
    tpu.wait_dma2 semaphore(%arg16 : memref<!tpu.dma_semaphore, #tpu.memory_space<semaphore_mem>>) src(%dma_wait3A_50 : memref<80xi32, #tpu.memory_space<hbm>>) dst(%arg13 : memref<80xi32, #tpu.memory_space<vmem>>)
    %add3A_51 = arith.constant 320000 : i32
    %add3A_52 = arith.addi %add3A_51, %add3A_48 : i32
    %dma_wait3A_53 = tpu.memref_slice %arg3[%add3A_52] : memref<640000xi32, #tpu.memory_space<hbm>> -> memref<80xi32, #tpu.memory_space<hbm>>
    %dma_wait3A_54 = tpu.memref_slice %arg3[%add3A_52] : memref<640000xi32, #tpu.memory_space<hbm>> -> memref<80xi32, #tpu.memory_space<hbm>>
    tpu.wait_dma2 semaphore(%arg16 : memref<!tpu.dma_semaphore, #tpu.memory_space<semaphore_mem>>) src(%dma_wait3A_54 : memref<80xi32, #tpu.memory_space<hbm>>) dst(%arg14 : memref<80xi32, #tpu.memory_space<vmem>>)
    %dma_start3A_55 = arith.constant 0 : i32
    %dma_start3A_56 = arith.constant 0 : i32
    %dma_start3A_57 = tpu.memref_slice %arg2[%dma_start3A_55, %dma_start3A_56] : memref<10000x128xf32, #tpu.memory_space<hbm>> -> memref<10000x128xf32, #tpu.memory_space<hbm>>
    tpu.enqueue_indirect_dma source(%dma_start3A_57 : memref<10000x128xf32, #tpu.memory_space<hbm>>) target(%arg15 : memref<80x128xf32, #tpu.memory_space<vmem>>) offsets(%arg13 : memref<80xi32, #tpu.memory_space<vmem>>) semaphore(%arg17 : memref<!tpu.dma_semaphore, #tpu.memory_space<semaphore_mem>>)
    %dma_wait3A_58 = arith.constant 0 : i32
    %dma_wait3A_59 = arith.constant 0 : i32
    %dma_wait3A_60 = tpu.memref_slice %arg2[%dma_wait3A_58, %dma_wait3A_59] : memref<10000x128xf32, #tpu.memory_space<hbm>> -> memref<10000x128xf32, #tpu.memory_space<hbm>>
    tpu.wait_indirect_dma semaphore(%arg11 : memref<!tpu.dma_semaphore, #tpu.memory_space<semaphore_mem>>) src(%dma_wait3A_60 : memref<10000x128xf32, #tpu.memory_space<hbm>>) dst(%arg9 : memref<80x128xf32, #tpu.memory_space<vmem>>)
    %dma_start3A_61 = arith.constant 0 : i32
    %dma_start3A_62 = arith.constant 0 : i32
    %dma_start3A_63 = tpu.memref_slice %arg5[%dma_start3A_61, %dma_start3A_62] : memref<10000x128xf32, #tpu.memory_space<vmem_shared>> -> memref<10000x128xf32, #tpu.memory_space<vmem_shared>>
    tpu.enqueue_indirect_dma source(%arg9 : memref<80x128xf32, #tpu.memory_space<vmem>>) target(%dma_start3A_63 : memref<10000x128xf32, #tpu.memory_space<vmem_shared>>) offsets(%arg8 : memref<80xi32, #tpu.memory_space<vmem>>) semaphore(%arg12 : memref<!tpu.dma_semaphore, #tpu.memory_space<semaphore_mem>>) {add = true}
    %scan3A_64 = arith.constant 0 : i32
    %scan3A_65 = arith.constant 40 : i32
    %scan3A_66 = arith.addi %scan3A_64, %scan3A_65 : i32
    %scan3A_67 = arith.constant 1 : i32
    scf.for %scan3A_158 = %scan3A_64 to %scan3A_66 step %scan3A_67  : i32 {
      %mul3A_159 = arith.constant 1 : i32
      %mul3A_160 = arith.muli %scan3A_158, %mul3A_159 : i32
      %add3A_161 = arith.constant 0 : i32
      %add3A_162 = arith.addi %add3A_161, %mul3A_160 : i32
      %mul3A_163 = arith.constant 3 : i32
      %mul3A_164 = arith.muli %mul3A_163, %add3A_162 : i32
      %dma_wait3A_165 = arith.constant 0 : i32
      %dma_wait3A_166 = arith.constant 0 : i32
      %dma_wait3A_167 = tpu.memref_slice %arg5[%dma_wait3A_165, %dma_wait3A_166] : memref<10000x128xf32, #tpu.memory_space<vmem_shared>> -> memref<10000x128xf32, #tpu.memory_space<vmem_shared>>
      tpu.wait_indirect_dma semaphore(%arg12 : memref<!tpu.dma_semaphore, #tpu.memory_space<semaphore_mem>>) src(%arg9 : memref<80x128xf32, #tpu.memory_space<vmem>>) dst(%dma_wait3A_167 : memref<10000x128xf32, #tpu.memory_space<vmem_shared>>)
      %add3A_168 = arith.constant 3 : i32
      %add3A_169 = arith.addi %mul3A_164, %add3A_168 : i32
      %mul3A_170 = arith.constant 80 : i32
      %mul3A_171 = arith.muli %add3A_169, %mul3A_170 : i32
      %add3A_172 = arith.addi %mul3A_13, %mul3A_171 : i32
      %dma_start3A_173 = tpu.memref_slice %arg3[%add3A_172] : memref<640000xi32, #tpu.memory_space<hbm>> -> memref<80xi32, #tpu.memory_space<hbm>>
      %dma_start3A_174 = tpu.memref_slice %arg3[%add3A_172] : memref<640000xi32, #tpu.memory_space<hbm>> -> memref<80xi32, #tpu.memory_space<hbm>>
      tpu.enqueue_dma source(%dma_start3A_174 : memref<80xi32, #tpu.memory_space<hbm>>) target(%arg7 : memref<80xi32, #tpu.memory_space<vmem>>) target_semaphore(%arg10 : memref<!tpu.dma_semaphore, #tpu.memory_space<semaphore_mem>>)
      %add3A_175 = arith.constant 320000 : i32
      %add3A_176 = arith.addi %add3A_175, %add3A_172 : i32
      %dma_start3A_177 = tpu.memref_slice %arg3[%add3A_176] : memref<640000xi32, #tpu.memory_space<hbm>> -> memref<80xi32, #tpu.memory_space<hbm>>
      %dma_start3A_178 = tpu.memref_slice %arg3[%add3A_176] : memref<640000xi32, #tpu.memory_space<hbm>> -> memref<80xi32, #tpu.memory_space<hbm>>
      tpu.enqueue_dma source(%dma_start3A_178 : memref<80xi32, #tpu.memory_space<hbm>>) target(%arg8 : memref<80xi32, #tpu.memory_space<vmem>>) target_semaphore(%arg10 : memref<!tpu.dma_semaphore, #tpu.memory_space<semaphore_mem>>)
      %add3A_179 = arith.constant 2 : i32
      %add3A_180 = arith.addi %mul3A_164, %add3A_179 : i32
      %mul3A_181 = arith.constant 80 : i32
      %mul3A_182 = arith.muli %add3A_180, %mul3A_181 : i32
      %add3A_183 = arith.addi %mul3A_13, %mul3A_182 : i32
      %dma_wait3A_184 = tpu.memref_slice %arg3[%add3A_183] : memref<640000xi32, #tpu.memory_space<hbm>> -> memref<80xi32, #tpu.memory_space<hbm>>
      %dma_wait3A_185 = tpu.memref_slice %arg3[%add3A_183] : memref<640000xi32, #tpu.memory_space<hbm>> -> memref<80xi32, #tpu.memory_space<hbm>>
      tpu.wait_dma2 semaphore(%arg22 : memref<!tpu.dma_semaphore, #tpu.memory_space<semaphore_mem>>) src(%dma_wait3A_185 : memref<80xi32, #tpu.memory_space<hbm>>) dst(%arg19 : memref<80xi32, #tpu.memory_space<vmem>>)
      %add3A_186 = arith.constant 320000 : i32
      %add3A_187 = arith.addi %add3A_186, %add3A_183 : i32
      %dma_wait3A_188 = tpu.memref_slice %arg3[%add3A_187] : memref<640000xi32, #tpu.memory_space<hbm>> -> memref<80xi32, #tpu.memory_space<hbm>>
      %dma_wait3A_189 = tpu.memref_slice %arg3[%add3A_187] : memref<640000xi32, #tpu.memory_space<hbm>> -> memref<80xi32, #tpu.memory_space<hbm>>
      tpu.wait_dma2 semaphore(%arg22 : memref<!tpu.dma_semaphore, #tpu.memory_space<semaphore_mem>>) src(%dma_wait3A_189 : memref<80xi32, #tpu.memory_space<hbm>>) dst(%arg20 : memref<80xi32, #tpu.memory_space<vmem>>)
      %dma_start3A_190 = arith.constant 0 : i32
      %dma_start3A_191 = arith.constant 0 : i32
      %dma_start3A_192 = tpu.memref_slice %arg2[%dma_start3A_190, %dma_start3A_191] : memref<10000x128xf32, #tpu.memory_space<hbm>> -> memref<10000x128xf32, #tpu.memory_space<hbm>>
      tpu.enqueue_indirect_dma source(%dma_start3A_192 : memref<10000x128xf32, #tpu.memory_space<hbm>>) target(%arg21 : memref<80x128xf32, #tpu.memory_space<vmem>>) offsets(%arg19 : memref<80xi32, #tpu.memory_space<vmem>>) semaphore(%arg23 : memref<!tpu.dma_semaphore, #tpu.memory_space<semaphore_mem>>)
      %dma_wait3A_193 = arith.constant 0 : i32
      %dma_wait3A_194 = arith.constant 0 : i32
      %dma_wait3A_195 = tpu.memref_slice %arg2[%dma_wait3A_193, %dma_wait3A_194] : memref<10000x128xf32, #tpu.memory_space<hbm>> -> memref<10000x128xf32, #tpu.memory_space<hbm>>
      tpu.wait_indirect_dma semaphore(%arg17 : memref<!tpu.dma_semaphore, #tpu.memory_space<semaphore_mem>>) src(%dma_wait3A_195 : memref<10000x128xf32, #tpu.memory_space<hbm>>) dst(%arg15 : memref<80x128xf32, #tpu.memory_space<vmem>>)
      %dma_start3A_196 = arith.constant 0 : i32
      %dma_start3A_197 = arith.constant 0 : i32
      %dma_start3A_198 = tpu.memref_slice %arg5[%dma_start3A_196, %dma_start3A_197] : memref<10000x128xf32, #tpu.memory_space<vmem_shared>> -> memref<10000x128xf32, #tpu.memory_space<vmem_shared>>
      tpu.enqueue_indirect_dma source(%arg15 : memref<80x128xf32, #tpu.memory_space<vmem>>) target(%dma_start3A_198 : memref<10000x128xf32, #tpu.memory_space<vmem_shared>>) offsets(%arg14 : memref<80xi32, #tpu.memory_space<vmem>>) semaphore(%arg18 : memref<!tpu.dma_semaphore, #tpu.memory_space<semaphore_mem>>) {add = true}
      %dma_wait3A_199 = arith.constant 0 : i32
      %dma_wait3A_200 = arith.constant 0 : i32
      %dma_wait3A_201 = tpu.memref_slice %arg5[%dma_wait3A_199, %dma_wait3A_200] : memref<10000x128xf32, #tpu.memory_space<vmem_shared>> -> memref<10000x128xf32, #tpu.memory_space<vmem_shared>>
      tpu.wait_indirect_dma semaphore(%arg18 : memref<!tpu.dma_semaphore, #tpu.memory_space<semaphore_mem>>) src(%arg15 : memref<80x128xf32, #tpu.memory_space<vmem>>) dst(%dma_wait3A_201 : memref<10000x128xf32, #tpu.memory_space<vmem_shared>>)
      %add3A_202 = arith.constant 4 : i32
      %add3A_203 = arith.addi %mul3A_164, %add3A_202 : i32
      %mul3A_204 = arith.constant 80 : i32
      %mul3A_205 = arith.muli %add3A_203, %mul3A_204 : i32
      %add3A_206 = arith.addi %mul3A_13, %mul3A_205 : i32
      %dma_start3A_207 = tpu.memref_slice %arg3[%add3A_206] : memref<640000xi32, #tpu.memory_space<hbm>> -> memref<80xi32, #tpu.memory_space<hbm>>
      %dma_start3A_208 = tpu.memref_slice %arg3[%add3A_206] : memref<640000xi32, #tpu.memory_space<hbm>> -> memref<80xi32, #tpu.memory_space<hbm>>
      tpu.enqueue_dma source(%dma_start3A_208 : memref<80xi32, #tpu.memory_space<hbm>>) target(%arg13 : memref<80xi32, #tpu.memory_space<vmem>>) target_semaphore(%arg16 : memref<!tpu.dma_semaphore, #tpu.memory_space<semaphore_mem>>)
      %add3A_209 = arith.constant 320000 : i32
      %add3A_210 = arith.addi %add3A_209, %add3A_206 : i32
      %dma_start3A_211 = tpu.memref_slice %arg3[%add3A_210] : memref<640000xi32, #tpu.memory_space<hbm>> -> memref<80xi32, #tpu.memory_space<hbm>>
      %dma_start3A_212 = tpu.memref_slice %arg3[%add3A_210] : memref<640000xi32, #tpu.memory_space<hbm>> -> memref<80xi32, #tpu.memory_space<hbm>>
      tpu.enqueue_dma source(%dma_start3A_212 : memref<80xi32, #tpu.memory_space<hbm>>) target(%arg14 : memref<80xi32, #tpu.memory_space<vmem>>) target_semaphore(%arg16 : memref<!tpu.dma_semaphore, #tpu.memory_space<semaphore_mem>>)
      %add3A_213 = arith.constant 3 : i32
      %add3A_214 = arith.addi %mul3A_164, %add3A_213 : i32
      %mul3A_215 = arith.constant 80 : i32
      %mul3A_216 = arith.muli %add3A_214, %mul3A_215 : i32
      %add3A_217 = arith.addi %mul3A_13, %mul3A_216 : i32
      %dma_wait3A_218 = tpu.memref_slice %arg3[%add3A_217] : memref<640000xi32, #tpu.memory_space<hbm>> -> memref<80xi32, #tpu.memory_space<hbm>>
      %dma_wait3A_219 = tpu.memref_slice %arg3[%add3A_217] : memref<640000xi32, #tpu.memory_space<hbm>> -> memref<80xi32, #tpu.memory_space<hbm>>
      tpu.wait_dma2 semaphore(%arg10 : memref<!tpu.dma_semaphore, #tpu.memory_space<semaphore_mem>>) src(%dma_wait3A_219 : memref<80xi32, #tpu.memory_space<hbm>>) dst(%arg7 : memref<80xi32, #tpu.memory_space<vmem>>)
      %add3A_220 = arith.constant 320000 : i32
      %add3A_221 = arith.addi %add3A_220, %add3A_217 : i32
      %dma_wait3A_222 = tpu.memref_slice %arg3[%add3A_221] : memref<640000xi32, #tpu.memory_space<hbm>> -> memref<80xi32, #tpu.memory_space<hbm>>
      %dma_wait3A_223 = tpu.memref_slice %arg3[%add3A_221] : memref<640000xi32, #tpu.memory_space<hbm>> -> memref<80xi32, #tpu.memory_space<hbm>>
      tpu.wait_dma2 semaphore(%arg10 : memref<!tpu.dma_semaphore, #tpu.memory_space<semaphore_mem>>) src(%dma_wait3A_223 : memref<80xi32, #tpu.memory_space<hbm>>) dst(%arg8 : memref<80xi32, #tpu.memory_space<vmem>>)
      %dma_start3A_224 = arith.constant 0 : i32
      %dma_start3A_225 = arith.constant 0 : i32
      %dma_start3A_226 = tpu.memref_slice %arg2[%dma_start3A_224, %dma_start3A_225] : memref<10000x128xf32, #tpu.memory_space<hbm>> -> memref<10000x128xf32, #tpu.memory_space<hbm>>
      tpu.enqueue_indirect_dma source(%dma_start3A_226 : memref<10000x128xf32, #tpu.memory_space<hbm>>) target(%arg9 : memref<80x128xf32, #tpu.memory_space<vmem>>) offsets(%arg7 : memref<80xi32, #tpu.memory_space<vmem>>) semaphore(%arg11 : memref<!tpu.dma_semaphore, #tpu.memory_space<semaphore_mem>>)
      %dma_wait3A_227 = arith.constant 0 : i32
      %dma_wait3A_228 = arith.constant 0 : i32
      %dma_wait3A_229 = tpu.memref_slice %arg2[%dma_wait3A_227, %dma_wait3A_228] : memref<10000x128xf32, #tpu.memory_space<hbm>> -> memref<10000x128xf32, #tpu.memory_space<hbm>>
      tpu.wait_indirect_dma semaphore(%arg23 : memref<!tpu.dma_semaphore, #tpu.memory_space<semaphore_mem>>) src(%dma_wait3A_229 : memref<10000x128xf32, #tpu.memory_space<hbm>>) dst(%arg21 : memref<80x128xf32, #tpu.memory_space<vmem>>)
      %dma_start3A_230 = arith.constant 0 : i32
      %dma_start3A_231 = arith.constant 0 : i32
      %dma_start3A_232 = tpu.memref_slice %arg5[%dma_start3A_230, %dma_start3A_231] : memref<10000x128xf32, #tpu.memory_space<vmem_shared>> -> memref<10000x128xf32, #tpu.memory_space<vmem_shared>>
      tpu.enqueue_indirect_dma source(%arg21 : memref<80x128xf32, #tpu.memory_space<vmem>>) target(%dma_start3A_232 : memref<10000x128xf32, #tpu.memory_space<vmem_shared>>) offsets(%arg20 : memref<80xi32, #tpu.memory_space<vmem>>) semaphore(%arg24 : memref<!tpu.dma_semaphore, #tpu.memory_space<semaphore_mem>>) {add = true}
      %dma_wait3A_233 = arith.constant 0 : i32
      %dma_wait3A_234 = arith.constant 0 : i32
      %dma_wait3A_235 = tpu.memref_slice %arg5[%dma_wait3A_233, %dma_wait3A_234] : memref<10000x128xf32, #tpu.memory_space<vmem_shared>> -> memref<10000x128xf32, #tpu.memory_space<vmem_shared>>
      tpu.wait_indirect_dma semaphore(%arg24 : memref<!tpu.dma_semaphore, #tpu.memory_space<semaphore_mem>>) src(%arg21 : memref<80x128xf32, #tpu.memory_space<vmem>>) dst(%dma_wait3A_235 : memref<10000x128xf32, #tpu.memory_space<vmem_shared>>)
      %add3A_236 = arith.constant 5 : i32
      %add3A_237 = arith.addi %mul3A_164, %add3A_236 : i32
      %mul3A_238 = arith.constant 80 : i32
      %mul3A_239 = arith.muli %add3A_237, %mul3A_238 : i32
      %add3A_240 = arith.addi %mul3A_13, %mul3A_239 : i32
      %dma_start3A_241 = tpu.memref_slice %arg3[%add3A_240] : memref<640000xi32, #tpu.memory_space<hbm>> -> memref<80xi32, #tpu.memory_space<hbm>>
      %dma_start3A_242 = tpu.memref_slice %arg3[%add3A_240] : memref<640000xi32, #tpu.memory_space<hbm>> -> memref<80xi32, #tpu.memory_space<hbm>>
      tpu.enqueue_dma source(%dma_start3A_242 : memref<80xi32, #tpu.memory_space<hbm>>) target(%arg19 : memref<80xi32, #tpu.memory_space<vmem>>) target_semaphore(%arg22 : memref<!tpu.dma_semaphore, #tpu.memory_space<semaphore_mem>>)
      %add3A_243 = arith.constant 320000 : i32
      %add3A_244 = arith.addi %add3A_243, %add3A_240 : i32
      %dma_start3A_245 = tpu.memref_slice %arg3[%add3A_244] : memref<640000xi32, #tpu.memory_space<hbm>> -> memref<80xi32, #tpu.memory_space<hbm>>
      %dma_start3A_246 = tpu.memref_slice %arg3[%add3A_244] : memref<640000xi32, #tpu.memory_space<hbm>> -> memref<80xi32, #tpu.memory_space<hbm>>
      tpu.enqueue_dma source(%dma_start3A_246 : memref<80xi32, #tpu.memory_space<hbm>>) target(%arg20 : memref<80xi32, #tpu.memory_space<vmem>>) target_semaphore(%arg22 : memref<!tpu.dma_semaphore, #tpu.memory_space<semaphore_mem>>)
      %add3A_247 = arith.constant 4 : i32
      %add3A_248 = arith.addi %mul3A_164, %add3A_247 : i32
      %mul3A_249 = arith.constant 80 : i32
      %mul3A_250 = arith.muli %add3A_248, %mul3A_249 : i32
      %add3A_251 = arith.addi %mul3A_13, %mul3A_250 : i32
      %dma_wait3A_252 = tpu.memref_slice %arg3[%add3A_251] : memref<640000xi32, #tpu.memory_space<hbm>> -> memref<80xi32, #tpu.memory_space<hbm>>
      %dma_wait3A_253 = tpu.memref_slice %arg3[%add3A_251] : memref<640000xi32, #tpu.memory_space<hbm>> -> memref<80xi32, #tpu.memory_space<hbm>>
      tpu.wait_dma2 semaphore(%arg16 : memref<!tpu.dma_semaphore, #tpu.memory_space<semaphore_mem>>) src(%dma_wait3A_253 : memref<80xi32, #tpu.memory_space<hbm>>) dst(%arg13 : memref<80xi32, #tpu.memory_space<vmem>>)
      %add3A_254 = arith.constant 320000 : i32
      %add3A_255 = arith.addi %add3A_254, %add3A_251 : i32
      %dma_wait3A_256 = tpu.memref_slice %arg3[%add3A_255] : memref<640000xi32, #tpu.memory_space<hbm>> -> memref<80xi32, #tpu.memory_space<hbm>>
      %dma_wait3A_257 = tpu.memref_slice %arg3[%add3A_255] : memref<640000xi32, #tpu.memory_space<hbm>> -> memref<80xi32, #tpu.memory_space<hbm>>
      tpu.wait_dma2 semaphore(%arg16 : memref<!tpu.dma_semaphore, #tpu.memory_space<semaphore_mem>>) src(%dma_wait3A_257 : memref<80xi32, #tpu.memory_space<hbm>>) dst(%arg14 : memref<80xi32, #tpu.memory_space<vmem>>)
      %dma_start3A_258 = arith.constant 0 : i32
      %dma_start3A_259 = arith.constant 0 : i32
      %dma_start3A_260 = tpu.memref_slice %arg2[%dma_start3A_258, %dma_start3A_259] : memref<10000x128xf32, #tpu.memory_space<hbm>> -> memref<10000x128xf32, #tpu.memory_space<hbm>>
      tpu.enqueue_indirect_dma source(%dma_start3A_260 : memref<10000x128xf32, #tpu.memory_space<hbm>>) target(%arg15 : memref<80x128xf32, #tpu.memory_space<vmem>>) offsets(%arg13 : memref<80xi32, #tpu.memory_space<vmem>>) semaphore(%arg17 : memref<!tpu.dma_semaphore, #tpu.memory_space<semaphore_mem>>)
      %dma_wait3A_261 = arith.constant 0 : i32
      %dma_wait3A_262 = arith.constant 0 : i32
      %dma_wait3A_263 = tpu.memref_slice %arg2[%dma_wait3A_261, %dma_wait3A_262] : memref<10000x128xf32, #tpu.memory_space<hbm>> -> memref<10000x128xf32, #tpu.memory_space<hbm>>
      tpu.wait_indirect_dma semaphore(%arg11 : memref<!tpu.dma_semaphore, #tpu.memory_space<semaphore_mem>>) src(%dma_wait3A_263 : memref<10000x128xf32, #tpu.memory_space<hbm>>) dst(%arg9 : memref<80x128xf32, #tpu.memory_space<vmem>>)
      %dma_start3A_264 = arith.constant 0 : i32
      %dma_start3A_265 = arith.constant 0 : i32
      %dma_start3A_266 = tpu.memref_slice %arg5[%dma_start3A_264, %dma_start3A_265] : memref<10000x128xf32, #tpu.memory_space<vmem_shared>> -> memref<10000x128xf32, #tpu.memory_space<vmem_shared>>
      tpu.enqueue_indirect_dma source(%arg9 : memref<80x128xf32, #tpu.memory_space<vmem>>) target(%dma_start3A_266 : memref<10000x128xf32, #tpu.memory_space<vmem_shared>>) offsets(%arg8 : memref<80xi32, #tpu.memory_space<vmem>>) semaphore(%arg12 : memref<!tpu.dma_semaphore, #tpu.memory_space<semaphore_mem>>) {add = true}
    }
    %scan3A_68 = arith.constant 40 : i32
    %dma_wait3A_69 = arith.constant 0 : i32
    %dma_wait3A_70 = arith.constant 0 : i32
    %dma_wait3A_71 = tpu.memref_slice %arg5[%dma_wait3A_69, %dma_wait3A_70] : memref<10000x128xf32, #tpu.memory_space<vmem_shared>> -> memref<10000x128xf32, #tpu.memory_space<vmem_shared>>
    tpu.wait_indirect_dma semaphore(%arg12 : memref<!tpu.dma_semaphore, #tpu.memory_space<semaphore_mem>>) src(%arg9 : memref<80x128xf32, #tpu.memory_space<vmem>>) dst(%dma_wait3A_71 : memref<10000x128xf32, #tpu.memory_space<vmem_shared>>)
    %add3A_72 = arith.constant 9840 : i32
    %add3A_73 = arith.addi %mul3A_13, %add3A_72 : i32
    %dma_start3A_74 = tpu.memref_slice %arg3[%add3A_73] : memref<640000xi32, #tpu.memory_space<hbm>> -> memref<80xi32, #tpu.memory_space<hbm>>
    %dma_start3A_75 = tpu.memref_slice %arg3[%add3A_73] : memref<640000xi32, #tpu.memory_space<hbm>> -> memref<80xi32, #tpu.memory_space<hbm>>
    tpu.enqueue_dma source(%dma_start3A_75 : memref<80xi32, #tpu.memory_space<hbm>>) target(%arg7 : memref<80xi32, #tpu.memory_space<vmem>>) target_semaphore(%arg10 : memref<!tpu.dma_semaphore, #tpu.memory_space<semaphore_mem>>)
    %add3A_76 = arith.constant 320000 : i32
    %add3A_77 = arith.addi %add3A_76, %add3A_73 : i32
    %dma_start3A_78 = tpu.memref_slice %arg3[%add3A_77] : memref<640000xi32, #tpu.memory_space<hbm>> -> memref<80xi32, #tpu.memory_space<hbm>>
    %dma_start3A_79 = tpu.memref_slice %arg3[%add3A_77] : memref<640000xi32, #tpu.memory_space<hbm>> -> memref<80xi32, #tpu.memory_space<hbm>>
    tpu.enqueue_dma source(%dma_start3A_79 : memref<80xi32, #tpu.memory_space<hbm>>) target(%arg8 : memref<80xi32, #tpu.memory_space<vmem>>) target_semaphore(%arg10 : memref<!tpu.dma_semaphore, #tpu.memory_space<semaphore_mem>>)
    %add3A_80 = arith.constant 9760 : i32
    %add3A_81 = arith.addi %mul3A_13, %add3A_80 : i32
    %dma_wait3A_82 = tpu.memref_slice %arg3[%add3A_81] : memref<640000xi32, #tpu.memory_space<hbm>> -> memref<80xi32, #tpu.memory_space<hbm>>
    %dma_wait3A_83 = tpu.memref_slice %arg3[%add3A_81] : memref<640000xi32, #tpu.memory_space<hbm>> -> memref<80xi32, #tpu.memory_space<hbm>>
    tpu.wait_dma2 semaphore(%arg22 : memref<!tpu.dma_semaphore, #tpu.memory_space<semaphore_mem>>) src(%dma_wait3A_83 : memref<80xi32, #tpu.memory_space<hbm>>) dst(%arg19 : memref<80xi32, #tpu.memory_space<vmem>>)
    %add3A_84 = arith.constant 320000 : i32
    %add3A_85 = arith.addi %add3A_84, %add3A_81 : i32
    %dma_wait3A_86 = tpu.memref_slice %arg3[%add3A_85] : memref<640000xi32, #tpu.memory_space<hbm>> -> memref<80xi32, #tpu.memory_space<hbm>>
    %dma_wait3A_87 = tpu.memref_slice %arg3[%add3A_85] : memref<640000xi32, #tpu.memory_space<hbm>> -> memref<80xi32, #tpu.memory_space<hbm>>
    tpu.wait_dma2 semaphore(%arg22 : memref<!tpu.dma_semaphore, #tpu.memory_space<semaphore_mem>>) src(%dma_wait3A_87 : memref<80xi32, #tpu.memory_space<hbm>>) dst(%arg20 : memref<80xi32, #tpu.memory_space<vmem>>)
    %dma_start3A_88 = arith.constant 0 : i32
    %dma_start3A_89 = arith.constant 0 : i32
    %dma_start3A_90 = tpu.memref_slice %arg2[%dma_start3A_88, %dma_start3A_89] : memref<10000x128xf32, #tpu.memory_space<hbm>> -> memref<10000x128xf32, #tpu.memory_space<hbm>>
    tpu.enqueue_indirect_dma source(%dma_start3A_90 : memref<10000x128xf32, #tpu.memory_space<hbm>>) target(%arg21 : memref<80x128xf32, #tpu.memory_space<vmem>>) offsets(%arg19 : memref<80xi32, #tpu.memory_space<vmem>>) semaphore(%arg23 : memref<!tpu.dma_semaphore, #tpu.memory_space<semaphore_mem>>)
    %dma_wait3A_91 = arith.constant 0 : i32
    %dma_wait3A_92 = arith.constant 0 : i32
    %dma_wait3A_93 = tpu.memref_slice %arg2[%dma_wait3A_91, %dma_wait3A_92] : memref<10000x128xf32, #tpu.memory_space<hbm>> -> memref<10000x128xf32, #tpu.memory_space<hbm>>
    tpu.wait_indirect_dma semaphore(%arg17 : memref<!tpu.dma_semaphore, #tpu.memory_space<semaphore_mem>>) src(%dma_wait3A_93 : memref<10000x128xf32, #tpu.memory_space<hbm>>) dst(%arg15 : memref<80x128xf32, #tpu.memory_space<vmem>>)
    %dma_start3A_94 = arith.constant 0 : i32
    %dma_start3A_95 = arith.constant 0 : i32
    %dma_start3A_96 = tpu.memref_slice %arg5[%dma_start3A_94, %dma_start3A_95] : memref<10000x128xf32, #tpu.memory_space<vmem_shared>> -> memref<10000x128xf32, #tpu.memory_space<vmem_shared>>
    tpu.enqueue_indirect_dma source(%arg15 : memref<80x128xf32, #tpu.memory_space<vmem>>) target(%dma_start3A_96 : memref<10000x128xf32, #tpu.memory_space<vmem_shared>>) offsets(%arg14 : memref<80xi32, #tpu.memory_space<vmem>>) semaphore(%arg18 : memref<!tpu.dma_semaphore, #tpu.memory_space<semaphore_mem>>) {add = true}
    %dma_wait3A_97 = arith.constant 0 : i32
    %dma_wait3A_98 = arith.constant 0 : i32
    %dma_wait3A_99 = tpu.memref_slice %arg5[%dma_wait3A_97, %dma_wait3A_98] : memref<10000x128xf32, #tpu.memory_space<vmem_shared>> -> memref<10000x128xf32, #tpu.memory_space<vmem_shared>>
    tpu.wait_indirect_dma semaphore(%arg18 : memref<!tpu.dma_semaphore, #tpu.memory_space<semaphore_mem>>) src(%arg15 : memref<80x128xf32, #tpu.memory_space<vmem>>) dst(%dma_wait3A_99 : memref<10000x128xf32, #tpu.memory_space<vmem_shared>>)
    %add3A_100 = arith.constant 9920 : i32
    %add3A_101 = arith.addi %mul3A_13, %add3A_100 : i32
    %dma_start3A_102 = tpu.memref_slice %arg3[%add3A_101] : memref<640000xi32, #tpu.memory_space<hbm>> -> memref<80xi32, #tpu.memory_space<hbm>>
    %dma_start3A_103 = tpu.memref_slice %arg3[%add3A_101] : memref<640000xi32, #tpu.memory_space<hbm>> -> memref<80xi32, #tpu.memory_space<hbm>>
    tpu.enqueue_dma source(%dma_start3A_103 : memref<80xi32, #tpu.memory_space<hbm>>) target(%arg13 : memref<80xi32, #tpu.memory_space<vmem>>) target_semaphore(%arg16 : memref<!tpu.dma_semaphore, #tpu.memory_space<semaphore_mem>>)
    %add3A_104 = arith.constant 320000 : i32
    %add3A_105 = arith.addi %add3A_104, %add3A_101 : i32
    %dma_start3A_106 = tpu.memref_slice %arg3[%add3A_105] : memref<640000xi32, #tpu.memory_space<hbm>> -> memref<80xi32, #tpu.memory_space<hbm>>
    %dma_start3A_107 = tpu.memref_slice %arg3[%add3A_105] : memref<640000xi32, #tpu.memory_space<hbm>> -> memref<80xi32, #tpu.memory_space<hbm>>
    tpu.enqueue_dma source(%dma_start3A_107 : memref<80xi32, #tpu.memory_space<hbm>>) target(%arg14 : memref<80xi32, #tpu.memory_space<vmem>>) target_semaphore(%arg16 : memref<!tpu.dma_semaphore, #tpu.memory_space<semaphore_mem>>)
    %add3A_108 = arith.constant 9840 : i32
    %add3A_109 = arith.addi %mul3A_13, %add3A_108 : i32
    %dma_wait3A_110 = tpu.memref_slice %arg3[%add3A_109] : memref<640000xi32, #tpu.memory_space<hbm>> -> memref<80xi32, #tpu.memory_space<hbm>>
    %dma_wait3A_111 = tpu.memref_slice %arg3[%add3A_109] : memref<640000xi32, #tpu.memory_space<hbm>> -> memref<80xi32, #tpu.memory_space<hbm>>
    tpu.wait_dma2 semaphore(%arg10 : memref<!tpu.dma_semaphore, #tpu.memory_space<semaphore_mem>>) src(%dma_wait3A_111 : memref<80xi32, #tpu.memory_space<hbm>>) dst(%arg7 : memref<80xi32, #tpu.memory_space<vmem>>)
    %add3A_112 = arith.constant 320000 : i32
    %add3A_113 = arith.addi %add3A_112, %add3A_109 : i32
    %dma_wait3A_114 = tpu.memref_slice %arg3[%add3A_113] : memref<640000xi32, #tpu.memory_space<hbm>> -> memref<80xi32, #tpu.memory_space<hbm>>
    %dma_wait3A_115 = tpu.memref_slice %arg3[%add3A_113] : memref<640000xi32, #tpu.memory_space<hbm>> -> memref<80xi32, #tpu.memory_space<hbm>>
    tpu.wait_dma2 semaphore(%arg10 : memref<!tpu.dma_semaphore, #tpu.memory_space<semaphore_mem>>) src(%dma_wait3A_115 : memref<80xi32, #tpu.memory_space<hbm>>) dst(%arg8 : memref<80xi32, #tpu.memory_space<vmem>>)
    %dma_start3A_116 = arith.constant 0 : i32
    %dma_start3A_117 = arith.constant 0 : i32
    %dma_start3A_118 = tpu.memref_slice %arg2[%dma_start3A_116, %dma_start3A_117] : memref<10000x128xf32, #tpu.memory_space<hbm>> -> memref<10000x128xf32, #tpu.memory_space<hbm>>
    tpu.enqueue_indirect_dma source(%dma_start3A_118 : memref<10000x128xf32, #tpu.memory_space<hbm>>) target(%arg9 : memref<80x128xf32, #tpu.memory_space<vmem>>) offsets(%arg7 : memref<80xi32, #tpu.memory_space<vmem>>) semaphore(%arg11 : memref<!tpu.dma_semaphore, #tpu.memory_space<semaphore_mem>>)
    %dma_wait3A_119 = arith.constant 0 : i32
    %dma_wait3A_120 = arith.constant 0 : i32
    %dma_wait3A_121 = tpu.memref_slice %arg2[%dma_wait3A_119, %dma_wait3A_120] : memref<10000x128xf32, #tpu.memory_space<hbm>> -> memref<10000x128xf32, #tpu.memory_space<hbm>>
    tpu.wait_indirect_dma semaphore(%arg23 : memref<!tpu.dma_semaphore, #tpu.memory_space<semaphore_mem>>) src(%dma_wait3A_121 : memref<10000x128xf32, #tpu.memory_space<hbm>>) dst(%arg21 : memref<80x128xf32, #tpu.memory_space<vmem>>)
    %dma_start3A_122 = arith.constant 0 : i32
    %dma_start3A_123 = arith.constant 0 : i32
    %dma_start3A_124 = tpu.memref_slice %arg5[%dma_start3A_122, %dma_start3A_123] : memref<10000x128xf32, #tpu.memory_space<vmem_shared>> -> memref<10000x128xf32, #tpu.memory_space<vmem_shared>>
    tpu.enqueue_indirect_dma source(%arg21 : memref<80x128xf32, #tpu.memory_space<vmem>>) target(%dma_start3A_124 : memref<10000x128xf32, #tpu.memory_space<vmem_shared>>) offsets(%arg20 : memref<80xi32, #tpu.memory_space<vmem>>) semaphore(%arg24 : memref<!tpu.dma_semaphore, #tpu.memory_space<semaphore_mem>>) {add = true}
    %dma_wait3A_125 = arith.constant 0 : i32
    %dma_wait3A_126 = arith.constant 0 : i32
    %dma_wait3A_127 = tpu.memref_slice %arg5[%dma_wait3A_125, %dma_wait3A_126] : memref<10000x128xf32, #tpu.memory_space<vmem_shared>> -> memref<10000x128xf32, #tpu.memory_space<vmem_shared>>
    tpu.wait_indirect_dma semaphore(%arg24 : memref<!tpu.dma_semaphore, #tpu.memory_space<semaphore_mem>>) src(%arg21 : memref<80x128xf32, #tpu.memory_space<vmem>>) dst(%dma_wait3A_127 : memref<10000x128xf32, #tpu.memory_space<vmem_shared>>)
    %add3A_128 = arith.constant 9920 : i32
    %add3A_129 = arith.addi %mul3A_13, %add3A_128 : i32
    %dma_wait3A_130 = tpu.memref_slice %arg3[%add3A_129] : memref<640000xi32, #tpu.memory_space<hbm>> -> memref<80xi32, #tpu.memory_space<hbm>>
    %dma_wait3A_131 = tpu.memref_slice %arg3[%add3A_129] : memref<640000xi32, #tpu.memory_space<hbm>> -> memref<80xi32, #tpu.memory_space<hbm>>
    tpu.wait_dma2 semaphore(%arg16 : memref<!tpu.dma_semaphore, #tpu.memory_space<semaphore_mem>>) src(%dma_wait3A_131 : memref<80xi32, #tpu.memory_space<hbm>>) dst(%arg13 : memref<80xi32, #tpu.memory_space<vmem>>)
    %add3A_132 = arith.constant 320000 : i32
    %add3A_133 = arith.addi %add3A_132, %add3A_129 : i32
    %dma_wait3A_134 = tpu.memref_slice %arg3[%add3A_133] : memref<640000xi32, #tpu.memory_space<hbm>> -> memref<80xi32, #tpu.memory_space<hbm>>
    %dma_wait3A_135 = tpu.memref_slice %arg3[%add3A_133] : memref<640000xi32, #tpu.memory_space<hbm>> -> memref<80xi32, #tpu.memory_space<hbm>>
    tpu.wait_dma2 semaphore(%arg16 : memref<!tpu.dma_semaphore, #tpu.memory_space<semaphore_mem>>) src(%dma_wait3A_135 : memref<80xi32, #tpu.memory_space<hbm>>) dst(%arg14 : memref<80xi32, #tpu.memory_space<vmem>>)
    %dma_start3A_136 = arith.constant 0 : i32
    %dma_start3A_137 = arith.constant 0 : i32
    %dma_start3A_138 = tpu.memref_slice %arg2[%dma_start3A_136, %dma_start3A_137] : memref<10000x128xf32, #tpu.memory_space<hbm>> -> memref<10000x128xf32, #tpu.memory_space<hbm>>
    tpu.enqueue_indirect_dma source(%dma_start3A_138 : memref<10000x128xf32, #tpu.memory_space<hbm>>) target(%arg15 : memref<80x128xf32, #tpu.memory_space<vmem>>) offsets(%arg13 : memref<80xi32, #tpu.memory_space<vmem>>) semaphore(%arg17 : memref<!tpu.dma_semaphore, #tpu.memory_space<semaphore_mem>>)
    %dma_wait3A_139 = arith.constant 0 : i32
    %dma_wait3A_140 = arith.constant 0 : i32
    %dma_wait3A_141 = tpu.memref_slice %arg2[%dma_wait3A_139, %dma_wait3A_140] : memref<10000x128xf32, #tpu.memory_space<hbm>> -> memref<10000x128xf32, #tpu.memory_space<hbm>>
    tpu.wait_indirect_dma semaphore(%arg11 : memref<!tpu.dma_semaphore, #tpu.memory_space<semaphore_mem>>) src(%dma_wait3A_141 : memref<10000x128xf32, #tpu.memory_space<hbm>>) dst(%arg9 : memref<80x128xf32, #tpu.memory_space<vmem>>)
    %dma_start3A_142 = arith.constant 0 : i32
    %dma_start3A_143 = arith.constant 0 : i32
    %dma_start3A_144 = tpu.memref_slice %arg5[%dma_start3A_142, %dma_start3A_143] : memref<10000x128xf32, #tpu.memory_space<vmem_shared>> -> memref<10000x128xf32, #tpu.memory_space<vmem_shared>>
    tpu.enqueue_indirect_dma source(%arg9 : memref<80x128xf32, #tpu.memory_space<vmem>>) target(%dma_start3A_144 : memref<10000x128xf32, #tpu.memory_space<vmem_shared>>) offsets(%arg8 : memref<80xi32, #tpu.memory_space<vmem>>) semaphore(%arg12 : memref<!tpu.dma_semaphore, #tpu.memory_space<semaphore_mem>>) {add = true}
    %dma_wait3A_145 = arith.constant 0 : i32
    %dma_wait3A_146 = arith.constant 0 : i32
    %dma_wait3A_147 = tpu.memref_slice %arg2[%dma_wait3A_145, %dma_wait3A_146] : memref<10000x128xf32, #tpu.memory_space<hbm>> -> memref<10000x128xf32, #tpu.memory_space<hbm>>
    tpu.wait_indirect_dma semaphore(%arg17 : memref<!tpu.dma_semaphore, #tpu.memory_space<semaphore_mem>>) src(%dma_wait3A_147 : memref<10000x128xf32, #tpu.memory_space<hbm>>) dst(%arg15 : memref<80x128xf32, #tpu.memory_space<vmem>>)
    %dma_start3A_148 = arith.constant 0 : i32
    %dma_start3A_149 = arith.constant 0 : i32
    %dma_start3A_150 = tpu.memref_slice %arg5[%dma_start3A_148, %dma_start3A_149] : memref<10000x128xf32, #tpu.memory_space<vmem_shared>> -> memref<10000x128xf32, #tpu.memory_space<vmem_shared>>
    tpu.enqueue_indirect_dma source(%arg15 : memref<80x128xf32, #tpu.memory_space<vmem>>) target(%dma_start3A_150 : memref<10000x128xf32, #tpu.memory_space<vmem_shared>>) offsets(%arg14 : memref<80xi32, #tpu.memory_space<vmem>>) semaphore(%arg18 : memref<!tpu.dma_semaphore, #tpu.memory_space<semaphore_mem>>) {add = true}
    %dma_wait3A_151 = arith.constant 0 : i32
    %dma_wait3A_152 = arith.constant 0 : i32
    %dma_wait3A_153 = tpu.memref_slice %arg5[%dma_wait3A_151, %dma_wait3A_152] : memref<10000x128xf32, #tpu.memory_space<vmem_shared>> -> memref<10000x128xf32, #tpu.memory_space<vmem_shared>>
    tpu.wait_indirect_dma semaphore(%arg12 : memref<!tpu.dma_semaphore, #tpu.memory_space<semaphore_mem>>) src(%arg9 : memref<80x128xf32, #tpu.memory_space<vmem>>) dst(%dma_wait3A_153 : memref<10000x128xf32, #tpu.memory_space<vmem_shared>>)
    %dma_wait3A_154 = arith.constant 0 : i32
    %dma_wait3A_155 = arith.constant 0 : i32
    %dma_wait3A_156 = tpu.memref_slice %arg5[%dma_wait3A_154, %dma_wait3A_155] : memref<10000x128xf32, #tpu.memory_space<vmem_shared>> -> memref<10000x128xf32, #tpu.memory_space<vmem_shared>>
    tpu.wait_indirect_dma semaphore(%arg18 : memref<!tpu.dma_semaphore, #tpu.memory_space<semaphore_mem>>) src(%arg15 : memref<80x128xf32, #tpu.memory_space<vmem>>) dst(%dma_wait3A_156 : memref<10000x128xf32, #tpu.memory_space<vmem_shared>>)
    %barrier3A_157 = arith.constant 0 : index
    tpu.barrier barrier_id(%barrier3A_157)
    "tpu.region"() ({
      %run_scoped3A = tpu.sem_alloc : memref<!tpu.dma_semaphore, #tpu.memory_space<semaphore_mem>>
      %dma_start3A_158 = arith.constant 0 : i32
      %dma_start3A_159 = tpu.memref_slice %arg4[%arg0, %mul3A_4, %dma_start3A_158] : memref<2x10000x128xf32, #tpu.memory_space<hbm>> -> memref<1x640x128xf32, #tpu.memory_space<hbm>>
      %dma_start3A_160 = tpu.memref_squeeze %dma_start3A_159 : memref<1x640x128xf32, #tpu.memory_space<hbm>> -> memref<640x128xf32, #tpu.memory_space<hbm>>
      %dma_start3A_161 = arith.constant 0 : i32
      %dma_start3A_162 = tpu.memref_slice %arg5[%mul3A_4, %dma_start3A_161] : memref<10000x128xf32, #tpu.memory_space<vmem_shared>> -> memref<640x128xf32, #tpu.memory_space<vmem_shared>>
      tpu.enqueue_dma source(%dma_start3A_162 : memref<640x128xf32, #tpu.memory_space<vmem_shared>>) target(%dma_start3A_160 : memref<640x128xf32, #tpu.memory_space<hbm>>) target_semaphore(%run_scoped3A : memref<!tpu.dma_semaphore, #tpu.memory_space<semaphore_mem>>)
      %dma_wait3A_163 = arith.constant 0 : i32
      %dma_wait3A_164 = tpu.memref_slice %arg4[%arg0, %mul3A_4, %dma_wait3A_163] : memref<2x10000x128xf32, #tpu.memory_space<hbm>> -> memref<1x640x128xf32, #tpu.memory_space<hbm>>
      %dma_wait3A_165 = tpu.memref_squeeze %dma_wait3A_164 : memref<1x640x128xf32, #tpu.memory_space<hbm>> -> memref<640x128xf32, #tpu.memory_space<hbm>>
      %dma_wait3A_166 = arith.constant 0 : i32
      %dma_wait3A_167 = tpu.memref_slice %arg5[%mul3A_4, %dma_wait3A_166] : memref<10000x128xf32, #tpu.memory_space<vmem_shared>> -> memref<640x128xf32, #tpu.memory_space<vmem_shared>>
      tpu.wait_dma2 semaphore(%run_scoped3A : memref<!tpu.dma_semaphore, #tpu.memory_space<semaphore_mem>>) src(%dma_wait3A_167 : memref<640x128xf32, #tpu.memory_space<vmem_shared>>) dst(%dma_wait3A_165 : memref<640x128xf32, #tpu.memory_space<hbm>>)
      tpu.yield
    }) : () -> ()
    return
  }
}

module attributes {stable_mosaic.version = 14 : i64} {
  func.func @_tc1_body(%arg0: i32, %arg1: memref<2x2000x128xf32, #tpu.memory_space<vmem>>, %arg2: memref<32x1x1x2000xf32, #tpu.memory_space<vmem>>, %arg3: memref<2000x128xf32, #tpu.memory_space<vmem>>, %arg4: memref<128x128xf32, #tpu.memory_space<vmem>>, %arg5: memref<2000x128xf32, #tpu.memory_space<vmem>>) attributes {dimension_semantics = [#tpu.dimension_semantics<arbitrary>], iteration_bounds = array<i64: 5>, scalar_prefetch = 0 : i64, scratch_operands = 0 : i64, tpu.core_type = #tpu.core_type<tc>, window_params = [{transform_indices = @transform_0, window_bounds = array<i64: 2, 2000, 128>}, {transform_indices = @transform_1, window_bounds = array<i64: 32, 1, 1, 2000>}, {transform_indices = @transform_2, window_bounds = array<i64: 2000, 128>}, {pipeline_mode = #tpu.pipeline_mode<synchronous>, transform_indices = @transform_3, window_bounds = array<i64: 128, 128>}, {transform_indices = @transform_4, window_bounds = array<i64: 2000, 128>}]} {
    %get3A = arith.constant 0 : index
    %get3A_0 = arith.constant 0 : index
    %get3A_1 = arith.constant 0 : index
    %get3A_2 = arith.constant 0 : index
    %get3A_3 = vector.load %arg2[%get3A, %get3A_0, %get3A_1, %get3A_2] : memref<32x1x1x2000xf32, #tpu.memory_space<vmem>>, vector<32x1x1x2000xf32>
    %get3A_4 = vector.shape_cast %get3A_3 : vector<32x1x1x2000xf32> to vector<32x2000xf32>
    %broadcast_in_dim3A = arith.constant 1.000000e+00 : f32
    %broadcast_in_dim3A_5 = vector.broadcast %broadcast_in_dim3A : f32 to vector<32x1xf32>
    %dot_general3A = arith.constant dense<0.000000e+00> : vector<2000x1xf32>
    %dot_general3A_6 = tpu.matmul %get3A_4, %broadcast_in_dim3A_5, %dot_general3A {dimension_numbers = #tpu.dot_dimension_numbers<[0], [0], [1], [1], [0, 1, 1, 1], [], []>, precision = #tpu.contract_precision<fp32>, transpose_lhs_hint = false} : vector<32x2000xf32>, vector<32x1xf32>, vector<2000x1xf32> -> vector<2000x1xf32>
    %get3A_7 = arith.constant 0 : index
    %get3A_8 = arith.constant 0 : index
    %get3A_9 = arith.constant 0 : index
    %get3A_10 = vector.load %arg1[%get3A_7, %get3A_8, %get3A_9] : memref<2x2000x128xf32, #tpu.memory_space<vmem>>, vector<1x2000x128xf32>
    %get3A_11 = vector.shape_cast %get3A_10 : vector<1x2000x128xf32> to vector<2000x128xf32>
    %get3A_12 = arith.constant 1 : index
    %get3A_13 = arith.constant 0 : index
    %get3A_14 = arith.constant 0 : index
    %get3A_15 = vector.load %arg1[%get3A_12, %get3A_13, %get3A_14] : memref<2x2000x128xf32, #tpu.memory_space<vmem>>, vector<1x2000x128xf32>
    %get3A_16 = vector.shape_cast %get3A_15 : vector<1x2000x128xf32> to vector<2000x128xf32>
    %add3A = arith.addf %get3A_11, %get3A_16 : vector<2000x128xf32>
    %max3A = arith.constant 1.000000e+00 : f32
    %max3A_17 = vector.broadcast %max3A : f32 to vector<2000x1xf32>
    %max3A_18 = arith.maximumf %dot_general3A_6, %max3A_17 : vector<2000x1xf32>
    %div3A = vector.broadcast %max3A_18 : vector<2000x1xf32> to vector<2000x128xf32>
    %div3A_19 = arith.divf %add3A, %div3A : vector<2000x128xf32>
    %get3A_20 = arith.constant 0 : index
    %get3A_21 = arith.constant 0 : index
    %get3A_22 = vector.load %arg4[%get3A_20, %get3A_21] : memref<128x128xf32, #tpu.memory_space<vmem>>, vector<128x128xf32>
    %dot_general3A_23 = arith.constant dense<0.000000e+00> : vector<2000x128xf32>
    %dot_general3A_24 = tpu.matmul %div3A_19, %get3A_22, %dot_general3A_23 {dimension_numbers = #tpu.dot_dimension_numbers<[1], [0], [0], [1], [0, 0, 1, 1], [], []>, precision = #tpu.contract_precision<fp32>, transpose_lhs_hint = false} : vector<2000x128xf32>, vector<128x128xf32>, vector<2000x128xf32> -> vector<2000x128xf32>
    %get3A_25 = arith.constant 0 : index
    %get3A_26 = arith.constant 0 : index
    %get3A_27 = vector.load %arg3[%get3A_25, %get3A_26] : memref<2000x128xf32, #tpu.memory_space<vmem>>, vector<2000x128xf32>
    %add3A_28 = arith.addf %dot_general3A_24, %get3A_27 : vector<2000x128xf32>
    %max3A_29 = arith.constant 0.000000e+00 : f32
    %max3A_30 = vector.broadcast %max3A_29 : f32 to vector<2000x128xf32>
    %max3A_31 = arith.maximumf %add3A_28, %max3A_30 : vector<2000x128xf32>
    %swap3A = arith.constant 0 : index
    %swap3A_32 = arith.constant 0 : index
    %swap3A_33 = vector.load %arg5[%swap3A, %swap3A_32] : memref<2000x128xf32, #tpu.memory_space<vmem>>, vector<2000x128xf32>
    tpu.vector_store %arg5[%swap3A, %swap3A_32], %max3A_31 {strides = array<i32>} : memref<2000x128xf32, #tpu.memory_space<vmem>>, vector<2000x128xf32>,
    return
  }
  func.func @transform_0(%arg0: i32) -> (i32, i32, i32) {
    %c0_i32 = arith.constant 0 : i32
    %c0_i32_0 = arith.constant 0 : i32
    %c0_i32_1 = arith.constant 0 : i32
    return %c0_i32, %arg0, %c0_i32_0 : i32, i32, i32
  }
  func.func @transform_1(%arg0: i32) -> (i32, i32, i32, i32) {
    %c0_i32 = arith.constant 0 : i32
    %c0_i32_0 = arith.constant 0 : i32
    %c0_i32_1 = arith.constant 0 : i32
    %c0_i32_2 = arith.constant 0 : i32
    return %c0_i32, %arg0, %c0_i32_0, %c0_i32_1 : i32, i32, i32, i32
  }
  func.func @transform_2(%arg0: i32) -> (i32, i32) {
    %c0_i32 = arith.constant 0 : i32
    %c0_i32_0 = arith.constant 0 : i32
    return %arg0, %c0_i32 : i32, i32
  }
  func.func @transform_3(%arg0: i32) -> (i32, i32) {
    %c0_i32 = arith.constant 0 : i32
    %c0_i32_0 = arith.constant 0 : i32
    %c0_i32_1 = arith.constant 0 : i32
    return %c0_i32, %c0_i32_0 : i32, i32
  }
  func.func @transform_4(%arg0: i32) -> (i32, i32) {
    %c0_i32 = arith.constant 0 : i32
    %c0_i32_0 = arith.constant 0 : i32
    return %arg0, %c0_i32 : i32, i32
  }
}

module attributes {stable_mosaic.version = 14 : i64} {
  func.func @_root_body(%arg0: i32, %arg1: memref<2000x128xf32, #tpu.memory_space<vmem>>, %arg2: memref<128x128xf32, #tpu.memory_space<vmem>>, %arg3: memref<1x128xf32, #tpu.memory_space<vmem>>, %arg4: memref<2000x128xf32, #tpu.memory_space<vmem>>) attributes {dimension_semantics = [#tpu.dimension_semantics<arbitrary>], iteration_bounds = array<i64: 5>, scalar_prefetch = 0 : i64, scratch_operands = 0 : i64, tpu.core_type = #tpu.core_type<tc>, window_params = [{transform_indices = @transform_0, window_bounds = array<i64: 2000, 128>}, {pipeline_mode = #tpu.pipeline_mode<synchronous>, transform_indices = @transform_1, window_bounds = array<i64: 128, 128>}, {pipeline_mode = #tpu.pipeline_mode<synchronous>, transform_indices = @transform_2, window_bounds = array<i64: 1, 128>}, {transform_indices = @transform_3, window_bounds = array<i64: 2000, 128>}]} {
    %get3A = arith.constant 0 : index
    %get3A_0 = arith.constant 0 : index
    %get3A_1 = vector.load %arg1[%get3A, %get3A_0] : memref<2000x128xf32, #tpu.memory_space<vmem>>, vector<2000x128xf32>
    %get3A_2 = arith.constant 0 : index
    %get3A_3 = arith.constant 0 : index
    %get3A_4 = vector.load %arg2[%get3A_2, %get3A_3] : memref<128x128xf32, #tpu.memory_space<vmem>>, vector<128x128xf32>
    %dot_general3A = arith.constant dense<0.000000e+00> : vector<2000x128xf32>
    %dot_general3A_5 = tpu.matmul %get3A_1, %get3A_4, %dot_general3A {dimension_numbers = #tpu.dot_dimension_numbers<[1], [0], [0], [1], [0, 0, 1, 1], [], []>, precision = #tpu.contract_precision<fp32>, transpose_lhs_hint = false} : vector<2000x128xf32>, vector<128x128xf32>, vector<2000x128xf32> -> vector<2000x128xf32>
    %get3A_6 = arith.constant 0 : index
    %get3A_7 = arith.constant 0 : index
    %get3A_8 = vector.load %arg3[%get3A_6, %get3A_7] : memref<1x128xf32, #tpu.memory_space<vmem>>, vector<1x128xf32>
    %add3A = vector.broadcast %get3A_8 : vector<1x128xf32> to vector<2000x128xf32>
    %add3A_9 = arith.addf %dot_general3A_5, %add3A : vector<2000x128xf32>
    %swap3A = arith.constant 0 : index
    %swap3A_10 = arith.constant 0 : index
    %swap3A_11 = vector.load %arg4[%swap3A, %swap3A_10] : memref<2000x128xf32, #tpu.memory_space<vmem>>, vector<2000x128xf32>
    tpu.vector_store %arg4[%swap3A, %swap3A_10], %add3A_9 {strides = array<i32>} : memref<2000x128xf32, #tpu.memory_space<vmem>>, vector<2000x128xf32>,
    return
  }
  func.func @transform_0(%arg0: i32) -> (i32, i32) {
    %c0_i32 = arith.constant 0 : i32
    %c0_i32_0 = arith.constant 0 : i32
    return %arg0, %c0_i32 : i32, i32
  }
  func.func @transform_1(%arg0: i32) -> (i32, i32) {
    %c0_i32 = arith.constant 0 : i32
    %c0_i32_0 = arith.constant 0 : i32
    %c0_i32_1 = arith.constant 0 : i32
    return %c0_i32, %c0_i32_0 : i32, i32
  }
  func.func @transform_2(%arg0: i32) -> (i32, i32) {
    %c0_i32 = arith.constant 0 : i32
    %c0_i32_0 = arith.constant 0 : i32
    %c0_i32_1 = arith.constant 0 : i32
    return %c0_i32, %c0_i32_0 : i32, i32
  }
  func.func @transform_3(%arg0: i32) -> (i32, i32) {
    %c0_i32 = arith.constant 0 : i32
    %c0_i32_0 = arith.constant 0 : i32
    return %arg0, %c0_i32 : i32, i32
  }
}

module attributes {stable_mosaic.version = 14 : i64} {
  func.func @_tc2_body(%arg0: i32, %arg1: memref<2x2000x128xf32, #tpu.memory_space<vmem>>, %arg2: memref<32x1x1x2000xf32, #tpu.memory_space<vmem>>, %arg3: memref<2000x128xf32, #tpu.memory_space<vmem>>, %arg4: memref<128x128xf32, #tpu.memory_space<vmem>>, %arg5: memref<1x1x2000xi32, #tpu.memory_space<vmem>>, %arg6: memref<64x128xf32, #tpu.memory_space<vmem>>, %arg7: memref<2000x128xf32, #tpu.memory_space<vmem>>, %arg8: memref<64x1xf32, #tpu.memory_space<vmem>>) attributes {dimension_semantics = [#tpu.dimension_semantics<arbitrary>], iteration_bounds = array<i64: 5>, scalar_prefetch = 0 : i64, scratch_operands = 1 : i64, tpu.core_type = #tpu.core_type<tc>, window_params = [{transform_indices = @transform_0, window_bounds = array<i64: 2, 2000, 128>}, {transform_indices = @transform_1, window_bounds = array<i64: 32, 1, 1, 2000>}, {transform_indices = @transform_2, window_bounds = array<i64: 2000, 128>}, {pipeline_mode = #tpu.pipeline_mode<synchronous>, transform_indices = @transform_3, window_bounds = array<i64: 128, 128>}, {transform_indices = @transform_4, window_bounds = array<i64: 1, 1, 2000>}, {pipeline_mode = #tpu.pipeline_mode<synchronous>, transform_indices = @transform_5, window_bounds = array<i64: 64, 128>}, {transform_indices = @transform_6, window_bounds = array<i64: 2000, 128>}]} {
    %get3A = arith.constant 0 : index
    %get3A_0 = arith.constant 0 : index
    %get3A_1 = arith.constant 0 : index
    %get3A_2 = arith.constant 0 : index
    %get3A_3 = vector.load %arg2[%get3A, %get3A_0, %get3A_1, %get3A_2] : memref<32x1x1x2000xf32, #tpu.memory_space<vmem>>, vector<32x1x1x2000xf32>
    %get3A_4 = vector.shape_cast %get3A_3 : vector<32x1x1x2000xf32> to vector<32x2000xf32>
    %broadcast_in_dim3A = arith.constant 1.000000e+00 : f32
    %broadcast_in_dim3A_5 = vector.broadcast %broadcast_in_dim3A : f32 to vector<32x1xf32>
    %dot_general3A = arith.constant dense<0.000000e+00> : vector<2000x1xf32>
    %dot_general3A_6 = tpu.matmul %get3A_4, %broadcast_in_dim3A_5, %dot_general3A {dimension_numbers = #tpu.dot_dimension_numbers<[0], [0], [1], [1], [0, 1, 1, 1], [], []>, precision = #tpu.contract_precision<fp32>, transpose_lhs_hint = false} : vector<32x2000xf32>, vector<32x1xf32>, vector<2000x1xf32> -> vector<2000x1xf32>
    %get3A_7 = arith.constant 0 : index
    %get3A_8 = arith.constant 0 : index
    %get3A_9 = arith.constant 0 : index
    %get3A_10 = vector.load %arg1[%get3A_7, %get3A_8, %get3A_9] : memref<2x2000x128xf32, #tpu.memory_space<vmem>>, vector<1x2000x128xf32>
    %get3A_11 = vector.shape_cast %get3A_10 : vector<1x2000x128xf32> to vector<2000x128xf32>
    %get3A_12 = arith.constant 1 : index
    %get3A_13 = arith.constant 0 : index
    %get3A_14 = arith.constant 0 : index
    %get3A_15 = vector.load %arg1[%get3A_12, %get3A_13, %get3A_14] : memref<2x2000x128xf32, #tpu.memory_space<vmem>>, vector<1x2000x128xf32>
    %get3A_16 = vector.shape_cast %get3A_15 : vector<1x2000x128xf32> to vector<2000x128xf32>
    %add3A = arith.addf %get3A_11, %get3A_16 : vector<2000x128xf32>
    %max3A = arith.constant 1.000000e+00 : f32
    %max3A_17 = vector.broadcast %max3A : f32 to vector<2000x1xf32>
    %max3A_18 = arith.maximumf %dot_general3A_6, %max3A_17 : vector<2000x1xf32>
    %div3A = vector.broadcast %max3A_18 : vector<2000x1xf32> to vector<2000x128xf32>
    %div3A_19 = arith.divf %add3A, %div3A : vector<2000x128xf32>
    %get3A_20 = arith.constant 0 : index
    %get3A_21 = arith.constant 0 : index
    %get3A_22 = vector.load %arg4[%get3A_20, %get3A_21] : memref<128x128xf32, #tpu.memory_space<vmem>>, vector<128x128xf32>
    %dot_general3A_23 = arith.constant dense<0.000000e+00> : vector<2000x128xf32>
    %dot_general3A_24 = tpu.matmul %div3A_19, %get3A_22, %dot_general3A_23 {dimension_numbers = #tpu.dot_dimension_numbers<[1], [0], [0], [1], [0, 0, 1, 1], [], []>, precision = #tpu.contract_precision<fp32>, transpose_lhs_hint = false} : vector<2000x128xf32>, vector<128x128xf32>, vector<2000x128xf32> -> vector<2000x128xf32>
    %get3A_25 = arith.constant 0 : index
    %get3A_26 = arith.constant 0 : index
    %get3A_27 = vector.load %arg3[%get3A_25, %get3A_26] : memref<2000x128xf32, #tpu.memory_space<vmem>>, vector<2000x128xf32>
    %add3A_28 = arith.addf %dot_general3A_24, %get3A_27 : vector<2000x128xf32>
    %swap3A = arith.constant 0 : index
    %swap3A_29 = arith.constant 0 : index
    %swap3A_30 = vector.load %arg7[%swap3A, %swap3A_29] : memref<2000x128xf32, #tpu.memory_space<vmem>>, vector<2000x128xf32>
    tpu.vector_store %arg7[%swap3A, %swap3A_29], %add3A_28 {strides = array<i32>} : memref<2000x128xf32, #tpu.memory_space<vmem>>, vector<2000x128xf32>,
    %iota3A = tpu.iota {dimensions = array<i32: 0>} : vector<64x2000xi32>
    %get3A_31 = arith.constant 0 : index
    %get3A_32 = arith.constant 0 : index
    %get3A_33 = arith.constant 0 : index
    %get3A_34 = vector.load %arg5[%get3A_31, %get3A_32, %get3A_33] : memref<1x1x2000xi32, #tpu.memory_space<vmem>>, vector<1x1x2000xi32>
    %get3A_35 = vector.shape_cast %get3A_34 : vector<1x1x2000xi32> to vector<1x2000xi32>
    %eq3A = vector.broadcast %get3A_35 : vector<1x2000xi32> to vector<64x2000xi32>
    %eq3A_36 = arith.cmpi eq, %iota3A, %eq3A : vector<64x2000xi32>
    %convert_element_type3A = arith.extui %eq3A_36 : vector<64x2000xi1> to vector<64x2000xi32>
    %convert_element_type3A_37 = arith.sitofp %convert_element_type3A : vector<64x2000xi32> to vector<64x2000xf32>
    %dot_general3A_38 = arith.constant dense<0.000000e+00> : vector<64x128xf32>
    %dot_general3A_39 = tpu.matmul %convert_element_type3A_37, %add3A_28, %dot_general3A_38 {dimension_numbers = #tpu.dot_dimension_numbers<[1], [0], [0], [1], [0, 0, 1, 1], [], []>, precision = #tpu.contract_precision<fp32>, transpose_lhs_hint = false} : vector<64x2000xf32>, vector<2000x128xf32>, vector<64x128xf32> -> vector<64x128xf32>
    %reduce_sum3A = arith.constant dense<0.000000e+00> : vector<64xf32>
    %reduce_sum3A_40 = vector.multi_reduction <add>, %convert_element_type3A_37, %reduce_sum3A [1] : vector<64x2000xf32> to vector<64xf32>
    %broadcast_in_dim3A_41 = vector.shape_cast %reduce_sum3A_40 : vector<64xf32> to vector<64x1xf32>
    %eq3A_42 = arith.constant 0 : i32
    %eq3A_43 = arith.cmpi eq, %arg0, %eq3A_42 : i32
    %convert_element_type3A_44 = arith.extui %eq3A_43 : i1 to i32
    %cond3A = arith.constant 0 : i32
    %cond3A_45 = arith.cmpi ne, %convert_element_type3A_44, %cond3A : i32
    scf.if %cond3A_45 {
      %broadcast_in_dim3A_65 = arith.constant 0.000000e+00 : f32
      %broadcast_in_dim3A_66 = vector.broadcast %broadcast_in_dim3A_65 : f32 to vector<64x128xf32>
      %swap3A_67 = arith.constant 0 : index
      %swap3A_68 = arith.constant 0 : index
      %swap3A_69 = vector.load %arg6[%swap3A_67, %swap3A_68] : memref<64x128xf32, #tpu.memory_space<vmem>>, vector<64x128xf32>
      tpu.vector_store %arg6[%swap3A_67, %swap3A_68], %broadcast_in_dim3A_66 {strides = array<i32>} : memref<64x128xf32, #tpu.memory_space<vmem>>, vector<64x128xf32>,
      %broadcast_in_dim3A_70 = arith.constant 0.000000e+00 : f32
      %broadcast_in_dim3A_71 = vector.broadcast %broadcast_in_dim3A_70 : f32 to vector<64x1xf32>
      %swap3A_72 = arith.constant 0 : index
      %swap3A_73 = arith.constant 0 : index
      %swap3A_74 = vector.load %arg8[%swap3A_72, %swap3A_73] : memref<64x1xf32, #tpu.memory_space<vmem>>, vector<64x1xf32>
      tpu.vector_store %arg8[%swap3A_72, %swap3A_73], %broadcast_in_dim3A_71 {strides = array<i32>} : memref<64x1xf32, #tpu.memory_space<vmem>>, vector<64x1xf32>,
    } else {
    }
    %get3A_46 = arith.constant 0 : index
    %get3A_47 = arith.constant 0 : index
    %get3A_48 = vector.load %arg6[%get3A_46, %get3A_47] : memref<64x128xf32, #tpu.memory_space<vmem>>, vector<64x128xf32>
    %add3A_49 = arith.addf %get3A_48, %dot_general3A_39 : vector<64x128xf32>
    %swap3A_50 = arith.constant 0 : index
    %swap3A_51 = arith.constant 0 : index
    %swap3A_52 = vector.load %arg6[%swap3A_50, %swap3A_51] : memref<64x128xf32, #tpu.memory_space<vmem>>, vector<64x128xf32>
    tpu.vector_store %arg6[%swap3A_50, %swap3A_51], %add3A_49 {strides = array<i32>} : memref<64x128xf32, #tpu.memory_space<vmem>>, vector<64x128xf32>,
    %get3A_53 = arith.constant 0 : index
    %get3A_54 = arith.constant 0 : index
    %get3A_55 = vector.load %arg8[%get3A_53, %get3A_54] : memref<64x1xf32, #tpu.memory_space<vmem>>, vector<64x1xf32>
    %add3A_56 = arith.addf %get3A_55, %broadcast_in_dim3A_41 : vector<64x1xf32>
    %swap3A_57 = arith.constant 0 : index
    %swap3A_58 = arith.constant 0 : index
    %swap3A_59 = vector.load %arg8[%swap3A_57, %swap3A_58] : memref<64x1xf32, #tpu.memory_space<vmem>>, vector<64x1xf32>
    tpu.vector_store %arg8[%swap3A_57, %swap3A_58], %add3A_56 {strides = array<i32>} : memref<64x1xf32, #tpu.memory_space<vmem>>, vector<64x1xf32>,
    %eq3A_60 = arith.constant 4 : i32
    %eq3A_61 = arith.cmpi eq, %arg0, %eq3A_60 : i32
    %convert_element_type3A_62 = arith.extui %eq3A_61 : i1 to i32
    %cond3A_63 = arith.constant 0 : i32
    %cond3A_64 = arith.cmpi ne, %convert_element_type3A_62, %cond3A_63 : i32
    scf.if %cond3A_64 {
      %get3A_65 = arith.constant 0 : index
      %get3A_66 = arith.constant 0 : index
      %get3A_67 = vector.load %arg6[%get3A_65, %get3A_66] : memref<64x128xf32, #tpu.memory_space<vmem>>, vector<64x128xf32>
      %get3A_68 = arith.constant 0 : index
      %get3A_69 = arith.constant 0 : index
      %get3A_70 = vector.load %arg8[%get3A_68, %get3A_69] : memref<64x1xf32, #tpu.memory_space<vmem>>, vector<64x1xf32>
      %max3A_71 = arith.constant 1.000000e+00 : f32
      %max3A_72 = vector.broadcast %max3A_71 : f32 to vector<64x1xf32>
      %max3A_73 = arith.maximumf %get3A_70, %max3A_72 : vector<64x1xf32>
      %div3A_74 = vector.broadcast %max3A_73 : vector<64x1xf32> to vector<64x128xf32>
      %div3A_75 = arith.divf %get3A_67, %div3A_74 : vector<64x128xf32>
      %swap3A_76 = arith.constant 0 : index
      %swap3A_77 = arith.constant 0 : index
      %swap3A_78 = vector.load %arg6[%swap3A_76, %swap3A_77] : memref<64x128xf32, #tpu.memory_space<vmem>>, vector<64x128xf32>
      tpu.vector_store %arg6[%swap3A_76, %swap3A_77], %div3A_75 {strides = array<i32>} : memref<64x128xf32, #tpu.memory_space<vmem>>, vector<64x128xf32>,
    } else {
    }
    return
  }
  func.func @transform_0(%arg0: i32) -> (i32, i32, i32) {
    %c0_i32 = arith.constant 0 : i32
    %c0_i32_0 = arith.constant 0 : i32
    %c0_i32_1 = arith.constant 0 : i32
    return %c0_i32, %arg0, %c0_i32_0 : i32, i32, i32
  }
  func.func @transform_1(%arg0: i32) -> (i32, i32, i32, i32) {
    %c0_i32 = arith.constant 0 : i32
    %c0_i32_0 = arith.constant 0 : i32
    %c0_i32_1 = arith.constant 0 : i32
    %c0_i32_2 = arith.constant 0 : i32
    return %c0_i32, %arg0, %c0_i32_0, %c0_i32_1 : i32, i32, i32, i32
  }
  func.func @transform_2(%arg0: i32) -> (i32, i32) {
    %c0_i32 = arith.constant 0 : i32
    %c0_i32_0 = arith.constant 0 : i32
    return %arg0, %c0_i32 : i32, i32
  }
  func.func @transform_3(%arg0: i32) -> (i32, i32) {
    %c0_i32 = arith.constant 0 : i32
    %c0_i32_0 = arith.constant 0 : i32
    %c0_i32_1 = arith.constant 0 : i32
    return %c0_i32, %c0_i32_0 : i32, i32
  }
  func.func @transform_4(%arg0: i32) -> (i32, i32, i32) {
    %c0_i32 = arith.constant 0 : i32
    %c0_i32_0 = arith.constant 0 : i32
    %c0_i32_1 = arith.constant 0 : i32
    return %arg0, %c0_i32, %c0_i32_0 : i32, i32, i32
  }
  func.func @transform_5(%arg0: i32) -> (i32, i32) {
    %c0_i32 = arith.constant 0 : i32
    %c0_i32_0 = arith.constant 0 : i32
    %c0_i32_1 = arith.constant 0 : i32
    return %c0_i32, %c0_i32_0 : i32, i32
  }
  func.func @transform_6(%arg0: i32) -> (i32, i32) {
    %c0_i32 = arith.constant 0 : i32
    %c0_i32_0 = arith.constant 0 : i32
    return %arg0, %c0_i32 : i32, i32
  }
}

</mosaic_0001>

<sc_bundles>
// kernel: kernel.11.cloned.1.call-start
scs
__scs_entry_jumppad:
0x0: {  	(pc) =	sbr.rel $0x88, $3  }
0x1: {  	(tag) =	ssettag $0x0;
	lr =	simm.s32 $0x1  }
0x2: {  	[smem:$0x3F98] =	sst lr;
	_ =	strace $0xD0000000  }
0x3: {  	_ = 	snop  }
0x4: {  	_ = 	snop  }
0x5: {  	_ = 	snop  }
0x6: {  	_ = 	snop  }
0x7: {  	_ = 	snop  }
__scs_overlays_trampoline_lowered:
0x8: {  	[smem:$0x3FA7] =	sst s0  }
0x9: {  	[smem:$0x3FA8] =	sst s1  }
0xa: {  	[smem:$0x3FA9] =	sst s2  }
0xb: {  	[smem:$0x3FAA] =	sst s3  }
0xc: {  	[smem:$0x3FAB] =	sst s4  }
0xd: {  	[smem:$0x3FAC] =	sst s5  }
0xe: {  	[smem:$0x3FAD] =	sst s6  }
0xf: {  	[smem:$0x3FAE] =	sst s7  }
0x10: {  	[smem:$0x3FAF] =	sst s8  }
0x11: {  	[smem:$0x3FB0] =	sst s9;
	s0 =	simm.s32 @!p0 $0x0  }
0x12: {  	s1 =	sld [smem:$0x3F96];
	s0 =	simm.s32 @p0 $0x1  }
0x13: {  	[smem:$0x3FB1] =	sst s0;
	s0 =	simm.s32 @!p1 $0x0  }
0x14: {  	s2 =	sld [smem:$0x3F95];
	s0 =	simm.s32 @p1 $0x1  }
0x15: {  	[smem:$0x3FB2] =	sst s0;
	s0 =	simm.s32 @!p2 $0x0  }
0x16: {  	s3 =	sld [smem:$0x3FDB];
	s0 =	simm.s32 @p2 $0x1  }
0x17: {  	s4 =	simm.s32 $0x1BF5;
	[smem:$0x3FB4] =	sst s0  }
0x18: {  	s0 =	sld [smem:$0x3F97];
	_ =	swait.ge [sflag:s4], $0x0  }
0x19: {  	s7 =	sld [smem:$0x3F98]  }
0x1a: {  	s8 =	sadd.s32 $0xFFFFE003, lr  }
0x1b: {  	s9 =	sadd.s32 $0xFFFFFEF7, lr;
	s5 =	simm.s32 $0xFFFFFFFF;
	p2 =	slt.u32 s8, $0xFFFFF086  }
0x1c: {  	p1 =	slt.u32 s9, $0xF7A;
	s5 =	simm.s32 @!p2 $0x0  }
0x1d: {  	s5 =	simm.s32 @p1 $0x1;
	p0 =	seq.s32 s7, s2  }
0x1e: {  	s7 =	smul.u32 @!p0 $0xF7A, s2;
	p2 =	seq.s32 @!p0 s5, $0x0  }
0x1f: {  	s9 =	smul.u32 $0xF7A, s1;
	s8 =	simm.s32 @!p0 $0x1BF5;
	p2 =	por !p2, p0  }
0x20: {  	[sflag:s8] =	ssyncset.s32 @!p0 $0xFFFFF086;
	s6 =	sadd.s32 @!p0 s3, s7;
	s7 =	simm.s32 @!p0 $0x108  }
0x21: {  	s3 =	sadd.s32 s3, s9;
	s6 =	sadd.s32 @!p0 $0x88, s6;
	s7 =	simm.s32 @p2 $0x1082  }
0x22: {  	[simem:s7], [sflag:s8] =	dma.local @!p0 [hbm:s6], $0xF7A  }
0x23: {  	s9 =	sor.u32 $0xD0000000, s2;
	s6 =	simm.s32 $0x108;
	_ =	swait.ge @!p0 [sflag:s8], $0x0  }
0x24: {  	s3 =	sadd.s32 $0x88, s3;
	s6 =	simm.s32 @!p1 $0x1082;
	[sflag:s4] =	ssyncset.s32 $0xFFFFF086  }
0x25: {  	[simem:s6], [sflag:s4] =	dma.local [hbm:s3], $0xF7A  }
0x26: {  	[smem:$0x3F98] =	sst s1;
	(tag) =	ssettag s2;
	_ =	strace s9  }
0x27: {  	s1 =	sld [smem:$0x3FA8]  }
0x28: {  	s2 =	sld [smem:$0x3FA9]  }
0x29: {  	s4 =	sld [smem:$0x3FAB]  }
0x2a: {  	p0 =	seq.s32 s5, $0x0;
	s5 =	sld [smem:$0x3FAC]  }
0x2b: {  	s6 =	sld [smem:$0x3FAD]  }
0x2c: {  	s7 =	sld [smem:$0x3FAE]  }
0x2d: {  	s3 =	simm.s32 $0x108;
	s8 =	sld [smem:$0x3FAF]  }
0x2e: {  	s3 =	simm.s32 @!p0 $0x1082;
	s9 =	sld [smem:$0x3FB0]  }
0x2f: {  	lr =	sadd.s32 s0, s3;
	s0 =	sld [smem:$0x3FA7]  }
0x30: {  	s3 =	sld [smem:$0x3FAA]  }
0x31: {  	[smem:$0x3FB3] =	sst s10  }
0x32: {  	s10 =	sld [smem:$0x3FB1];
	_ =	sdelay $0x3  }
0x33: {  	p0 =	seq.s32 s10, $0x1;
	s10 =	sld [smem:$0x3FB3];
	_ =	sdelay $0x3  }
0x34: {  	[smem:$0x3FB3] =	sst s10  }
0x35: {  	s10 =	sld [smem:$0x3FB2];
	_ =	sdelay $0x3  }
0x36: {  	p1 =	seq.s32 s10, $0x1;
	s10 =	sld [smem:$0x3FB3];
	_ =	sdelay $0x3  }
0x37: {  	[smem:$0x3FB3] =	sst s10  }
0x38: {  	s10 =	sld [smem:$0x3FB4]  }
0x39: {  	_ = 	snop;
	(pc) =	sbr.ind lr, $3  }
0x3a: {  	_ = 	snop  }
0x3b: {  	_ = 	snop  }
0x3c: {  	p2 =	seq.s32 s10, $0x1;
	s10 =	sld [smem:$0x3FB3]  }
0x3d: {  	_ =	shalt  }
0x3e: {  	_ =	shalt  }
0x3f: {  	_ =	shalt  }
0x40: {  	_ =	shalt  }
0x41: {  	_ =	shalt  }
0x42: {  	_ =	shalt  }
0x43: {  	_ =	shalt  }
0x44: {  	_ =	shalt  }
0x45: {  	_ =	shalt  }
0x46: {  	_ =	shalt  }
0x47: {  	_ =	shalt  }
0x48: {  	_ =	shalt  }
0x49: {  	_ =	shalt  }
0x4a: {  	_ =	shalt  }
0x4b: {  	_ =	shalt  }
0x4c: {  	_ =	shalt  }
0x4d: {  	_ =	shalt  }
0x4e: {  	_ =	shalt  }
0x4f: {  	_ =	shalt  }
0x50: {  	_ =	shalt  }
0x51: {  	_ =	shalt  }
0x52: {  	_ =	shalt  }
0x53: {  	_ =	shalt  }
0x54: {  	_ =	shalt  }
0x55: {  	_ =	shalt  }
0x56: {  	_ =	shalt  }
0x57: {  	_ =	shalt  }
0x58: {  	_ =	shalt  }
0x59: {  	_ =	shalt  }
0x5a: {  	_ =	shalt  }
0x5b: {  	_ =	shalt  }
0x5c: {  	_ =	shalt  }
0x5d: {  	_ =	shalt  }
0x5e: {  	_ =	shalt  }
0x5f: {  	_ =	shalt  }
0x60: {  	_ =	shalt  }
0x61: {  	_ =	shalt  }
0x62: {  	_ =	shalt  }
0x63: {  	_ =	shalt  }
0x64: {  	_ =	shalt  }
0x65: {  	_ =	shalt  }
0x66: {  	_ =	shalt  }
0x67: {  	_ =	shalt  }
0x68: {  	_ =	shalt  }
0x69: {  	_ =	shalt  }
0x6a: {  	_ =	shalt  }
0x6b: {  	_ =	shalt  }
0x6c: {  	_ =	shalt  }
0x6d: {  	_ =	shalt  }
0x6e: {  	_ =	shalt  }
0x6f: {  	_ =	shalt  }
0x70: {  	_ =	shalt  }
0x71: {  	_ =	shalt  }
0x72: {  	_ =	shalt  }
0x73: {  	_ =	shalt  }
0x74: {  	_ =	shalt  }
0x75: {  	_ =	shalt  }
0x76: {  	_ =	shalt  }
0x77: {  	_ =	shalt  }
0x78: {  	_ =	shalt  }
0x79: {  	_ =	shalt  }
0x7a: {  	_ =	shalt  }
0x7b: {  	_ =	shalt  }
0x7c: {  	_ =	shalt  }
0x7d: {  	_ =	shalt  }
0x7e: {  	_ =	shalt  }
0x7f: {  	_ =	shalt  }
0x80: {  	_ =	shalt  }
0x81: {  	_ =	shalt  }
0x82: {  	_ =	shalt  }
0x83: {  	_ =	shalt  }
0x84: {  	_ =	shalt  }
0x85: {  	_ =	shalt  }
0x86: {  	_ =	shalt  }
0x87: {  	_ =	shalt  }
.Lfunc_end0:
.L_simem_size_0:
called_computation.1_lowered:
.L_overlay_start_0:
0x88: {  	s2 =	sld [smem:$0x3FD9]  }
0x89: {  	s3 =	sld [smem:$0x3FFE];
	_ =	sdelay $0x1  }
0x8a: {  	s1 =	srdreg.scid  }
0x8b: {  	s0 =	sand.u32 $0x1, s1  }
0x8c: {  	s14 =	sshll.u32 s0, $0xA;
	s2 =	sadd.s32 s3, s2  }
0x8d: {  	s2 =	sadd.s32 s2, s14  }
0x8e: {  	[smem:$0x3FBF] =	sst s2  }
0x8f: {  	_ = 	snop  }
0x90: {  	s2 =	sld [smem:$0x3FD0];
	_ =	sdelay $0x2  }
0x91: {  	s15 =	simm.s32 $0xA;
	s4 =	simm.s32 $0x10  }
0x92: {  	[smem:s4], [sflag:s15] =	dma.local [hbm:s2], $0x1  }
0x93: {  	_ =	swait.eq [sflag:s15], $0x1  }
0x94: {  	[sflag:s15] =	ssyncset.done $0x0  }
0x95: {  	[sflag:s15] =	ssyncadd.s32 $0xFFFFFFFF  }
0x96: {  	s16 =	sld [smem:$0x11];
	(tm) =	ssettm $0x1  }
0x97: {  	s17 =	sld [smem:$0x3FFB];
	_ =	sdelay $0x3  }
0x98: {  	_ =	strace s17  }
0x99: {  	s3 =	sld [smem:$0x3FFC];
	_ =	sdelay $0x3  }
0x9a: {  	_ =	strace s3  }
0x9b: {  	s3 =	sld [smem:$0x3FFD];
	_ =	sdelay $0x3  }
0x9c: {  	_ =	strace s3  }
0x9d: {  	_ =	strace $0x8FFFFFFF  }
0x9e: {  	s18 =	sld [smem:$0x3FDB];
	_ =	sdelay $0x1  }
0x9f: {  	s19 =	simm.s32 $_scs_section_size  }
0xa0: {  	s5 =	simm.s32 $_size__tile_overlayer_lowered;
	s6 =	simm.s32 $_tile_overlayer_lowered  }
0xa1: {  	s22 =	simm.s32 $0x1BFF;
	s21 =	sshll.u32 s6, $0x1;
	s3 =	sadd.s32 s19, s18  }
0xa2: {  	s7 =	simm.s32 $0x0;
	s20 =	sshll.u32 s5, $0x1;
	s5 =	sadd.s32 s21, s3  }
0xa3: {  	[timem:s7], [sflag:s22] =	dma.local [hbm:s5], s20  }
0xa4: {  	_ =	swait.ge [sflag:s22], s20  }
0xa5: {  	s4 =	ssub.s32 $0x0, s20;
	[sflag:s22] =	ssyncset.done $0x0  }
0xa6: {  	[sflag:s22] =	ssyncadd.s32 s4;
	_ =	sdelay $0x1  }
0xa7: {  	s23 =	simm.s32 $0x1B8B  }
0xa8: {  	_ =	swait.ge [sflag:s23], $0x1  }
0xa9: {  	[sflag:s23] =	ssyncset.done $0x0  }
0xaa: {  	s25 =	simm.s32 $0x1B8E;
	s24 =	sld [smem:$0x3FFE];
	[sflag:s23] =	ssyncadd.s32 $0xFFFFFFFF  }
0xab: {  	s26 =	simm.s32 $execute0_lowered;
	[smem:$0x3FD2] =	sst s25  }
0xac: {  	s5 =	sshll.u32 s26, $0x1;
	_ =	strace $0x80000049;
	[dreg:$0x1] =	wrdreg $0xFFFFFFFF  }
0xad: {  	s28 =	simm.s32 $_size_execute0_lowered;
	s3 =	sadd.s32 s3, s5;
	[dreg:$0x0] =	wrdreg $0x0  }
0xae: {  	s5 =	sshll.u32 s28, $0x1;
	[dreg:$0x2] =	wrdreg s3  }
0xaf: {  	[dreg:$0x3] =	wrdreg s5  }
0xb0: {  	[dreg:$0x4] =	wrdreg $0xC0  }
0xb1: {  	_ =	task [dreg:s7], $0x5FFFF  }
0xb2: {  	[dreg:$0x1] =	wrdreg $0xFFFFFFFF  }
0xb3: {  	[dreg:$0x0] =	wrdreg $0x60  }
0xb4: {  	[dreg:$0x2] =	wrdreg s16  }
0xb5: {  	[dreg:$0x3] =	wrdreg s24  }
0xb6: {  	[dreg:$0x4] =	wrdreg $0x0  }
0xb7: {  	[dreg:$0x5] =	wrdreg $0x9  }
0xb8: {  	_ =	task.clear_ibuf [dreg:s7], $0x6FFFF;
	_ =	strace $0x90000049  }
0xb9: {  	s29 =	simm.s32 $0x9;
	_ =	strace $0x8000004B  }
0xba: {  	_ =	swait.ge [sflag:s29], $0x1  }
0xbb: {  	[sflag:s29] =	ssyncadd.s32 $0xFFFFFFFF  }
0xbc: {  	_ =	strace $0x9000004B  }
0xbd: {  	_ =	sfence  }
0xbe: {  	s30 =	sld [smem:$0x0];
	_ =	sdelay $0x2  }
0xbf: {  	s31 =	sshll.u32 s1, $0xD;
	s1 =	sshrl.u32 s1, $0x2  }
0xc0: {  	s3 =	sand.u32 $0x4000, s31;
	s1 =	sadd.s32 s1, s30  }
0xc1: {  	s0 =	sor.u32 s3, s0;
	s1 =	sshll.u32 s1, $0x11  }
0xc2: {  	s0 =	sor.u32 s1, s0  }
0xc3: {  	s0 =	sadd.s32 $0x8F2B, s0  }
0xc4: {  	[sflag:s0] =	ssyncadd.remote.s32 $0x1  }
0xc5: {  	_ =	sfence.sel $0xFFFF  }
0xc6: {  	[dreg:$0x0] =	wrdreg $0xFFFFFFFF;
	(pc) =	sbr.abs _section_cstart, $3  }
0xc7: {  	[dreg:$0x1] =	wrdreg $0xFFFFFFFF  }
0xc8: {  	_ =	task.clear_ibuf [dreg:s7], $0x2FFFF;
	_ =	strace $0x9FFFFFFF  }
0xc9: {  	(tm) =	ssettm $0x7FFFFFFF  }
tec
execute0_lowered:
.L_overlay_start_1:
0x0: {  	(tag) =	ssettag $0x1  }
0x1: {  	s1 =	rddreg [dreg:$0x0]  }
0x2: {  	s0 =	rddreg [dreg:$0x1]  }
0x3: {  	s2 =	rddreg [dreg:$0x2]  }
0x4: {  	s3 =	srdreg.scid;
	s4 =	simm.s32 $0x0;
	s11 =	stileid.u32  }
0x5: {  	s28 =	simm.s32 $0x50;
	s29 =	simm.s32 $0x14180;
	s7 =	smul.u32 $0x13800, s11  }
0x6: {  	s3 =	sand.u32 $0x1, s3;
	[smem:$0x7FF] =	sst s4;
	s23 =	smul.u32 $0x2710, s11  }
0x7: {  	s5 =	sadd.s32 $0x2A00, s0;
	s6 =	smul.u32 $0x138800, s3;
	s8 =	sshll.u32 s3, $0x4  }
0x8: {  	s18 =	ssub.s32 $0x2, s3;
	s3 =	smul.u32 $0x27100, s3;
	s8 =	sor.u32 s11, s8  }
0x9: {  	_ =	strace $0x8000004A;
	s6 =	sadd.s32 s7, s6;
	s8 =	smul.u32 $0x2710, s8  }
0xa: {  	s9 =	sshrl.u32 s18, $0x1;
	s3 =	sadd.s32 s23, s3;
	s6 =	sshrl.u32 s6, $0x3  }
0xb: {  	s15 =	sadd.s32 $0x190, s3;
	s16 =	sadd.s32 $0x4E390, s3;
	s19 =	sshrl.u32 s8, $0x3  }
0xc: {  	s0 =	sadd.s32 s6, s0;
	s6 =	ssub.s32 s18, s9;
	s21 =	sadd.s32 s5, s19  }
0xd: {  	s8 =	sshrl.u32 s15, $0x3;
	s0 =	sadd.s32 $0x16400, s0;
	[dreg:$0x9] =	wrdreg s21  }
0xe: {  	s18 =	sshrl.u32 s16, $0x3;
	s17 =	sadd.s32 s8, s5;
	[dreg:$0x13] =	wrdreg s0  }
0xf: {  	s30 =	simm.s32 $0x19280;
	s19 =	sadd.s32 s18, s5;
	[dreg:$0x4] =	wrdreg s17  }
0x10: {  	s10 =	smul.u32 $0x4E000, s11;
	s6 =	smax.u32 s6, $0x1;
	[dreg:$0x5] =	wrdreg s19  }
0x11: {  	s31 =	simm.s32 $0x19300;
	s22 =	sadd.s32 $0x9C40, s21;
	[dreg:$0x14] =	wrdreg s6  }
0x12: {  	s20 =	sshrl.u32 s10, $0x2;
	s24 =	sadd.s32 $0xA, s21;
	[dreg:$0xa] =	wrdreg s22  }
0x13: {  	s10 =	simm.s32 $0x7;
	s25 =	sadd.s32 $0x9C4A, s21;
	[dreg:$0xb] =	wrdreg s24  }
0x14: {  	s7 =	sadd.s32 s20, s2;
	s26 =	sadd.s32 $0x14, s21;
	[dreg:$0xc] =	wrdreg s25  }
0x15: {  	s20 =	sadd.s32 $0x140, s3;
	s11 =	sadd.s32 $0x9C54, s21;
	[dreg:$0xd] =	wrdreg s26  }
0x16: {  	s23 =	sadd.s32 $0x4E2F0, s3;
	s12 =	sadd.s32 $0x4CE, s21;
	[dreg:$0xe] =	wrdreg s11  }
0x17: {  	s15 =	simm.s32 $0x9;
	s13 =	sadd.s32 $0xA10E, s21;
	[dreg:$0xf] =	wrdreg s12  }
0x18: {  	s16 =	simm.s32 $0x0;
	s14 =	sadd.s32 $0x4D8, s21;
	[dreg:$0x10] =	wrdreg s13  }
0x19: {  	s9 =	sadd.s32 $0xA118, s21;
	s21 =	sshrl.u32 s20, $0x3;
	[dreg:$0x11] =	wrdreg s14  }
0x1a: {  	s20 =	simm.s32 $0x13880;
	[dreg:$0x12] =	wrdreg s9;
	s22 =	sadd.s32 $0x4E340, s3  }
0x1b: {  	s0 =	sadd.s32 s21, s5;
	s25 =	sshrl.u32 s23, $0x3;
	s3 =	sadd.s32 $0xF0, s3  }
0x1c: {  	s21 =	simm.s32 $0xA;
	s23 =	simm.s32 $0x14100;
	s9 =	simm.s32 $0x3  }
0x1d: {  	s11 =	simm.s32 $0x19380;
	s12 =	simm.s32 $0x5;
	s13 =	simm.s32 $0x6  }
0x1e: {  	s14 =	simm.s32 $0x8;
	s8 =	sshrl.u32 s22, $0x3;
	[dreg:$0x6] =	wrdreg s0  }
0x1f: {  	s26 =	sadd.s32 s25, s5;
	[dreg:$0x15] =	wrdreg s3;
	s22 =	simm.s32 $0x14080  }
0x20: {  	s25 =	simm.s32 $0x16A00;
	s0 =	simm.s32 $0x4;
	s3 =	simm.s32 $0x16A80  }
0x21: {  	s24 =	sadd.s32 s8, s5;
	[dreg:$0x8] =	wrdreg s26;
	s26 =	simm.s32 $0x1  }
0x22: {  	v0 =	vimm.f32 $0.0e+00;
	s8 =	simm.s32 $0x2;
	[dreg:$0x7] =	wrdreg s24;
	s24 =	simm.s32 $0x16980  }
.LBB2_1:
0x23: {  	s6 =	simm.s32 $0x0;
	s17 =	simm.s32 $0x200  }
.LBB2_2:
0x24: {  	p0 =	sne.s32 s17, $0x1E00;
	[tilespmem:s6+$0x138F0] =	vst v0  }
0x25: {  	[tilespmem:s6+$0x13880] =	vst v0  }
0x26: {  	[tilespmem:s6+$0x13890] =	vst v0  }
.Ltmp0:
0x27: {  	[tilespmem:s6+$0x138A0] =	vst v0;
	(pc) =	sbr.rel @p0 .LBB2_2-.Ltmp0, $4  }
0x28: {  	[tilespmem:s6+$0x138B0] =	vst v0  }
0x29: {  	[tilespmem:s6+$0x138C0] =	vst v0  }
0x2a: {  	[tilespmem:s6+$0x138D0] =	vst v0  }
0x2b: {  	[tilespmem:s6+$0x138E0] =	vst v0;
	s6 =	sshra.s32 s17, $0x2;
	s17 =	sadd.s32 $0x200, s17  }
0x2c: {  	[tilespmem:s6+$0x138F0] =	vst v0  }
0x2d: {  	[tilespmem:s6+$0x13880] =	vst v0  }
0x2e: {  	[tilespmem:s6+$0x13890] =	vst v0  }
0x2f: {  	[tilespmem:s6+$0x138A0] =	vst v0  }
0x30: {  	[tilespmem:s6+$0x138B0] =	vst v0  }
0x31: {  	[tilespmem:s6+$0x138C0] =	vst v0  }
0x32: {  	[tilespmem:s6+$0x138D0] =	vst v0  }
0x33: {  	[dreg:$0x16] =	wrdreg s16;
	[tilespmem:s6+$0x138E0] =	vst v0;
	s19 =	sadd.s32 $0x0, s7  }
0x34: {  	[spmem:s19] =	stream.linear.scatter [tilespmem:s20], [sflag:$0xA], $0x800, $0x38;
	[tilespmem:$0x1BB80] =	vst v63  }
0x35: {  	s6 =	simm.s32 $0x2000;
	_ =	swait.ge [sflag:s21], $0x800  }
.LBB2_4:
0x36: {  	s17 =	sshra.s32 s6, $0x2;
	[sflag:s21] =	ssyncset.done $0x0;
	p0 =	sne.s32 s6, $0x4E000  }
.Ltmp1:
0x37: {  	s17 =	sadd.s32 s17, s7;
	[sflag:s21] =	ssyncadd.s32 $0xFFFFF800;
	(pc) =	sbr.rel @p0 .LBB2_4-.Ltmp1, $3  }
0x38: {  	[spmem:s17] =	stream.linear.scatter [tilespmem:s20], [sflag:$0xA], $0x800, $0x38;
	[tilespmem:$0x1BB80] =	vst v63  }
0x39: {  	s6 =	sadd.s32 $0x2000, s6;
	_ =	sdelay $0x1  }
0x3a: {  	_ =	swait.ge [sflag:s21], $0x800  }
0x3b: {  	[sflag:s21] =	ssyncset.done $0x0  }
0x3c: {  	[sflag:s21] =	ssyncadd.s32 $0xFFFFF800  }
0x3d: {  	[bflag:$0x0] =	sbarrier.arrive $0xFFFF  }
0x3e: {  	s6 =	simm.s32 $0x0;
	s16 =	rddreg [dreg:$0x9]  }
0x3f: {  	[tilespmem:s22], [sflag:$0x1] =	stream.linear.gather [hbm4b:s16+s6], $0x50, $0x38;
	[tilespmem:$0x1BB80] =	vst v63  }
0x40: {  	s19 =	rddreg [dreg:$0xa]  }
0x41: {  	[tilespmem:s23], [sflag:$0x1] =	stream.linear.gather [hbm4b:s19+s6], $0x50, $0x38;
	[tilespmem:$0x1BB80] =	vst v63  }
0x42: {  	s17 =	rddreg [dreg:$0xb]  }
0x43: {  	[tilespmem:s24], [sflag:$0x4] =	stream.linear.gather [hbm4b:s17+s6], $0x50, $0x38;
	[tilespmem:$0x1BB80] =	vst v63  }
0x44: {  	s18 =	rddreg [dreg:$0xc]  }
0x45: {  	[tilespmem:s25], [sflag:$0x4] =	stream.linear.gather [hbm4b:s18+s6], $0x50, $0x38;
	[tilespmem:$0x1BB80] =	vst v63  }
0x46: {  	_ =	swait.ge [sflag:s26], $0x50  }
0x47: {  	[sflag:s26] =	ssyncset.done $0x0  }
0x48: {  	[sflag:s26] =	ssyncadd.s32 $0xFFFFFFB0  }
0x49: {  	_ =	swait.ge [sflag:s26], $0x50  }
0x4a: {  	[sflag:s26] =	ssyncset.done $0x0  }
0x4b: {  	[sflag:s26] =	ssyncadd.s32 $0xFFFFFFB0  }
0x4c: {  	[tilespmem:s29], [sflag:$0x2] =	stream.indirect.gather [hbm4b:s1+s28], $0x80, s22, s28, $0xb8;
	[tilespmem:$0x1BB80] =	vst v63  }
0x4d: {  	s19 =	rddreg [dreg:$0xd]  }
0x4e: {  	[tilespmem:s30], [sflag:$0x7] =	stream.linear.gather [hbm4b:s19+s6], $0x50, $0x38;
	[tilespmem:$0x1BB80] =	vst v63  }
0x4f: {  	s17 =	rddreg [dreg:$0xe]  }
0x50: {  	[tilespmem:s31], [sflag:$0x7] =	stream.linear.gather [hbm4b:s17+s6], $0x50, $0x38;
	[tilespmem:$0x1BB80] =	vst v63  }
0x51: {  	_ =	swait.ge [sflag:s0], $0x50  }
0x52: {  	[sflag:s0] =	ssyncset.done $0x0  }
0x53: {  	[sflag:s0] =	ssyncadd.s32 $0xFFFFFFB0  }
0x54: {  	_ =	swait.ge [sflag:s0], $0x50  }
0x55: {  	[sflag:s0] =	ssyncset.done $0x0  }
0x56: {  	[sflag:s0] =	ssyncadd.s32 $0xFFFFFFB0  }
0x57: {  	[tilespmem:s3], [sflag:$0x5] =	stream.indirect.gather [hbm4b:s1+s28], $0x80, s24, s28, $0xb8;
	[tilespmem:$0x1BB80] =	vst v63  }
0x58: {  	_ =	swait.ge [sflag:s8], $0x2800  }
0x59: {  	[sflag:s8] =	ssyncset.done $0x0  }
0x5a: {  	[sflag:s8] =	ssyncadd.s32 $0xFFFFD800  }
0x5b: {  	[spmem:s2] =	stream.indirect.scatter.add.f32 [tilespmem:s29], [sflag:$0x3], $0x80, s23, s28, $0xb8;
	[tilespmem:$0x1BB80] =	vst v63  }
0x5c: {  	_ =	swait.ge [sflag:s9], $0x2800  }
0x5d: {  	s16 =	rddreg [dreg:$0x15]  }
0x5e: {  	[sflag:s9] =	ssyncset.done $0x0;
	s18 =	sshrl.u32 s16, $0x3  }
0x5f: {  	s17 =	rddreg [dreg:$0x8];
	[sflag:s9] =	ssyncadd.s32 $0xFFFFD800;
	s6 =	sadd.s32 s5, s18  }
0x60: {  	[tilespmem:s22], [sflag:$0x1] =	stream.linear.gather [hbm4b:s6+s4], $0x50, $0x38;
	[tilespmem:$0x1BB80] =	vst v63  }
0x61: {  	s19 =	sadd.s32 $0x0, s17  }
0x62: {  	[tilespmem:s23], [sflag:$0x1] =	stream.linear.gather [hbm4b:s19+s4], $0x50, $0x38;
	[tilespmem:$0x1BB80] =	vst v63  }
0x63: {  	_ =	swait.ge [sflag:s10], $0x50  }
0x64: {  	[sflag:s10] =	ssyncset.done $0x0  }
0x65: {  	[sflag:s10] =	ssyncadd.s32 $0xFFFFFFB0  }
0x66: {  	_ =	swait.ge [sflag:s10], $0x50  }
0x67: {  	[sflag:s10] =	ssyncset.done $0x0  }
0x68: {  	[sflag:s10] =	ssyncadd.s32 $0xFFFFFFB0  }
0x69: {  	[tilespmem:s11], [sflag:$0x8] =	stream.indirect.gather [hbm4b:s1+s28], $0x80, s30, s28, $0xb8;
	[tilespmem:$0x1BB80] =	vst v63  }
0x6a: {  	_ =	swait.ge [sflag:s12], $0x2800  }
0x6b: {  	[sflag:s12] =	ssyncset.done $0x0  }
0x6c: {  	[sflag:s12] =	ssyncadd.s32 $0xFFFFD800  }
0x6d: {  	[spmem:s2] =	stream.indirect.scatter.add.f32 [tilespmem:s3], [sflag:$0x6], $0x80, s25, s28, $0xb8;
	[tilespmem:$0x1BB80] =	vst v63  }
0x6e: {  	_ =	swait.ge [sflag:s13], $0x2800  }
0x6f: {  	s17 =	rddreg [dreg:$0x6];
	[sflag:s13] =	ssyncset.done $0x0  }
0x70: {  	s18 =	rddreg [dreg:$0x7];
	[sflag:s13] =	ssyncadd.s32 $0xFFFFD800;
	s6 =	sadd.s32 $0x0, s17  }
0x71: {  	[tilespmem:s24], [sflag:$0x4] =	stream.linear.gather [hbm4b:s6+s4], $0x50, $0x38;
	[tilespmem:$0x1BB80] =	vst v63  }
0x72: {  	s19 =	sadd.s32 $0x0, s18  }
0x73: {  	[tilespmem:s25], [sflag:$0x4] =	stream.linear.gather [hbm4b:s19+s4], $0x50, $0x38;
	[tilespmem:$0x1BB80] =	vst v63  }
0x74: {  	_ =	swait.ge [sflag:s26], $0x50  }
0x75: {  	[sflag:s26] =	ssyncset.done $0x0  }
0x76: {  	[sflag:s26] =	ssyncadd.s32 $0xFFFFFFB0  }
0x77: {  	_ =	swait.ge [sflag:s26], $0x50  }
0x78: {  	[sflag:s26] =	ssyncset.done $0x0  }
0x79: {  	[sflag:s26] =	ssyncadd.s32 $0xFFFFFFB0  }
0x7a: {  	[tilespmem:s29], [sflag:$0x2] =	stream.indirect.gather [hbm4b:s1+s28], $0x80, s22, s28, $0xb8;
	[tilespmem:$0x1BB80] =	vst v63  }
0x7b: {  	_ =	swait.ge [sflag:s14], $0x2800  }
0x7c: {  	[sflag:s14] =	ssyncset.done $0x0  }
0x7d: {  	[sflag:s14] =	ssyncadd.s32 $0xFFFFD800  }
0x7e: {  	[spmem:s2] =	stream.indirect.scatter.add.f32 [tilespmem:s11], [sflag:$0x9], $0x80, s31, s28, $0xb8;
	[tilespmem:$0x1BB80] =	vst v63  }
0x7f: {  	_ =	swait.ge [sflag:s15], $0x2800  }
0x80: {  	s17 =	rddreg [dreg:$0x4];
	[sflag:s15] =	ssyncset.done $0x0  }
0x81: {  	s18 =	rddreg [dreg:$0x5];
	[sflag:s15] =	ssyncadd.s32 $0xFFFFD800;
	s6 =	sadd.s32 $0x0, s17  }
0x82: {  	[tilespmem:s30], [sflag:$0x7] =	stream.linear.gather [hbm4b:s6+s4], $0x50, $0x38;
	[tilespmem:$0x1BB80] =	vst v63  }
0x83: {  	s19 =	sadd.s32 $0x0, s18  }
0x84: {  	[tilespmem:s31], [sflag:$0x7] =	stream.linear.gather [hbm4b:s19+s4], $0x50, $0x38;
	[tilespmem:$0x1BB80] =	vst v63  }
0x85: {  	_ =	swait.ge [sflag:s0], $0x50  }
0x86: {  	[sflag:s0] =	ssyncset.done $0x0  }
0x87: {  	[sflag:s0] =	ssyncadd.s32 $0xFFFFFFB0  }
0x88: {  	_ =	swait.ge [sflag:s0], $0x50  }
0x89: {  	[sflag:s0] =	ssyncset.done $0x0  }
0x8a: {  	[sflag:s0] =	ssyncadd.s32 $0xFFFFFFB0  }
0x8b: {  	[tilespmem:s3], [sflag:$0x5] =	stream.indirect.gather [hbm4b:s1+s28], $0x80, s24, s28, $0xb8;
	[tilespmem:$0x1BB80] =	vst v63  }
0x8c: {  	_ =	swait.ge [sflag:s8], $0x2800  }
0x8d: {  	[sflag:s8] =	ssyncset.done $0x0  }
0x8e: {  	s17 =	simm.s32 $0x1E;
	s18 =	sadd.s32 $0xF0, s16;
	[sflag:s8] =	ssyncadd.s32 $0xFFFFD800  }
.LBB2_6:
0x8f: {  	[spmem:s2] =	stream.indirect.scatter.add.f32 [tilespmem:s29], [sflag:$0x3], $0x80, s23, s28, $0xb8;
	[tilespmem:$0x1BB80] =	vst v63  }
0x90: {  	_ =	swait.ge [sflag:s9], $0x2800  }
0x91: {  	s6 =	smov.u32 s17;
	s19 =	sshrl.u32 s18, $0x3;
	[sflag:s9] =	ssyncset.done $0x0  }
0x92: {  	s19 =	sadd.s32 s5, s19;
	s16 =	rddreg [dreg:$0x8];
	[sflag:s9] =	ssyncadd.s32 $0xFFFFD800  }
0x93: {  	[tilespmem:s22], [sflag:$0x1] =	stream.linear.gather [hbm4b:s19+s4], $0x50, $0x38;
	[tilespmem:$0x1BB80] =	vst v63  }
0x94: {  	s16 =	sadd.s32 s6, s16  }
0x95: {  	[tilespmem:s23], [sflag:$0x1] =	stream.linear.gather [hbm4b:s16+s4], $0x50, $0x38;
	[tilespmem:$0x1BB80] =	vst v63  }
0x96: {  	_ =	swait.ge [sflag:s10], $0x50  }
0x97: {  	[sflag:s10] =	ssyncset.done $0x0  }
0x98: {  	[sflag:s10] =	ssyncadd.s32 $0xFFFFFFB0  }
0x99: {  	_ =	swait.ge [sflag:s10], $0x50  }
0x9a: {  	[sflag:s10] =	ssyncset.done $0x0  }
0x9b: {  	[sflag:s10] =	ssyncadd.s32 $0xFFFFFFB0  }
0x9c: {  	[tilespmem:s11], [sflag:$0x8] =	stream.indirect.gather [hbm4b:s1+s28], $0x80, s30, s28, $0xb8;
	[tilespmem:$0x1BB80] =	vst v63  }
0x9d: {  	_ =	swait.ge [sflag:s12], $0x2800  }
0x9e: {  	[sflag:s12] =	ssyncset.done $0x0  }
0x9f: {  	[sflag:s12] =	ssyncadd.s32 $0xFFFFD800  }
0xa0: {  	[spmem:s2] =	stream.indirect.scatter.add.f32 [tilespmem:s3], [sflag:$0x6], $0x80, s25, s28, $0xb8;
	[tilespmem:$0x1BB80] =	vst v63  }
0xa1: {  	_ =	swait.ge [sflag:s13], $0x2800  }
0xa2: {  	s16 =	rddreg [dreg:$0x6];
	[sflag:s13] =	ssyncset.done $0x0  }
0xa3: {  	s19 =	rddreg [dreg:$0x7];
	[sflag:s13] =	ssyncadd.s32 $0xFFFFD800;
	s16 =	sadd.s32 s6, s16  }
0xa4: {  	[tilespmem:s24], [sflag:$0x4] =	stream.linear.gather [hbm4b:s16+s4], $0x50, $0x38;
	[tilespmem:$0x1BB80] =	vst v63  }
0xa5: {  	s19 =	sadd.s32 s6, s19  }
0xa6: {  	[tilespmem:s25], [sflag:$0x4] =	stream.linear.gather [hbm4b:s19+s4], $0x50, $0x38;
	[tilespmem:$0x1BB80] =	vst v63  }
0xa7: {  	_ =	swait.ge [sflag:s26], $0x50  }
0xa8: {  	[sflag:s26] =	ssyncset.done $0x0  }
0xa9: {  	[sflag:s26] =	ssyncadd.s32 $0xFFFFFFB0  }
0xaa: {  	_ =	swait.ge [sflag:s26], $0x50  }
0xab: {  	[sflag:s26] =	ssyncset.done $0x0  }
0xac: {  	[sflag:s26] =	ssyncadd.s32 $0xFFFFFFB0  }
0xad: {  	[tilespmem:s29], [sflag:$0x2] =	stream.indirect.gather [hbm4b:s1+s28], $0x80, s22, s28, $0xb8;
	[tilespmem:$0x1BB80] =	vst v63  }
0xae: {  	_ =	swait.ge [sflag:s14], $0x2800  }
0xaf: {  	[sflag:s14] =	ssyncset.done $0x0  }
0xb0: {  	[sflag:s14] =	ssyncadd.s32 $0xFFFFD800  }
0xb1: {  	[spmem:s2] =	stream.indirect.scatter.add.f32 [tilespmem:s11], [sflag:$0x9], $0x80, s31, s28, $0xb8;
	[tilespmem:$0x1BB80] =	vst v63  }
0xb2: {  	_ =	swait.ge [sflag:s15], $0x2800  }
0xb3: {  	s16 =	rddreg [dreg:$0x4];
	[sflag:s15] =	ssyncset.done $0x0  }
0xb4: {  	s19 =	rddreg [dreg:$0x5];
	[sflag:s15] =	ssyncadd.s32 $0xFFFFD800;
	s16 =	sadd.s32 s6, s16  }
0xb5: {  	[tilespmem:s30], [sflag:$0x7] =	stream.linear.gather [hbm4b:s16+s4], $0x50, $0x38;
	[tilespmem:$0x1BB80] =	vst v63  }
0xb6: {  	s6 =	sadd.s32 s6, s19  }
0xb7: {  	[tilespmem:s31], [sflag:$0x7] =	stream.linear.gather [hbm4b:s6+s4], $0x50, $0x38;
	[tilespmem:$0x1BB80] =	vst v63  }
0xb8: {  	_ =	swait.ge [sflag:s0], $0x50  }
0xb9: {  	[sflag:s0] =	ssyncset.done $0x0  }
0xba: {  	[sflag:s0] =	ssyncadd.s32 $0xFFFFFFB0  }
0xbb: {  	_ =	swait.ge [sflag:s0], $0x50  }
0xbc: {  	p0 =	sne.s32 s17, $0x492;
	[sflag:s0] =	ssyncset.done $0x0  }
.Ltmp2:
0xbd: {  	[sflag:s0] =	ssyncadd.s32 $0xFFFFFFB0;
	(pc) =	sbr.rel @p0 .LBB2_6-.Ltmp2, $4  }
0xbe: {  	[tilespmem:s3], [sflag:$0x5] =	stream.indirect.gather [hbm4b:s1+s28], $0x80, s24, s28, $0xb8;
	[tilespmem:$0x1BB80] =	vst v63  }
0xbf: {  	_ =	swait.ge [sflag:s8], $0x2800  }
0xc0: {  	[sflag:s8] =	ssyncset.done $0x0  }
0xc1: {  	s17 =	sadd.s32 $0x1E, s17;
	s18 =	sadd.s32 $0xF0, s18;
	[sflag:s8] =	ssyncadd.s32 $0xFFFFD800  }
0xc2: {  	[spmem:s2] =	stream.indirect.scatter.add.f32 [tilespmem:s29], [sflag:$0x3], $0x80, s23, s28, $0xb8;
	[tilespmem:$0x1BB80] =	vst v63  }
0xc3: {  	_ =	swait.ge [sflag:s9], $0x2800  }
0xc4: {  	[sflag:s9] =	ssyncset.done $0x0  }
0xc5: {  	s6 =	rddreg [dreg:$0xf];
	[sflag:s9] =	ssyncadd.s32 $0xFFFFD800  }
0xc6: {  	[tilespmem:s22], [sflag:$0x1] =	stream.linear.gather [hbm4b:s6+s4], $0x50, $0x38;
	[tilespmem:$0x1BB80] =	vst v63  }
0xc7: {  	s18 =	rddreg [dreg:$0x10]  }
0xc8: {  	[tilespmem:s23], [sflag:$0x1] =	stream.linear.gather [hbm4b:s18+s4], $0x50, $0x38;
	[tilespmem:$0x1BB80] =	vst v63  }
0xc9: {  	_ =	swait.ge [sflag:s10], $0x50  }
0xca: {  	[sflag:s10] =	ssyncset.done $0x0  }
0xcb: {  	[sflag:s10] =	ssyncadd.s32 $0xFFFFFFB0  }
0xcc: {  	_ =	swait.ge [sflag:s10], $0x50  }
0xcd: {  	[sflag:s10] =	ssyncset.done $0x0  }
0xce: {  	[sflag:s10] =	ssyncadd.s32 $0xFFFFFFB0  }
0xcf: {  	[tilespmem:s11], [sflag:$0x8] =	stream.indirect.gather [hbm4b:s1+s28], $0x80, s30, s28, $0xb8;
	[tilespmem:$0x1BB80] =	vst v63  }
0xd0: {  	_ =	swait.ge [sflag:s12], $0x2800  }
0xd1: {  	[sflag:s12] =	ssyncset.done $0x0  }
0xd2: {  	[sflag:s12] =	ssyncadd.s32 $0xFFFFD800  }
0xd3: {  	[spmem:s2] =	stream.indirect.scatter.add.f32 [tilespmem:s3], [sflag:$0x6], $0x80, s25, s28, $0xb8;
	[tilespmem:$0x1BB80] =	vst v63  }
0xd4: {  	_ =	swait.ge [sflag:s13], $0x2800  }
0xd5: {  	[sflag:s13] =	ssyncset.done $0x0  }
0xd6: {  	s19 =	rddreg [dreg:$0x11];
	[sflag:s13] =	ssyncadd.s32 $0xFFFFD800  }
0xd7: {  	[tilespmem:s24], [sflag:$0x4] =	stream.linear.gather [hbm4b:s19+s4], $0x50, $0x38;
	[tilespmem:$0x1BB80] =	vst v63  }
0xd8: {  	s16 =	rddreg [dreg:$0x12]  }
0xd9: {  	[tilespmem:s25], [sflag:$0x4] =	stream.linear.gather [hbm4b:s16+s4], $0x50, $0x38;
	[tilespmem:$0x1BB80] =	vst v63  }
0xda: {  	_ =	swait.ge [sflag:s26], $0x50  }
0xdb: {  	[sflag:s26] =	ssyncset.done $0x0  }
0xdc: {  	[sflag:s26] =	ssyncadd.s32 $0xFFFFFFB0  }
0xdd: {  	_ =	swait.ge [sflag:s26], $0x50  }
0xde: {  	[sflag:s26] =	ssyncset.done $0x0  }
0xdf: {  	[sflag:s26] =	ssyncadd.s32 $0xFFFFFFB0  }
0xe0: {  	[tilespmem:s29], [sflag:$0x2] =	stream.indirect.gather [hbm4b:s1+s28], $0x80, s22, s28, $0xb8;
	[tilespmem:$0x1BB80] =	vst v63  }
0xe1: {  	_ =	swait.ge [sflag:s14], $0x2800  }
0xe2: {  	[sflag:s14] =	ssyncset.done $0x0  }
0xe3: {  	[sflag:s14] =	ssyncadd.s32 $0xFFFFD800  }
0xe4: {  	[spmem:s2] =	stream.indirect.scatter.add.f32 [tilespmem:s11], [sflag:$0x9], $0x80, s31, s28, $0xb8;
	[tilespmem:$0x1BB80] =	vst v63  }
0xe5: {  	_ =	swait.ge [sflag:s15], $0x2800  }
0xe6: {  	[sflag:s15] =	ssyncset.done $0x0  }
0xe7: {  	[sflag:s15] =	ssyncadd.s32 $0xFFFFD800  }
0xe8: {  	_ =	swait.ge [sflag:s0], $0x50  }
0xe9: {  	[sflag:s0] =	ssyncset.done $0x0  }
0xea: {  	[sflag:s0] =	ssyncadd.s32 $0xFFFFFFB0  }
0xeb: {  	_ =	swait.ge [sflag:s0], $0x50  }
0xec: {  	[sflag:s0] =	ssyncset.done $0x0  }
0xed: {  	[sflag:s0] =	ssyncadd.s32 $0xFFFFFFB0  }
0xee: {  	[tilespmem:s3], [sflag:$0x5] =	stream.indirect.gather [hbm4b:s1+s28], $0x80, s24, s28, $0xb8;
	[tilespmem:$0x1BB80] =	vst v63  }
0xef: {  	_ =	swait.ge [sflag:s8], $0x2800  }
0xf0: {  	[sflag:s8] =	ssyncset.done $0x0  }
0xf1: {  	[sflag:s8] =	ssyncadd.s32 $0xFFFFD800  }
0xf2: {  	[spmem:s2] =	stream.indirect.scatter.add.f32 [tilespmem:s29], [sflag:$0x3], $0x80, s23, s28, $0xb8;
	[tilespmem:$0x1BB80] =	vst v63  }
0xf3: {  	_ =	swait.ge [sflag:s12], $0x2800  }
0xf4: {  	[sflag:s12] =	ssyncset.done $0x0  }
0xf5: {  	[sflag:s12] =	ssyncadd.s32 $0xFFFFD800  }
0xf6: {  	[spmem:s2] =	stream.indirect.scatter.add.f32 [tilespmem:s3], [sflag:$0x6], $0x80, s25, s28, $0xb8;
	[tilespmem:$0x1BB80] =	vst v63  }
0xf7: {  	_ =	swait.ge [sflag:s9], $0x2800  }
0xf8: {  	[sflag:s9] =	ssyncset.done $0x0  }
0xf9: {  	[sflag:s9] =	ssyncadd.s32 $0xFFFFD800  }
0xfa: {  	_ =	swait.ge [sflag:s13], $0x2800  }
0xfb: {  	[sflag:s13] =	ssyncset.done $0x0  }
0xfc: {  	s17 =	stileid.u32;
	[sflag:s13] =	ssyncadd.s32 $0xFFFFD800  }
0xfd: {  	s6 =	sshll.u32 s17, $0x6;
	[bflag:$0x0] =	sbarrier.arrive $0xFFFF  }
0xfe: {  	s6 =	sor.u32 $0x1C0A, s6;
	s16 =	sshrl.u32 s7, $0x3;
	s17 =	rddreg [dreg:$0x13]  }
0xff: {  	[hbm:s17], [sflag:s6] =	dma.local [spmem:s16], $0x2800  }
0x100: {  	_ =	swait.ge [sflag:s21], $0x2800  }
0x101: {  	s18 =	rddreg [dreg:$0x16]  }
0x102: {  	s19 =	rddreg [dreg:$0x14];
	s16 =	sadd.s32 $0x1, s18  }
0x103: {  	p0 =	sne.s32 s16, s19  }
.Ltmp3:
0x104: {  	_ = 	snop;
	(pc) =	sbr.rel @p0 .LBB2_1-.Ltmp3, $3  }
0x105: {  	_ =	sdelay $0x1  }
0x106: {  	[sflag:s21] =	ssyncset.done $0x0  }
0x107: {  	[sflag:s21] =	ssyncadd.s32 $0xFFFFD800  }
0x108: {  	_ =	sfence.sel $0x180000  }
0x109: {  	[bflag:$0x0] =	sbarrier.arrive $0xFFFF  }
0x10a: {  	_ =	strace $0x9000004A  }
0x10b: {  	s0 =	stileid.u32;
	[bflag:$0x2] =	sbarrier.arrive $0xFFFF  }
0x10c: {  	p0 =	sne.s32 s0, $0x0;
	s0 =	rddreg [dreg:$0x3]  }
0x10d: {  	s0 =	sadd.s32 @!p0 $0x100000, s0  }
0x10e: {  	[sflag:s0] =	ssyncadd.tile.s32 @!p0 $0x1;
	_ =	shalt  }
.Lfunc_end2:
_tile_overlayer_lowered:
.L_overlay_start_2:
0x10f: {  	(tag) =	ssettag $0x2  }
0x110: {  	s0 =	rddreg [dreg:$0x0];
	s2 =	stileid.u32  }
0x111: {  	s1 =	rddreg [dreg:$0x1];
	p0 =	sne.s32 s2, $0x0  }
0x112: {  	s3 =	rddreg [dreg:$0x2];
	[bflag:$0x3] =	sbarrier.arrive $0xFFFF;
	s2 =	simm.s32 @!p0 $0x1C0A  }
0x113: {  	[timem:s3], [sflag:s2] =	dma.local @!p0 [hbm:s0], s1  }
0x114: {  	s0 =	simm.s32 @!p0 $0xA  }
0x115: {  	_ =	swait.ge @!p0 [sflag:s0], s1  }
0x116: {  	s1 =	ssub.s32 @!p0 $0x0, s1;
	[sflag:s0] =	ssyncset.done @!p0 $0x0  }
0x117: {  	[sflag:s0] =	ssyncadd.s32 @!p0 s1  }
0x118: {  	[bflag:$0x3] =	sbarrier.arrive $0xFFFF  }
0x119: {  	_ =	shalt  }

// kernel: kernel.8.cloned.1.call-start
scs
__scs_entry_jumppad:
0x0: {  	(pc) =	sbr.rel $0x88, $3  }
0x1: {  	(tag) =	ssettag $0x0;
	lr =	simm.s32 $0x1  }
0x2: {  	[smem:$0x3F98] =	sst lr;
	_ =	strace $0xD0000000  }
0x3: {  	_ = 	snop  }
0x4: {  	_ = 	snop  }
0x5: {  	_ = 	snop  }
0x6: {  	_ = 	snop  }
0x7: {  	_ = 	snop  }
__scs_overlays_trampoline_lowered:
0x8: {  	[smem:$0x3FA7] =	sst s0  }
0x9: {  	[smem:$0x3FA8] =	sst s1  }
0xa: {  	[smem:$0x3FA9] =	sst s2  }
0xb: {  	[smem:$0x3FAA] =	sst s3  }
0xc: {  	[smem:$0x3FAB] =	sst s4  }
0xd: {  	[smem:$0x3FAC] =	sst s5  }
0xe: {  	[smem:$0x3FAD] =	sst s6  }
0xf: {  	[smem:$0x3FAE] =	sst s7  }
0x10: {  	[smem:$0x3FAF] =	sst s8  }
0x11: {  	[smem:$0x3FB0] =	sst s9;
	s0 =	simm.s32 @!p0 $0x0  }
0x12: {  	s1 =	sld [smem:$0x3F96];
	s0 =	simm.s32 @p0 $0x1  }
0x13: {  	[smem:$0x3FB1] =	sst s0;
	s0 =	simm.s32 @!p1 $0x0  }
0x14: {  	s2 =	sld [smem:$0x3F95];
	s0 =	simm.s32 @p1 $0x1  }
0x15: {  	[smem:$0x3FB2] =	sst s0;
	s0 =	simm.s32 @!p2 $0x0  }
0x16: {  	s3 =	sld [smem:$0x3FDB];
	s0 =	simm.s32 @p2 $0x1  }
0x17: {  	s4 =	simm.s32 $0x1BF5;
	[smem:$0x3FB4] =	sst s0  }
0x18: {  	s0 =	sld [smem:$0x3F97];
	_ =	swait.ge [sflag:s4], $0x0  }
0x19: {  	s7 =	sld [smem:$0x3F98]  }
0x1a: {  	s8 =	sadd.s32 $0xFFFFE003, lr  }
0x1b: {  	s9 =	sadd.s32 $0xFFFFFEF7, lr;
	s5 =	simm.s32 $0xFFFFFFFF;
	p2 =	slt.u32 s8, $0xFFFFF086  }
0x1c: {  	p1 =	slt.u32 s9, $0xF7A;
	s5 =	simm.s32 @!p2 $0x0  }
0x1d: {  	s5 =	simm.s32 @p1 $0x1;
	p0 =	seq.s32 s7, s2  }
0x1e: {  	s7 =	smul.u32 @!p0 $0xF7A, s2;
	p2 =	seq.s32 @!p0 s5, $0x0  }
0x1f: {  	s9 =	smul.u32 $0xF7A, s1;
	s8 =	simm.s32 @!p0 $0x1BF5;
	p2 =	por !p2, p0  }
0x20: {  	[sflag:s8] =	ssyncset.s32 @!p0 $0xFFFFF086;
	s6 =	sadd.s32 @!p0 s3, s7;
	s7 =	simm.s32 @!p0 $0x108  }
0x21: {  	s3 =	sadd.s32 s3, s9;
	s6 =	sadd.s32 @!p0 $0x88, s6;
	s7 =	simm.s32 @p2 $0x1082  }
0x22: {  	[simem:s7], [sflag:s8] =	dma.local @!p0 [hbm:s6], $0xF7A  }
0x23: {  	s9 =	sor.u32 $0xD0000000, s2;
	s6 =	simm.s32 $0x108;
	_ =	swait.ge @!p0 [sflag:s8], $0x0  }
0x24: {  	s3 =	sadd.s32 $0x88, s3;
	s6 =	simm.s32 @!p1 $0x1082;
	[sflag:s4] =	ssyncset.s32 $0xFFFFF086  }
0x25: {  	[simem:s6], [sflag:s4] =	dma.local [hbm:s3], $0xF7A  }
0x26: {  	[smem:$0x3F98] =	sst s1;
	(tag) =	ssettag s2;
	_ =	strace s9  }
0x27: {  	s1 =	sld [smem:$0x3FA8]  }
0x28: {  	s2 =	sld [smem:$0x3FA9]  }
0x29: {  	s4 =	sld [smem:$0x3FAB]  }
0x2a: {  	p0 =	seq.s32 s5, $0x0;
	s5 =	sld [smem:$0x3FAC]  }
0x2b: {  	s6 =	sld [smem:$0x3FAD]  }
0x2c: {  	s7 =	sld [smem:$0x3FAE]  }
0x2d: {  	s3 =	simm.s32 $0x108;
	s8 =	sld [smem:$0x3FAF]  }
0x2e: {  	s3 =	simm.s32 @!p0 $0x1082;
	s9 =	sld [smem:$0x3FB0]  }
0x2f: {  	lr =	sadd.s32 s0, s3;
	s0 =	sld [smem:$0x3FA7]  }
0x30: {  	s3 =	sld [smem:$0x3FAA]  }
0x31: {  	[smem:$0x3FB3] =	sst s10  }
0x32: {  	s10 =	sld [smem:$0x3FB1];
	_ =	sdelay $0x3  }
0x33: {  	p0 =	seq.s32 s10, $0x1;
	s10 =	sld [smem:$0x3FB3];
	_ =	sdelay $0x3  }
0x34: {  	[smem:$0x3FB3] =	sst s10  }
0x35: {  	s10 =	sld [smem:$0x3FB2];
	_ =	sdelay $0x3  }
0x36: {  	p1 =	seq.s32 s10, $0x1;
	s10 =	sld [smem:$0x3FB3];
	_ =	sdelay $0x3  }
0x37: {  	[smem:$0x3FB3] =	sst s10  }
0x38: {  	s10 =	sld [smem:$0x3FB4]  }
0x39: {  	_ = 	snop;
	(pc) =	sbr.ind lr, $3  }
0x3a: {  	_ = 	snop  }
0x3b: {  	_ = 	snop  }
0x3c: {  	p2 =	seq.s32 s10, $0x1;
	s10 =	sld [smem:$0x3FB3]  }
0x3d: {  	_ =	shalt  }
0x3e: {  	_ =	shalt  }
0x3f: {  	_ =	shalt  }
0x40: {  	_ =	shalt  }
0x41: {  	_ =	shalt  }
0x42: {  	_ =	shalt  }
0x43: {  	_ =	shalt  }
0x44: {  	_ =	shalt  }
0x45: {  	_ =	shalt  }
0x46: {  	_ =	shalt  }
0x47: {  	_ =	shalt  }
0x48: {  	_ =	shalt  }
0x49: {  	_ =	shalt  }
0x4a: {  	_ =	shalt  }
0x4b: {  	_ =	shalt  }
0x4c: {  	_ =	shalt  }
0x4d: {  	_ =	shalt  }
0x4e: {  	_ =	shalt  }
0x4f: {  	_ =	shalt  }
0x50: {  	_ =	shalt  }
0x51: {  	_ =	shalt  }
0x52: {  	_ =	shalt  }
0x53: {  	_ =	shalt  }
0x54: {  	_ =	shalt  }
0x55: {  	_ =	shalt  }
0x56: {  	_ =	shalt  }
0x57: {  	_ =	shalt  }
0x58: {  	_ =	shalt  }
0x59: {  	_ =	shalt  }
0x5a: {  	_ =	shalt  }
0x5b: {  	_ =	shalt  }
0x5c: {  	_ =	shalt  }
0x5d: {  	_ =	shalt  }
0x5e: {  	_ =	shalt  }
0x5f: {  	_ =	shalt  }
0x60: {  	_ =	shalt  }
0x61: {  	_ =	shalt  }
0x62: {  	_ =	shalt  }
0x63: {  	_ =	shalt  }
0x64: {  	_ =	shalt  }
0x65: {  	_ =	shalt  }
0x66: {  	_ =	shalt  }
0x67: {  	_ =	shalt  }
0x68: {  	_ =	shalt  }
0x69: {  	_ =	shalt  }
0x6a: {  	_ =	shalt  }
0x6b: {  	_ =	shalt  }
0x6c: {  	_ =	shalt  }
0x6d: {  	_ =	shalt  }
0x6e: {  	_ =	shalt  }
0x6f: {  	_ =	shalt  }
0x70: {  	_ =	shalt  }
0x71: {  	_ =	shalt  }
0x72: {  	_ =	shalt  }
0x73: {  	_ =	shalt  }
0x74: {  	_ =	shalt  }
0x75: {  	_ =	shalt  }
0x76: {  	_ =	shalt  }
0x77: {  	_ =	shalt  }
0x78: {  	_ =	shalt  }
0x79: {  	_ =	shalt  }
0x7a: {  	_ =	shalt  }
0x7b: {  	_ =	shalt  }
0x7c: {  	_ =	shalt  }
0x7d: {  	_ =	shalt  }
0x7e: {  	_ =	shalt  }
0x7f: {  	_ =	shalt  }
0x80: {  	_ =	shalt  }
0x81: {  	_ =	shalt  }
0x82: {  	_ =	shalt  }
0x83: {  	_ =	shalt  }
0x84: {  	_ =	shalt  }
0x85: {  	_ =	shalt  }
0x86: {  	_ =	shalt  }
0x87: {  	_ =	shalt  }
.Lfunc_end0:
.L_simem_size_0:
called_computation_lowered:
.L_overlay_start_0:
0x88: {  	s2 =	sld [smem:$0x3FD9]  }
0x89: {  	s3 =	sld [smem:$0x3FFE];
	_ =	sdelay $0x1  }
0x8a: {  	s1 =	srdreg.scid  }
0x8b: {  	s0 =	sand.u32 $0x1, s1  }
0x8c: {  	s14 =	sshll.u32 s0, $0xA;
	s2 =	sadd.s32 s3, s2  }
0x8d: {  	s2 =	sadd.s32 s2, s14  }
0x8e: {  	[smem:$0x3FBF] =	sst s2  }
0x8f: {  	_ = 	snop  }
0x90: {  	s2 =	sld [smem:$0x3FD0];
	_ =	sdelay $0x2  }
0x91: {  	s4 =	simm.s32 $0xA;
	s5 =	simm.s32 $0x10;
	s15 =	sld [smem:$0x3FC9]  }
0x92: {  	[smem:s5], [sflag:s4] =	dma.local [hbm:s2], $0x1  }
0x93: {  	_ =	swait.eq [sflag:s4], $0x1  }
0x94: {  	[sflag:s4] =	ssyncset.done $0x0  }
0x95: {  	[sflag:s4] =	ssyncadd.s32 $0xFFFFFFFF  }
0x96: {  	s16 =	sld [smem:$0x11];
	(tm) =	ssettm $0x1  }
0x97: {  	s17 =	sld [smem:$0x3FFB];
	_ =	sdelay $0x3  }
0x98: {  	_ =	strace s17  }
0x99: {  	s4 =	sld [smem:$0x3FFC];
	_ =	sdelay $0x3  }
0x9a: {  	_ =	strace s4  }
0x9b: {  	s4 =	sld [smem:$0x3FFD];
	_ =	sdelay $0x3  }
0x9c: {  	_ =	strace s4  }
0x9d: {  	_ =	strace $0x8FFFFFFF  }
0x9e: {  	s18 =	sld [smem:$0x3FDB];
	_ =	sdelay $0x1  }
0x9f: {  	s19 =	simm.s32 $_scs_section_size  }
0xa0: {  	s6 =	simm.s32 $_size__tile_overlayer_lowered;
	s7 =	simm.s32 $_tile_overlayer_lowered  }
0xa1: {  	s22 =	simm.s32 $0x1BFF;
	s21 =	sshll.u32 s7, $0x1;
	s4 =	sadd.s32 s19, s18  }
0xa2: {  	s8 =	simm.s32 $0x0;
	s20 =	sshll.u32 s6, $0x1;
	s6 =	sadd.s32 s21, s4  }
0xa3: {  	[timem:s8], [sflag:s22] =	dma.local [hbm:s6], s20  }
0xa4: {  	_ =	swait.ge [sflag:s22], s20  }
0xa5: {  	s5 =	ssub.s32 $0x0, s20;
	[sflag:s22] =	ssyncset.done $0x0  }
0xa6: {  	[sflag:s22] =	ssyncadd.s32 s5;
	_ =	sdelay $0x1  }
0xa7: {  	s23 =	simm.s32 $0x1B8B  }
0xa8: {  	_ =	swait.ge [sflag:s23], $0x1  }
0xa9: {  	[sflag:s23] =	ssyncset.done $0x0  }
0xaa: {  	s25 =	simm.s32 $0x1B8E;
	s24 =	sld [smem:$0x3FFE];
	[sflag:s23] =	ssyncadd.s32 $0xFFFFFFFF  }
0xab: {  	s26 =	simm.s32 $execute0_lowered;
	[smem:$0x3FD2] =	sst s25  }
0xac: {  	s6 =	sshll.u32 s26, $0x1;
	_ =	strace $0x80000046;
	[dreg:$0x1] =	wrdreg $0xFFFFFFFF  }
0xad: {  	s28 =	simm.s32 $_size_execute0_lowered;
	s4 =	sadd.s32 s4, s6;
	[dreg:$0x0] =	wrdreg $0x0  }
0xae: {  	s6 =	sshll.u32 s28, $0x1;
	[dreg:$0x2] =	wrdreg s4  }
0xaf: {  	[dreg:$0x3] =	wrdreg s6  }
0xb0: {  	[dreg:$0x4] =	wrdreg $0xC0  }
0xb1: {  	_ =	task [dreg:s8], $0x5FFFF  }
0xb2: {  	[dreg:$0x1] =	wrdreg $0xFFFFFFFF  }
0xb3: {  	[dreg:$0x0] =	wrdreg $0x60  }
0xb4: {  	[dreg:$0x2] =	wrdreg s15  }
0xb5: {  	[dreg:$0x3] =	wrdreg s24  }
0xb6: {  	[dreg:$0x4] =	wrdreg s16  }
0xb7: {  	[dreg:$0x5] =	wrdreg $0x0  }
0xb8: {  	[dreg:$0x6] =	wrdreg $0x9  }
0xb9: {  	_ =	task.clear_ibuf [dreg:s8], $0x7FFFF;
	_ =	strace $0x90000046  }
0xba: {  	s29 =	simm.s32 $0x9;
	_ =	strace $0x80000048  }
0xbb: {  	_ =	swait.ge [sflag:s29], $0x1  }
0xbc: {  	[sflag:s29] =	ssyncadd.s32 $0xFFFFFFFF  }
0xbd: {  	_ =	strace $0x90000048  }
0xbe: {  	_ =	sfence  }
0xbf: {  	s30 =	sld [smem:$0x0];
	_ =	sdelay $0x2  }
0xc0: {  	s31 =	sshll.u32 s1, $0xD;
	s1 =	sshrl.u32 s1, $0x2  }
0xc1: {  	s3 =	sand.u32 $0x4000, s31;
	s1 =	sadd.s32 s1, s30  }
0xc2: {  	s0 =	sor.u32 s3, s0;
	s1 =	sshll.u32 s1, $0x11  }
0xc3: {  	s0 =	sor.u32 s1, s0  }
0xc4: {  	s0 =	sadd.s32 $0x8F2B, s0  }
0xc5: {  	[sflag:s0] =	ssyncadd.remote.s32 $0x1  }
0xc6: {  	_ =	sfence.sel $0xFFFF  }
0xc7: {  	[dreg:$0x0] =	wrdreg $0xFFFFFFFF;
	(pc) =	sbr.abs _section_cstart, $3  }
0xc8: {  	[dreg:$0x1] =	wrdreg $0xFFFFFFFF  }
0xc9: {  	_ =	task.clear_ibuf [dreg:s8], $0x2FFFF;
	_ =	strace $0x9FFFFFFF  }
0xca: {  	(tm) =	ssettm $0x7FFFFFFF  }
0xcb: {  	_ =	shalt  }
tec
execute0_lowered:
.L_overlay_start_1:
0x0: {  	(tag) =	ssettag $0x1  }
0x1: {  	s0 =	rddreg [dreg:$0x0]  }
0x2: {  	s1 =	rddreg [dreg:$0x1]  }
0x3: {  	s2 =	rddreg [dreg:$0x2];
	s13 =	stileid.u32  }
0x4: {  	s4 =	srdreg.scid;
	s6 =	smul.u32 $0x13800, s13  }
0x5: {  	s3 =	rddreg [dreg:$0x3];
	s28 =	simm.s32 $0x1;
	s17 =	smul.u32 $0x4E000, s13  }
0x6: {  	s29 =	simm.s32 $0x50;
	s8 =	sand.u32 $0x1, s4;
	s26 =	smul.u32 $0x2710, s13  }
0x7: {  	s30 =	simm.s32 $0x14180;
	s31 =	simm.s32 $0x19280;
	s5 =	smul.u32 $0x138800, s8  }
0x8: {  	s4 =	simm.s32 $0x0;
	s7 =	sshll.u32 s8, $0x4;
	s20 =	smul.u32 $0x27800, s8  }
0x9: {  	s18 =	ssub.s32 $0x2, s8;
	s8 =	smul.u32 $0x27100, s8;
	s7 =	sor.u32 s13, s7  }
0xa: {  	[smem:$0x7FF] =	sst s4;
	s5 =	sadd.s32 s6, s5;
	s7 =	smul.u32 $0x2710, s7  }
0xb: {  	_ =	strace $0x80000047;
	s8 =	sadd.s32 s26, s8;
	s9 =	sshrl.u32 s5, $0x3  }
0xc: {  	s5 =	sadd.s32 $0x2A00, s1;
	s26 =	sadd.s32 $0xF0, s8;
	s7 =	sshrl.u32 s7, $0x3  }
0xd: {  	s1 =	sadd.s32 s9, s1;
	[dreg:$0x17] =	wrdreg s26;
	s7 =	sadd.s32 s5, s7  }
0xe: {  	s11 =	sshrl.u32 s13, $0x3;
	s1 =	sadd.s32 $0x16400, s1;
	[dreg:$0xa] =	wrdreg s7  }
0xf: {  	s11 =	smul.u32 $0x13C00, s11;
	s19 =	sadd.s32 $0x9C40, s7;
	[dreg:$0x14] =	wrdreg s1  }
0x10: {  	s10 =	sshrl.u32 s18, $0x1;
	s12 =	sadd.s32 $0xA, s7;
	[dreg:$0xb] =	wrdreg s19  }
0x11: {  	s13 =	sshll.u32 s13, $0x7;
	s21 =	sadd.s32 $0x9C4A, s7;
	[dreg:$0xc] =	wrdreg s12  }
0x12: {  	s6 =	sshrl.u32 s17, $0x2;
	s22 =	sadd.s32 $0x14, s7;
	[dreg:$0xd] =	wrdreg s21  }
0x13: {  	s6 =	sadd.s32 s6, s3;
	s23 =	sadd.s32 $0x9C54, s7;
	[dreg:$0xe] =	wrdreg s22  }
0x14: {  	s9 =	ssub.s32 s18, s10;
	s24 =	sadd.s32 $0x4CE, s7;
	[dreg:$0xf] =	wrdreg s23  }
0x15: {  	s10 =	sadd.s32 s20, s11;
	s25 =	sadd.s32 $0xA10E, s7;
	[dreg:$0x10] =	wrdreg s24  }
0x16: {  	s18 =	sadd.s32 $0x140, s8;
	s14 =	sadd.s32 $0x4D8, s7;
	[dreg:$0x11] =	wrdreg s25  }
0x17: {  	s20 =	sadd.s32 $0x4E340, s8;
	s7 =	sadd.s32 $0xA118, s7;
	[dreg:$0x12] =	wrdreg s14  }
0x18: {  	s26 =	simm.s32 $0x16A00;
	s11 =	simm.s32 $0x3;
	[dreg:$0x13] =	wrdreg s7  }
0x19: {  	s7 =	sand.u32 $0x380, s13;
	s13 =	sadd.s32 $0x190, s8;
	s14 =	sadd.s32 $0x4E390, s8  }
0x1a: {  	s19 =	sshrl.u32 s18, $0x3;
	s21 =	sadd.s32 $0x4E2F0, s8;
	s24 =	smax.u32 s9, $0x1  }
0x1b: {  	s8 =	simm.s32 $0x16A80;
	s9 =	simm.s32 $0x2;
	s18 =	simm.s32 $0x0  }
0x1c: {  	s12 =	sor.u32 s7, s10;
	s10 =	sshrl.u32 s13, $0x3;
	s16 =	sshrl.u32 s14, $0x3  }
0x1d: {  	s23 =	sshrl.u32 s21, $0x3;
	[dreg:$0x16] =	wrdreg s24;
	s21 =	simm.s32 $0x13880  }
0x1e: {  	s24 =	simm.s32 $0x14100;
	s13 =	simm.s32 $0x19380;
	s14 =	simm.s32 $0x5  }
0x1f: {  	s1 =	sshrl.u32 s12, $0x3;
	s15 =	sadd.s32 s10, s5;
	s17 =	sadd.s32 s16, s5  }
0x20: {  	s25 =	sadd.s32 s23, s5;
	s23 =	simm.s32 $0x14080;
	s10 =	simm.s32 $0x1BB80  }
0x21: {  	s12 =	simm.s32 $0x7;
	s16 =	simm.s32 $0x8;
	[dreg:$0x5] =	wrdreg s15  }
0x22: {  	s1 =	sadd.s32 s2, s1;
	[dreg:$0x6] =	wrdreg s17;
	s2 =	sshrl.u32 s20, $0x3  }
0x23: {  	[dreg:$0x9] =	wrdreg s25;
	s25 =	simm.s32 $0x16980;
	s15 =	simm.s32 $0x6  }
0x24: {  	s17 =	simm.s32 $0x9;
	[dreg:$0x15] =	wrdreg s1;
	s1 =	sadd.s32 s19, s5  }
0x25: {  	s22 =	sadd.s32 s2, s5;
	s2 =	simm.s32 $0x4;
	[dreg:$0x7] =	wrdreg s1  }
0x26: {  	v0 =	vimm.f32 $0.0e+00;
	v1 =	vimm.f32 $1.000000000e+00;
	[dreg:$0x8] =	wrdreg s22;
	s22 =	simm.s32 $0xA;
	s1 =	simm.s32 $0x19300  }
.LBB2_1:
0x27: {  	s19 =	simm.s32 $0x0;
	s20 =	simm.s32 $0x200  }
.LBB2_2:
0x28: {  	p0 =	sne.s32 s20, $0x1E00;
	[tilespmem:s19+$0x138F0] =	vst v0  }
0x29: {  	[tilespmem:s19+$0x13880] =	vst v0  }
0x2a: {  	[tilespmem:s19+$0x13890] =	vst v0  }
.Ltmp0:
0x2b: {  	[tilespmem:s19+$0x138A0] =	vst v0;
	(pc) =	sbr.rel @p0 .LBB2_2-.Ltmp0, $4  }
0x2c: {  	[tilespmem:s19+$0x138B0] =	vst v0  }
0x2d: {  	[tilespmem:s19+$0x138C0] =	vst v0  }
0x2e: {  	[tilespmem:s19+$0x138D0] =	vst v0  }
0x2f: {  	[tilespmem:s19+$0x138E0] =	vst v0;
	s19 =	sshra.s32 s20, $0x2;
	s20 =	sadd.s32 $0x200, s20  }
0x30: {  	[tilespmem:s19+$0x138F0] =	vst v0  }
0x31: {  	[tilespmem:s19+$0x13880] =	vst v0  }
0x32: {  	[tilespmem:s19+$0x13890] =	vst v0  }
0x33: {  	[tilespmem:s19+$0x138A0] =	vst v0  }
0x34: {  	[tilespmem:s19+$0x138B0] =	vst v0  }
0x35: {  	[tilespmem:s19+$0x138C0] =	vst v0  }
0x36: {  	[tilespmem:s19+$0x138D0] =	vst v0  }
0x37: {  	[tilespmem:s19+$0x138E0] =	vst v0;
	s19 =	simm.s32 $0x40;
	s20 =	simm.s32 $0x0  }
.LBB2_4:
0x38: {  	p0 =	sne.s32 s19, $0x9C00;
	[tilespmem:s20+$0x1BB80] =	vst v0;
	s20 =	smov.u32 s19;
	s19 =	sadd.s32 $0x40, s19  }
.Ltmp1:
0x39: {  	(pc) =	sbr.rel @p0 .LBB2_4-.Ltmp1, $2  }
0x3a: {  	_ =	sdelay $0x2  }
0x3b: {  	s20 =	sshra.s32 s20, $0x2  }
0x3c: {  	[tilespmem:s20+$0x1BB80] =	vst v0;
	s19 =	sadd.s32 $0x0, s6  }
0x3d: {  	[spmem:s19] =	stream.linear.scatter [tilespmem:s21], [sflag:$0xA], $0x800, $0x38;
	[tilespmem:$0x1E300] =	vst v63  }
0x3e: {  	s19 =	simm.s32 $0x2000;
	_ =	swait.ge [sflag:s22], $0x800  }
.LBB2_6:
0x3f: {  	s20 =	sshra.s32 s19, $0x2;
	[sflag:s22] =	ssyncset.done $0x0;
	p0 =	sne.s32 s19, $0x4E000  }
.Ltmp2:
0x40: {  	s20 =	sadd.s32 s20, s6;
	[sflag:s22] =	ssyncadd.s32 $0xFFFFF800;
	(pc) =	sbr.rel @p0 .LBB2_6-.Ltmp2, $3  }
0x41: {  	[spmem:s20] =	stream.linear.scatter [tilespmem:s21], [sflag:$0xA], $0x800, $0x38;
	[tilespmem:$0x1E300] =	vst v63  }
0x42: {  	s19 =	sadd.s32 $0x2000, s19;
	_ =	sdelay $0x1  }
0x43: {  	_ =	swait.ge [sflag:s22], $0x800  }
0x44: {  	[sflag:s22] =	ssyncset.done $0x0  }
0x45: {  	[dreg:$0x18] =	wrdreg s18;
	[sflag:s22] =	ssyncadd.s32 $0xFFFFF800  }
0x46: {  	[bflag:$0x0] =	sbarrier.arrive $0xFFFF  }
0x47: {  	s19 =	simm.s32 $0x0;
	s7 =	rddreg [dreg:$0xa]  }
0x48: {  	[tilespmem:s23], [sflag:$0x1] =	stream.linear.gather [hbm4b:s7+s19], $0x50, $0x38;
	[tilespmem:$0x1E300] =	vst v63  }
0x49: {  	s20 =	rddreg [dreg:$0xb]  }
0x4a: {  	[tilespmem:s24], [sflag:$0x1] =	stream.linear.gather [hbm4b:s20+s19], $0x50, $0x38;
	[tilespmem:$0x1E300] =	vst v63  }
0x4b: {  	s18 =	rddreg [dreg:$0xc]  }
0x4c: {  	[tilespmem:s25], [sflag:$0x4] =	stream.linear.gather [hbm4b:s18+s19], $0x50, $0x38;
	[tilespmem:$0x1E300] =	vst v63  }
0x4d: {  	s20 =	rddreg [dreg:$0xd]  }
0x4e: {  	[tilespmem:s26], [sflag:$0x4] =	stream.linear.gather [hbm4b:s20+s19], $0x50, $0x38;
	[tilespmem:$0x1E300] =	vst v63  }
0x4f: {  	_ =	swait.ge [sflag:s28], $0x50  }
0x50: {  	[sflag:s28] =	ssyncset.done $0x0  }
0x51: {  	[sflag:s28] =	ssyncadd.s32 $0xFFFFFFB0  }
0x52: {  	_ =	swait.ge [sflag:s28], $0x50  }
0x53: {  	[sflag:s28] =	ssyncset.done $0x0  }
0x54: {  	[sflag:s28] =	ssyncadd.s32 $0xFFFFFFB0  }
0x55: {  	[tilespmem:s30], [sflag:$0x2] =	stream.indirect.gather [hbm4b:s0+s29], $0x80, s23, s29, $0xb8;
	[tilespmem:$0x1E300] =	vst v63  }
0x56: {  	s18 =	rddreg [dreg:$0xe]  }
0x57: {  	[tilespmem:s31], [sflag:$0x7] =	stream.linear.gather [hbm4b:s18+s19], $0x50, $0x38;
	[tilespmem:$0x1E300] =	vst v63  }
0x58: {  	s20 =	rddreg [dreg:$0xf]  }
0x59: {  	[tilespmem:s1], [sflag:$0x7] =	stream.linear.gather [hbm4b:s20+s19], $0x50, $0x38;
	[tilespmem:$0x1E300] =	vst v63  }
0x5a: {  	_ =	swait.ge [sflag:s2], $0x50  }
0x5b: {  	[sflag:s2] =	ssyncset.done $0x0  }
0x5c: {  	[sflag:s2] =	ssyncadd.s32 $0xFFFFFFB0  }
0x5d: {  	_ =	swait.ge [sflag:s2], $0x50  }
0x5e: {  	[sflag:s2] =	ssyncset.done $0x0  }
0x5f: {  	[sflag:s2] =	ssyncadd.s32 $0xFFFFFFB0  }
0x60: {  	[tilespmem:s8], [sflag:$0x5] =	stream.indirect.gather [hbm4b:s0+s29], $0x80, s25, s29, $0xb8;
	[tilespmem:$0x1E300] =	vst v63  }
0x61: {  	_ =	swait.ge [sflag:s9], $0x2800  }
0x62: {  	[sflag:s9] =	ssyncset.done $0x0  }
0x63: {  	[sflag:s9] =	ssyncadd.s32 $0xFFFFD800  }
0x64: {  	[spmem:s3] =	stream.indirect.scatter.add.f32 [tilespmem:s30], [sflag:$0x3], $0x80, s24, s29, $0xb8;
	[tilespmem:$0x1E300] =	vst v63  }
0x65: {  	v2 =	vld [tilespmem:$0x14100];
	_ =	sdelay $0x7  }
0x66: {  	[tilespmem:v2+s10+$0x0] =	vst.idx.add.f32.msk $0xffff, v1  }
0x67: {  	v2 =	vld [tilespmem:$0x14110];
	_ =	sdelay $0x7  }
0x68: {  	[tilespmem:v2+s10+$0x0] =	vst.idx.add.f32.msk $0xffff, v1  }
0x69: {  	v2 =	vld [tilespmem:$0x14120];
	_ =	sdelay $0x7  }
0x6a: {  	[tilespmem:v2+s10+$0x0] =	vst.idx.add.f32.msk $0xffff, v1  }
0x6b: {  	v2 =	vld [tilespmem:$0x14130];
	_ =	sdelay $0x7  }
0x6c: {  	[tilespmem:v2+s10+$0x0] =	vst.idx.add.f32.msk $0xffff, v1  }
0x6d: {  	v2 =	vld [tilespmem:$0x14140];
	_ =	sdelay $0x7  }
0x6e: {  	s20 =	rddreg [dreg:$0x17];
	[tilespmem:v2+s10+$0x0] =	vst.idx.add.f32.msk $0xffff, v1  }
.LBB2_8:
0x6f: {  	_ =	swait.ge [sflag:s11], $0x2800  }
0x70: {  	s7 =	sshrl.u32 s20, $0x3;
	[sflag:s11] =	ssyncset.done $0x0  }
0x71: {  	s18 =	rddreg [dreg:$0x9];
	s7 =	sadd.s32 s5, s7;
	[sflag:s11] =	ssyncadd.s32 $0xFFFFD800  }
0x72: {  	[tilespmem:s23], [sflag:$0x1] =	stream.linear.gather [hbm4b:s7+s4], $0x50, $0x38;
	[tilespmem:$0x1E300] =	vst v63  }
0x73: {  	s18 =	sadd.s32 s19, s18  }
0x74: {  	[tilespmem:s24], [sflag:$0x1] =	stream.linear.gather [hbm4b:s18+s4], $0x50, $0x38;
	[tilespmem:$0x1E300] =	vst v63  }
0x75: {  	_ =	swait.ge [sflag:s12], $0x50  }
0x76: {  	[sflag:s12] =	ssyncset.done $0x0  }
0x77: {  	[sflag:s12] =	ssyncadd.s32 $0xFFFFFFB0  }
0x78: {  	_ =	swait.ge [sflag:s12], $0x50  }
0x79: {  	[sflag:s12] =	ssyncset.done $0x0  }
0x7a: {  	[sflag:s12] =	ssyncadd.s32 $0xFFFFFFB0  }
0x7b: {  	[tilespmem:s13], [sflag:$0x8] =	stream.indirect.gather [hbm4b:s0+s29], $0x80, s31, s29, $0xb8;
	[tilespmem:$0x1E300] =	vst v63  }
0x7c: {  	_ =	swait.ge [sflag:s14], $0x2800  }
0x7d: {  	[sflag:s14] =	ssyncset.done $0x0  }
0x7e: {  	[sflag:s14] =	ssyncadd.s32 $0xFFFFD800  }
0x7f: {  	[spmem:s3] =	stream.indirect.scatter.add.f32 [tilespmem:s8], [sflag:$0x6], $0x80, s26, s29, $0xb8;
	[tilespmem:$0x1E300] =	vst v63  }
0x80: {  	v2 =	vld [tilespmem:$0x16A00];
	_ =	sdelay $0x7  }
0x81: {  	[tilespmem:v2+s10+$0x0] =	vst.idx.add.f32.msk $0xffff, v1  }
0x82: {  	v2 =	vld [tilespmem:$0x16A10];
	_ =	sdelay $0x7  }
0x83: {  	[tilespmem:v2+s10+$0x0] =	vst.idx.add.f32.msk $0xffff, v1  }
0x84: {  	v2 =	vld [tilespmem:$0x16A20];
	_ =	sdelay $0x7  }
0x85: {  	[tilespmem:v2+s10+$0x0] =	vst.idx.add.f32.msk $0xffff, v1  }
0x86: {  	v2 =	vld [tilespmem:$0x16A30];
	_ =	sdelay $0x7  }
0x87: {  	[tilespmem:v2+s10+$0x0] =	vst.idx.add.f32.msk $0xffff, v1  }
0x88: {  	v2 =	vld [tilespmem:$0x16A40];
	_ =	sdelay $0x7  }
0x89: {  	[tilespmem:v2+s10+$0x0] =	vst.idx.add.f32.msk $0xffff, v1  }
0x8a: {  	_ =	swait.ge [sflag:s15], $0x2800  }
0x8b: {  	s7 =	rddreg [dreg:$0x7];
	[sflag:s15] =	ssyncset.done $0x0  }
0x8c: {  	s18 =	rddreg [dreg:$0x8];
	[sflag:s15] =	ssyncadd.s32 $0xFFFFD800;
	s7 =	sadd.s32 s19, s7  }
0x8d: {  	[tilespmem:s25], [sflag:$0x4] =	stream.linear.gather [hbm4b:s7+s4], $0x50, $0x38;
	[tilespmem:$0x1E300] =	vst v63  }
0x8e: {  	s18 =	sadd.s32 s19, s18  }
0x8f: {  	[tilespmem:s26], [sflag:$0x4] =	stream.linear.gather [hbm4b:s18+s4], $0x50, $0x38;
	[tilespmem:$0x1E300] =	vst v63  }
0x90: {  	_ =	swait.ge [sflag:s28], $0x50  }
0x91: {  	[sflag:s28] =	ssyncset.done $0x0  }
0x92: {  	[sflag:s28] =	ssyncadd.s32 $0xFFFFFFB0  }
0x93: {  	_ =	swait.ge [sflag:s28], $0x50  }
0x94: {  	[sflag:s28] =	ssyncset.done $0x0  }
0x95: {  	[sflag:s28] =	ssyncadd.s32 $0xFFFFFFB0  }
0x96: {  	[tilespmem:s30], [sflag:$0x2] =	stream.indirect.gather [hbm4b:s0+s29], $0x80, s23, s29, $0xb8;
	[tilespmem:$0x1E300] =	vst v63  }
0x97: {  	_ =	swait.ge [sflag:s16], $0x2800  }
0x98: {  	[sflag:s16] =	ssyncset.done $0x0  }
0x99: {  	[sflag:s16] =	ssyncadd.s32 $0xFFFFD800  }
0x9a: {  	[spmem:s3] =	stream.indirect.scatter.add.f32 [tilespmem:s13], [sflag:$0x9], $0x80, s1, s29, $0xb8;
	[tilespmem:$0x1E300] =	vst v63  }
0x9b: {  	v2 =	vld [tilespmem:$0x19300];
	_ =	sdelay $0x7  }
0x9c: {  	[tilespmem:v2+s10+$0x0] =	vst.idx.add.f32.msk $0xffff, v1  }
0x9d: {  	v2 =	vld [tilespmem:$0x19310];
	_ =	sdelay $0x7  }
0x9e: {  	[tilespmem:v2+s10+$0x0] =	vst.idx.add.f32.msk $0xffff, v1  }
0x9f: {  	v2 =	vld [tilespmem:$0x19320];
	_ =	sdelay $0x7  }
0xa0: {  	[tilespmem:v2+s10+$0x0] =	vst.idx.add.f32.msk $0xffff, v1  }
0xa1: {  	v2 =	vld [tilespmem:$0x19330];
	_ =	sdelay $0x7  }
0xa2: {  	[tilespmem:v2+s10+$0x0] =	vst.idx.add.f32.msk $0xffff, v1  }
0xa3: {  	v2 =	vld [tilespmem:$0x19340];
	_ =	sdelay $0x7  }
0xa4: {  	[tilespmem:v2+s10+$0x0] =	vst.idx.add.f32.msk $0xffff, v1  }
0xa5: {  	_ =	swait.ge [sflag:s17], $0x2800  }
0xa6: {  	s7 =	rddreg [dreg:$0x5];
	[sflag:s17] =	ssyncset.done $0x0  }
0xa7: {  	s18 =	rddreg [dreg:$0x6];
	[sflag:s17] =	ssyncadd.s32 $0xFFFFD800;
	s7 =	sadd.s32 s19, s7  }
0xa8: {  	[tilespmem:s31], [sflag:$0x7] =	stream.linear.gather [hbm4b:s7+s4], $0x50, $0x38;
	[tilespmem:$0x1E300] =	vst v63  }
0xa9: {  	s18 =	sadd.s32 s19, s18  }
0xaa: {  	[tilespmem:s1], [sflag:$0x7] =	stream.linear.gather [hbm4b:s18+s4], $0x50, $0x38;
	[tilespmem:$0x1E300] =	vst v63  }
0xab: {  	_ =	swait.ge [sflag:s2], $0x50  }
0xac: {  	[sflag:s2] =	ssyncset.done $0x0  }
0xad: {  	[sflag:s2] =	ssyncadd.s32 $0xFFFFFFB0  }
0xae: {  	_ =	swait.ge [sflag:s2], $0x50  }
0xaf: {  	[sflag:s2] =	ssyncset.done $0x0  }
0xb0: {  	[sflag:s2] =	ssyncadd.s32 $0xFFFFFFB0  }
0xb1: {  	[tilespmem:s8], [sflag:$0x5] =	stream.indirect.gather [hbm4b:s0+s29], $0x80, s25, s29, $0xb8;
	[tilespmem:$0x1E300] =	vst v63  }
0xb2: {  	_ =	swait.ge [sflag:s9], $0x2800  }
0xb3: {  	[sflag:s9] =	ssyncset.done $0x0  }
0xb4: {  	[sflag:s9] =	ssyncadd.s32 $0xFFFFD800  }
0xb5: {  	[spmem:s3] =	stream.indirect.scatter.add.f32 [tilespmem:s30], [sflag:$0x3], $0x80, s24, s29, $0xb8;
	[tilespmem:$0x1E300] =	vst v63  }
0xb6: {  	v2 =	vld [tilespmem:$0x14100];
	_ =	sdelay $0x7  }
0xb7: {  	[tilespmem:v2+s10+$0x0] =	vst.idx.add.f32.msk $0xffff, v1  }
0xb8: {  	v2 =	vld [tilespmem:$0x14110];
	_ =	sdelay $0x7  }
0xb9: {  	[tilespmem:v2+s10+$0x0] =	vst.idx.add.f32.msk $0xffff, v1  }
0xba: {  	v2 =	vld [tilespmem:$0x14120];
	_ =	sdelay $0x7  }
0xbb: {  	[tilespmem:v2+s10+$0x0] =	vst.idx.add.f32.msk $0xffff, v1  }
0xbc: {  	v2 =	vld [tilespmem:$0x14130];
	_ =	sdelay $0x7  }
0xbd: {  	[tilespmem:v2+s10+$0x0] =	vst.idx.add.f32.msk $0xffff, v1  }
0xbe: {  	v2 =	vld [tilespmem:$0x14140];
	_ =	sdelay $0x2  }
0xbf: {  	p0 =	sne.s32 s19, $0x492  }
.Ltmp3:
0xc0: {  	_ = 	snop;
	(pc) =	sbr.rel @p0 .LBB2_8-.Ltmp3, $2  }
0xc1: {  	_ =	sdelay $0x2  }
0xc2: {  	s20 =	sadd.s32 $0xF0, s20;
	s19 =	sadd.s32 $0x1E, s19;
	[tilespmem:v2+s10+$0x0] =	vst.idx.add.f32.msk $0xffff, v1  }
0xc3: {  	_ =	swait.ge [sflag:s11], $0x2800  }
0xc4: {  	[sflag:s11] =	ssyncset.done $0x0  }
0xc5: {  	s7 =	rddreg [dreg:$0x10];
	[sflag:s11] =	ssyncadd.s32 $0xFFFFD800  }
0xc6: {  	[tilespmem:s23], [sflag:$0x1] =	stream.linear.gather [hbm4b:s7+s4], $0x50, $0x38;
	[tilespmem:$0x1E300] =	vst v63  }
0xc7: {  	s20 =	rddreg [dreg:$0x11]  }
0xc8: {  	[tilespmem:s24], [sflag:$0x1] =	stream.linear.gather [hbm4b:s20+s4], $0x50, $0x38;
	[tilespmem:$0x1E300] =	vst v63  }
0xc9: {  	_ =	swait.ge [sflag:s12], $0x50  }
0xca: {  	[sflag:s12] =	ssyncset.done $0x0  }
0xcb: {  	[sflag:s12] =	ssyncadd.s32 $0xFFFFFFB0  }
0xcc: {  	_ =	swait.ge [sflag:s12], $0x50  }
0xcd: {  	[sflag:s12] =	ssyncset.done $0x0  }
0xce: {  	[sflag:s12] =	ssyncadd.s32 $0xFFFFFFB0  }
0xcf: {  	[tilespmem:s13], [sflag:$0x8] =	stream.indirect.gather [hbm4b:s0+s29], $0x80, s31, s29, $0xb8;
	[tilespmem:$0x1E300] =	vst v63  }
0xd0: {  	_ =	swait.ge [sflag:s14], $0x2800  }
0xd1: {  	[sflag:s14] =	ssyncset.done $0x0  }
0xd2: {  	[sflag:s14] =	ssyncadd.s32 $0xFFFFD800  }
0xd3: {  	[spmem:s3] =	stream.indirect.scatter.add.f32 [tilespmem:s8], [sflag:$0x6], $0x80, s26, s29, $0xb8;
	[tilespmem:$0x1E300] =	vst v63  }
0xd4: {  	v2 =	vld [tilespmem:$0x16A00];
	_ =	sdelay $0x7  }
0xd5: {  	[tilespmem:v2+s10+$0x0] =	vst.idx.add.f32.msk $0xffff, v1  }
0xd6: {  	v2 =	vld [tilespmem:$0x16A10];
	_ =	sdelay $0x7  }
0xd7: {  	[tilespmem:v2+s10+$0x0] =	vst.idx.add.f32.msk $0xffff, v1  }
0xd8: {  	v2 =	vld [tilespmem:$0x16A20];
	_ =	sdelay $0x7  }
0xd9: {  	[tilespmem:v2+s10+$0x0] =	vst.idx.add.f32.msk $0xffff, v1  }
0xda: {  	v2 =	vld [tilespmem:$0x16A30];
	_ =	sdelay $0x7  }
0xdb: {  	[tilespmem:v2+s10+$0x0] =	vst.idx.add.f32.msk $0xffff, v1  }
0xdc: {  	v2 =	vld [tilespmem:$0x16A40];
	_ =	sdelay $0x7  }
0xdd: {  	[tilespmem:v2+s10+$0x0] =	vst.idx.add.f32.msk $0xffff, v1  }
0xde: {  	_ =	swait.ge [sflag:s15], $0x2800  }
0xdf: {  	[sflag:s15] =	ssyncset.done $0x0  }
0xe0: {  	s18 =	rddreg [dreg:$0x12];
	[sflag:s15] =	ssyncadd.s32 $0xFFFFD800  }
0xe1: {  	[tilespmem:s25], [sflag:$0x4] =	stream.linear.gather [hbm4b:s18+s4], $0x50, $0x38;
	[tilespmem:$0x1E300] =	vst v63  }
0xe2: {  	s19 =	rddreg [dreg:$0x13]  }
0xe3: {  	[tilespmem:s26], [sflag:$0x4] =	stream.linear.gather [hbm4b:s19+s4], $0x50, $0x38;
	[tilespmem:$0x1E300] =	vst v63  }
0xe4: {  	_ =	swait.ge [sflag:s28], $0x50  }
0xe5: {  	[sflag:s28] =	ssyncset.done $0x0  }
0xe6: {  	[sflag:s28] =	ssyncadd.s32 $0xFFFFFFB0  }
0xe7: {  	_ =	swait.ge [sflag:s28], $0x50  }
0xe8: {  	[sflag:s28] =	ssyncset.done $0x0  }
0xe9: {  	[sflag:s28] =	ssyncadd.s32 $0xFFFFFFB0  }
0xea: {  	[tilespmem:s30], [sflag:$0x2] =	stream.indirect.gather [hbm4b:s0+s29], $0x80, s23, s29, $0xb8;
	[tilespmem:$0x1E300] =	vst v63  }
0xeb: {  	_ =	swait.ge [sflag:s16], $0x2800  }
0xec: {  	[sflag:s16] =	ssyncset.done $0x0  }
0xed: {  	[sflag:s16] =	ssyncadd.s32 $0xFFFFD800  }
0xee: {  	[spmem:s3] =	stream.indirect.scatter.add.f32 [tilespmem:s13], [sflag:$0x9], $0x80, s1, s29, $0xb8;
	[tilespmem:$0x1E300] =	vst v63  }
0xef: {  	v2 =	vld [tilespmem:$0x19300];
	_ =	sdelay $0x7  }
0xf0: {  	[tilespmem:v2+s10+$0x0] =	vst.idx.add.f32.msk $0xffff, v1  }
0xf1: {  	v2 =	vld [tilespmem:$0x19310];
	_ =	sdelay $0x7  }
0xf2: {  	[tilespmem:v2+s10+$0x0] =	vst.idx.add.f32.msk $0xffff, v1  }
0xf3: {  	v2 =	vld [tilespmem:$0x19320];
	_ =	sdelay $0x7  }
0xf4: {  	[tilespmem:v2+s10+$0x0] =	vst.idx.add.f32.msk $0xffff, v1  }
0xf5: {  	v2 =	vld [tilespmem:$0x19330];
	_ =	sdelay $0x7  }
0xf6: {  	[tilespmem:v2+s10+$0x0] =	vst.idx.add.f32.msk $0xffff, v1  }
0xf7: {  	v2 =	vld [tilespmem:$0x19340];
	_ =	sdelay $0x7  }
0xf8: {  	[tilespmem:v2+s10+$0x0] =	vst.idx.add.f32.msk $0xffff, v1  }
0xf9: {  	_ =	swait.ge [sflag:s17], $0x2800  }
0xfa: {  	[sflag:s17] =	ssyncset.done $0x0  }
0xfb: {  	[sflag:s17] =	ssyncadd.s32 $0xFFFFD800  }
0xfc: {  	_ =	swait.ge [sflag:s2], $0x50  }
0xfd: {  	[sflag:s2] =	ssyncset.done $0x0  }
0xfe: {  	[sflag:s2] =	ssyncadd.s32 $0xFFFFFFB0  }
0xff: {  	_ =	swait.ge [sflag:s2], $0x50  }
0x100: {  	[sflag:s2] =	ssyncset.done $0x0  }
0x101: {  	[sflag:s2] =	ssyncadd.s32 $0xFFFFFFB0  }
0x102: {  	[tilespmem:s8], [sflag:$0x5] =	stream.indirect.gather [hbm4b:s0+s29], $0x80, s25, s29, $0xb8;
	[tilespmem:$0x1E300] =	vst v63  }
0x103: {  	_ =	swait.ge [sflag:s9], $0x2800  }
0x104: {  	[sflag:s9] =	ssyncset.done $0x0  }
0x105: {  	[sflag:s9] =	ssyncadd.s32 $0xFFFFD800  }
0x106: {  	[spmem:s3] =	stream.indirect.scatter.add.f32 [tilespmem:s30], [sflag:$0x3], $0x80, s24, s29, $0xb8;
	[tilespmem:$0x1E300] =	vst v63  }
0x107: {  	v2 =	vld [tilespmem:$0x14100];
	_ =	sdelay $0x7  }
0x108: {  	[tilespmem:v2+s10+$0x0] =	vst.idx.add.f32.msk $0xffff, v1  }
0x109: {  	v2 =	vld [tilespmem:$0x14110];
	_ =	sdelay $0x7  }
0x10a: {  	[tilespmem:v2+s10+$0x0] =	vst.idx.add.f32.msk $0xffff, v1  }
0x10b: {  	v2 =	vld [tilespmem:$0x14120];
	_ =	sdelay $0x7  }
0x10c: {  	[tilespmem:v2+s10+$0x0] =	vst.idx.add.f32.msk $0xffff, v1  }
0x10d: {  	v2 =	vld [tilespmem:$0x14130];
	_ =	sdelay $0x7  }
0x10e: {  	[tilespmem:v2+s10+$0x0] =	vst.idx.add.f32.msk $0xffff, v1  }
0x10f: {  	v2 =	vld [tilespmem:$0x14140];
	_ =	sdelay $0x7  }
0x110: {  	[tilespmem:v2+s10+$0x0] =	vst.idx.add.f32.msk $0xffff, v1  }
0x111: {  	_ =	swait.ge [sflag:s14], $0x2800  }
0x112: {  	[sflag:s14] =	ssyncset.done $0x0  }
0x113: {  	[sflag:s14] =	ssyncadd.s32 $0xFFFFD800  }
0x114: {  	[spmem:s3] =	stream.indirect.scatter.add.f32 [tilespmem:s8], [sflag:$0x6], $0x80, s26, s29, $0xb8;
	[tilespmem:$0x1E300] =	vst v63  }
0x115: {  	v2 =	vld [tilespmem:$0x16A00];
	_ =	sdelay $0x7  }
0x116: {  	[tilespmem:v2+s10+$0x0] =	vst.idx.add.f32.msk $0xffff, v1  }
0x117: {  	v2 =	vld [tilespmem:$0x16A10];
	_ =	sdelay $0x7  }
0x118: {  	[tilespmem:v2+s10+$0x0] =	vst.idx.add.f32.msk $0xffff, v1  }
0x119: {  	v2 =	vld [tilespmem:$0x16A20];
	_ =	sdelay $0x7  }
0x11a: {  	[tilespmem:v2+s10+$0x0] =	vst.idx.add.f32.msk $0xffff, v1  }
0x11b: {  	v2 =	vld [tilespmem:$0x16A30];
	_ =	sdelay $0x7  }
0x11c: {  	[tilespmem:v2+s10+$0x0] =	vst.idx.add.f32.msk $0xffff, v1  }
0x11d: {  	v2 =	vld [tilespmem:$0x16A40];
	_ =	sdelay $0x7  }
0x11e: {  	[tilespmem:v2+s10+$0x0] =	vst.idx.add.f32.msk $0xffff, v1  }
0x11f: {  	_ =	swait.ge [sflag:s11], $0x2800  }
0x120: {  	[sflag:s11] =	ssyncset.done $0x0  }
0x121: {  	[sflag:s11] =	ssyncadd.s32 $0xFFFFD800  }
0x122: {  	_ =	swait.ge [sflag:s15], $0x2800  }
0x123: {  	[sflag:s15] =	ssyncset.done $0x0  }
0x124: {  	s20 =	stileid.u32;
	[sflag:s15] =	ssyncadd.s32 $0xFFFFD800  }
0x125: {  	s7 =	sshll.u32 s20, $0x6;
	[bflag:$0x0] =	sbarrier.arrive $0xFFFF  }
0x126: {  	s7 =	sor.u32 $0x1C0A, s7;
	s18 =	sshrl.u32 s6, $0x3;
	s19 =	rddreg [dreg:$0x14]  }
0x127: {  	[hbm:s19], [sflag:s7] =	dma.local [spmem:s18], $0x2800  }
0x128: {  	_ =	swait.ge [sflag:s22], $0x2800  }
0x129: {  	s20 =	simm.s32 $0x400;
	[sflag:s22] =	ssyncset.done $0x0  }
0x12a: {  	s19 =	simm.s32 $0x80;
	s18 =	rddreg [dreg:$0x15];
	[sflag:s22] =	ssyncadd.s32 $0xFFFFD800  }
0x12b: {  	[hbm4b:s18+s19] =	stream.strided.scatter [tilespmem:s10], [sflag:$0xA], $0x2780, s20, s19, $0x38;
	[tilespmem:$0x1E300] =	vst v63  }
0x12c: {  	_ =	swait.ge [sflag:s22], $0x2780  }
0x12d: {  	s19 =	rddreg [dreg:$0x18]  }
0x12e: {  	s20 =	rddreg [dreg:$0x16];
	s18 =	sadd.s32 $0x1, s19  }
0x12f: {  	p0 =	sne.s32 s18, s20  }
.Ltmp4:
0x130: {  	_ = 	snop;
	(pc) =	sbr.rel @p0 .LBB2_1-.Ltmp4, $3  }
0x131: {  	_ =	sdelay $0x1  }
0x132: {  	[sflag:s22] =	ssyncset.done $0x0  }
0x133: {  	[sflag:s22] =	ssyncadd.s32 $0xFFFFD880  }
0x134: {  	_ =	sfence.sel $0x180000  }
0x135: {  	[bflag:$0x0] =	sbarrier.arrive $0xFFFF  }
0x136: {  	_ =	strace $0x90000047  }
0x137: {  	s0 =	stileid.u32;
	[bflag:$0x2] =	sbarrier.arrive $0xFFFF  }
0x138: {  	p0 =	sne.s32 s0, $0x0;
	s0 =	rddreg [dreg:$0x4]  }
0x139: {  	s0 =	sadd.s32 @!p0 $0x100000, s0  }
0x13a: {  	[sflag:s0] =	ssyncadd.tile.s32 @!p0 $0x1;
	_ =	shalt  }
.Lfunc_end2:
_tile_overlayer_lowered:
.L_overlay_start_2:
0x13b: {  	(tag) =	ssettag $0x2  }
0x13c: {  	s0 =	rddreg [dreg:$0x0];
	s2 =	stileid.u32  }
0x13d: {  	s1 =	rddreg [dreg:$0x1];
	p0 =	sne.s32 s2, $0x0  }
0x13e: {  	s3 =	rddreg [dreg:$0x2];
	[bflag:$0x3] =	sbarrier.arrive $0xFFFF;
	s2 =	simm.s32 @!p0 $0x1C0A  }
0x13f: {  	[timem:s3], [sflag:s2] =	dma.local @!p0 [hbm:s0], s1  }
0x140: {  	s0 =	simm.s32 @!p0 $0xA  }
0x141: {  	_ =	swait.ge @!p0 [sflag:s0], s1  }
0x142: {  	s1 =	ssub.s32 @!p0 $0x0, s1;
	[sflag:s0] =	ssyncset.done @!p0 $0x0  }
0x143: {  	[sflag:s0] =	ssyncadd.s32 @!p0 s1  }
0x144: {  	[bflag:$0x3] =	sbarrier.arrive $0xFFFF  }
0x145: {  	_ =	shalt  }

</sc_bundles>
